<compile_context>
chip_gen: v7x
topology: tpu7x:2x2x1
jax: 0.10.2.dev20260603
libtpu: 0.0.44.dev20260713+nightly
codegen_flags: <defaults>
</compile_context>

<pallas_src>
import functools

import jax
import jax.numpy as jnp
from jax import lax
from jax.experimental import pallas as pl
from jax.experimental.pallas import tpu as pltpu
from jax.experimental.pallas import tpu_sc as plsc

N = 10000
E = 320000
D = 128
L = 16
NV = D // L
NW = 32
SPW = 320
NPAD = NW * SPW
PTR_BUF = SPW + 16
PTR_PAD = (NW - 1) * SPW + PTR_BUF
K = 128
E_PAD = E + 4 * K
OB = 8


def _body(x_hbm, ptr_hbm, idx_hbm, out_hbm, ptr_v, cidx_v, rows_v, blk_v, ptr_s,
          x_sh, rsem, isem, osem):
    _NEG_INF = jnp.full((L,), -jnp.inf, dtype=jnp.float32)
    _ZERO = jnp.zeros((L,), dtype=jnp.float32)
    cid = lax.axis_index("c")
    sid = lax.axis_index("s")
    wid = sid * 2 + cid
    s0 = wid * SPW

    pltpu.sync_copy(ptr_hbm.at[pl.ds(s0, PTR_BUF)], ptr_v)
    for b in range(PTR_BUF // L):
        vec = ptr_v[pl.ds(b * L, L)]
        for l in range(L):
            ptr_s[b * L + l] = vec[l]

    RPS = NPAD // 16
    pltpu.sync_copy(x_hbm.at[pl.ds(sid * RPS, RPS)],
                    x_sh.at[pl.ds(sid * RPS, RPS)])
    plsc.subcore_barrier()

    e0 = ptr_s[0]
    eb = (e0 // 16) * 16

    def issue_idx(c, buf):
        pltpu.async_copy(
            idx_hbm.at[pl.ds(eb + c * K, K)], cidx_v.at[buf], isem)

    def wait_idx(buf):
        pltpu.make_async_copy(
            idx_hbm.at[pl.ds(eb, K)], cidx_v.at[buf], isem).wait()

    def issue_rows(buf):
        pltpu.async_copy(x_sh.at[cidx_v.at[buf]], rows_v.at[buf], rsem)

    def wait_rows(buf):
        pltpu.make_async_copy(
            x_sh.at[cidx_v.at[buf]], rows_v.at[buf], rsem).wait()

    issue_idx(0, 0)
    wait_idx(0)
    issue_rows(0)
    issue_idx(1, 1)

    def seg_body(i, cur_chunk):
        lo = ptr_s[i]
        hi = ptr_s[i + 1]
        c_lo = (lo - eb) // K
        c_hi = jnp.where(hi > lo, (hi - eb + (K - 1)) // K, c_lo)

        def chunk_body(c, carry):
            cur = carry[0]
            acc = list(carry[1:])
            par = c & 1
            nxt = 1 - par

            @pl.when(c != cur)
            def _():
                wait_rows(par)
                wait_idx(nxt)
                issue_rows(nxt)
                issue_idx(c + 2, par)

            cb = eb + c * K
            j0 = jnp.maximum(lo - cb, 0)
            j1 = jnp.minimum(hi - cb, K)

            def edge_body(j, a):
                return tuple(
                    jnp.maximum(a[v], rows_v[par, j, pl.ds(v * L, L)])
                    for v in range(NV))

            acc = lax.fori_loop(j0, j1, edge_body, tuple(acc))
            return (c,) + tuple(acc)

        init = (cur_chunk,) + (_NEG_INF,) * NV
        fin = lax.fori_loop(c_lo, c_hi, chunk_body, init)

        obuf = (i // OB) & 1
        orow = i % OB
        for v in range(NV):
            blk_v[obuf, orow, pl.ds(v * L, L)] = jnp.where(
                fin[1 + v] > _NEG_INF, fin[1 + v], _ZERO)

        @pl.when(orow == OB - 1)
        def _():
            blkid = i // OB

            @pl.when(blkid >= 2)
            def _():
                pltpu.make_async_copy(
                    blk_v.at[0], out_hbm.at[pl.ds(s0, OB)], osem).wait()

            pltpu.async_copy(
                blk_v.at[obuf], out_hbm.at[pl.ds(s0 + blkid * OB, OB)], osem)

        return fin[0]

    cur = lax.fori_loop(0, SPW, seg_body, jnp.int32(-1))

    pe = (cur + 1) & 1
    wait_rows(pe)
    wait_idx(1 - pe)
    pltpu.make_async_copy(blk_v.at[0], out_hbm.at[pl.ds(s0, OB)], osem).wait()
    pltpu.make_async_copy(blk_v.at[0], out_hbm.at[pl.ds(s0, OB)], osem).wait()


@jax.jit
def _launch(x, ptr_pad, idx_pad):
    mesh = plsc.VectorSubcoreMesh(core_axis_name="c", subcore_axis_name="s")
    f = pl.kernel(
        _body,
        mesh=mesh,
        out_type=jax.ShapeDtypeStruct((NPAD, D), jnp.float32),
        scratch_types=[
            pltpu.VMEM((PTR_BUF,), jnp.int32),
            pltpu.VMEM((2, K), jnp.int32),
            pltpu.VMEM((2, K, D), jnp.float32),
            pltpu.VMEM((2, OB, D), jnp.float32),
            pltpu.SMEM((PTR_BUF,), jnp.int32),
            pltpu.VMEM_SHARED((NPAD, D), jnp.float32),
            pltpu.SemaphoreType.DMA,
            pltpu.SemaphoreType.DMA,
            pltpu.SemaphoreType.DMA,
        ],
    )
    return f(x, ptr_pad, idx_pad)


def kernel(input, indptr, indices):
    x_pad = jnp.concatenate(
        [input, jnp.zeros((NPAD - N, D), dtype=input.dtype)])
    ptr_pad = jnp.concatenate(
        [indptr.astype(jnp.int32),
         jnp.full((PTR_PAD - (N + 1),), E, dtype=jnp.int32)])
    idx_pad = jnp.concatenate(
        [indices.astype(jnp.int32),
         jnp.zeros((E_PAD - E,), dtype=jnp.int32)])
    out_pad = _launch(x_pad, ptr_pad, idx_pad)
    return out_pad[:N]

# --- scband reference (transcript-rebuilt; emitter-appended) ---
"""Pipeline reference for scband-graph-max-pooling-42571715837959 (READ-ONLY COPY).

The authoritative reference and input builder live on the scoring server;
editing this copy changes nothing except your own understanding.
"""

import jax, jax.numpy as jnp
import numpy as np

N_NODES = 10000
N_EDGES = 320000
D_FEAT = 128


def setup_inputs(seed: int = 0) -> dict:
    key = jax.random.key(seed)
    k1, k2, k3 = jax.random.split(key, 3)
    x = jax.random.normal(k1, (N_NODES, D_FEAT), dtype=jnp.float32)
    # CSR row-pointer: sorted random interior values, clamped to start at 0 and end at N_EDGES
    inner = jnp.sort(jax.random.randint(k2, (N_NODES - 1,), 0, N_EDGES + 1)).astype(jnp.int32)
    indptr = jnp.concatenate([
        jnp.zeros((1,), dtype=jnp.int32),
        inner,
        jnp.full((1,), N_EDGES, dtype=jnp.int32),
    ])
    indices = jax.random.randint(k3, (N_EDGES,), 0, N_NODES).astype(jnp.int32)
    return {"input": x, "indptr": indptr, "indices": indices}


def reference(input, indptr, indices):
    # CSR graph max pooling: out[i] = max over e in [indptr[i], indptr[i+1]) of input[indices[e]]
    gathered = jnp.take(input, indices, axis=0)  # [E, d]
    edge_pos = jnp.arange(indices.shape[0])
    # segment id of edge e = number of indptr entries <= e, minus 1
    seg = jnp.searchsorted(indptr, edge_pos, side='right') - 1
    num_segments = indptr.shape[0] - 1
    out = jax.ops.segment_max(gathered, seg, num_segments=num_segments)
    # empty segments produce -inf identity; zero-fill them like typical CUDA kernels
    out = jnp.where(jnp.isfinite(out), out, jnp.zeros_like(out))
    return out

if __name__ == "__main__":
    import jax
    _d = setup_inputs()
    print(jax.jit(kernel)(*tuple(_d.values())))

</pallas_src>

<mosaic_0001>
#map = affine_map<(d0, d1) -> (0, 0)>
#map1 = affine_map<(d0, d1) -> (0)>
module attributes {stable_mosaic.version = 14 : i64} {
  func.func @_body(%arg0: i32, %arg1: i32, %arg2: memref<10240x128xf32, #tpu.memory_space<hbm>>, %arg3: memref<10256xi32, #tpu.memory_space<hbm>>, %arg4: memref<320512xi32, #tpu.memory_space<hbm>>, %arg5: memref<10240x128xf32, #tpu.memory_space<hbm>>, %arg6: memref<336xi32, #tpu.memory_space<vmem>>, %arg7: memref<2x128xi32, #tpu.memory_space<vmem>>, %arg8: memref<2x128x128xf32, #tpu.memory_space<vmem>>, %arg9: memref<2x8x128xf32, #tpu.memory_space<vmem>>, %arg10: memref<336xi32, #tpu.memory_space<smem>>, %arg11: memref<10240x128xf32, #tpu.memory_space<vmem_shared>>, %arg12: memref<!tpu.dma_semaphore, #tpu.memory_space<semaphore_mem>>, %arg13: memref<!tpu.dma_semaphore, #tpu.memory_space<semaphore_mem>>, %arg14: memref<!tpu.dma_semaphore, #tpu.memory_space<semaphore_mem>>) attributes {dimension_semantics = [#tpu.dimension_semantics<core_parallel>, #tpu.dimension_semantics<subcore_parallel>], iteration_bounds = array<i64: 2, 16>, scalar_prefetch = 0 : i64, scratch_operands = 9 : i64, tpu.core_type = #tpu.core_type<sc_vector_subcore>, window_params = [{transform_indices = #map}, {transform_indices = #map1}, {transform_indices = #map1}, {transform_indices = #map}]} {
    %broadcast_in_dim3A = arith.constant 0xFF800000 : f32
    %broadcast_in_dim3A_0 = vector.broadcast %broadcast_in_dim3A : f32 to vector<16xf32>
    %broadcast_in_dim3A_1 = arith.constant 0.000000e+00 : f32
    %broadcast_in_dim3A_2 = vector.broadcast %broadcast_in_dim3A_1 : f32 to vector<16xf32>
    %mul3A = arith.constant 2 : i32
    %mul3A_3 = arith.muli %arg1, %mul3A : i32
    %add3A = arith.addi %mul3A_3, %arg0 : i32
    %mul3A_4 = arith.constant 320 : i32
    %mul3A_5 = arith.muli %add3A, %mul3A_4 : i32
    "tpu.region"() ({
      %run_scoped3A = tpu.sem_alloc : memref<!tpu.dma_semaphore, #tpu.memory_space<semaphore_mem>>
      %dma_start3A_1867 = tpu.memref_slice %arg3[%mul3A_5] : memref<10256xi32, #tpu.memory_space<hbm>> -> memref<336xi32, #tpu.memory_space<hbm>>
      %dma_start3A_1868 = tpu.memref_slice %arg3[%mul3A_5] : memref<10256xi32, #tpu.memory_space<hbm>> -> memref<336xi32, #tpu.memory_space<hbm>>
      tpu.enqueue_dma source(%dma_start3A_1868 : memref<336xi32, #tpu.memory_space<hbm>>) target(%arg6 : memref<336xi32, #tpu.memory_space<vmem>>) target_semaphore(%run_scoped3A : memref<!tpu.dma_semaphore, #tpu.memory_space<semaphore_mem>>)
      %dma_wait3A_1869 = tpu.memref_slice %arg3[%mul3A_5] : memref<10256xi32, #tpu.memory_space<hbm>> -> memref<336xi32, #tpu.memory_space<hbm>>
      %dma_wait3A_1870 = tpu.memref_slice %arg3[%mul3A_5] : memref<10256xi32, #tpu.memory_space<hbm>> -> memref<336xi32, #tpu.memory_space<hbm>>
      tpu.wait_dma2 semaphore(%run_scoped3A : memref<!tpu.dma_semaphore, #tpu.memory_space<semaphore_mem>>) src(%dma_wait3A_1870 : memref<336xi32, #tpu.memory_space<hbm>>) dst(%arg6 : memref<336xi32, #tpu.memory_space<vmem>>)
      tpu.yield
    }) : () -> ()
    %get3A = arith.constant 0 : index
    %get3A_6 = tpu.vector_load %arg6[%get3A] {strides = array<i32>} : memref<336xi32, #tpu.memory_space<vmem>>, vector<16xi32>,
    %get3A_7 = vector.shape_cast %get3A_6 : vector<16xi32> to vector<16xi32>
    %slice3A = vector.extract_strided_slice %get3A_7 {offsets = [0], sizes = [1], strides = [1]} : vector<16xi32> to vector<1xi32>
    %squeeze3A = vector.extract %slice3A[0] : i32 from vector<1xi32>
    %swap3A = arith.constant 0 : i32
    %swap3A_8 = arith.index_cast %swap3A : i32 to index
    %swap3A_9 = memref.load %arg10[%swap3A_8] : memref<336xi32, #tpu.memory_space<smem>>
    memref.store %squeeze3A, %arg10[%swap3A_8] : memref<336xi32, #tpu.memory_space<smem>>
    %slice3A_10 = vector.extract_strided_slice %get3A_7 {offsets = [1], sizes = [1], strides = [1]} : vector<16xi32> to vector<1xi32>
    %squeeze3A_11 = vector.extract %slice3A_10[0] : i32 from vector<1xi32>
    %swap3A_12 = arith.constant 1 : i32
    %swap3A_13 = arith.index_cast %swap3A_12 : i32 to index
    %swap3A_14 = memref.load %arg10[%swap3A_13] : memref<336xi32, #tpu.memory_space<smem>>
    memref.store %squeeze3A_11, %arg10[%swap3A_13] : memref<336xi32, #tpu.memory_space<smem>>
    %slice3A_15 = vector.extract_strided_slice %get3A_7 {offsets = [2], sizes = [1], strides = [1]} : vector<16xi32> to vector<1xi32>
    %squeeze3A_16 = vector.extract %slice3A_15[0] : i32 from vector<1xi32>
    %swap3A_17 = arith.constant 2 : i32
    %swap3A_18 = arith.index_cast %swap3A_17 : i32 to index
    %swap3A_19 = memref.load %arg10[%swap3A_18] : memref<336xi32, #tpu.memory_space<smem>>
    memref.store %squeeze3A_16, %arg10[%swap3A_18] : memref<336xi32, #tpu.memory_space<smem>>
    %slice3A_20 = vector.extract_strided_slice %get3A_7 {offsets = [3], sizes = [1], strides = [1]} : vector<16xi32> to vector<1xi32>
    %squeeze3A_21 = vector.extract %slice3A_20[0] : i32 from vector<1xi32>
    %swap3A_22 = arith.constant 3 : i32
    %swap3A_23 = arith.index_cast %swap3A_22 : i32 to index
    %swap3A_24 = memref.load %arg10[%swap3A_23] : memref<336xi32, #tpu.memory_space<smem>>
    memref.store %squeeze3A_21, %arg10[%swap3A_23] : memref<336xi32, #tpu.memory_space<smem>>
    %slice3A_25 = vector.extract_strided_slice %get3A_7 {offsets = [4], sizes = [1], strides = [1]} : vector<16xi32> to vector<1xi32>
    %squeeze3A_26 = vector.extract %slice3A_25[0] : i32 from vector<1xi32>
    %swap3A_27 = arith.constant 4 : i32
    %swap3A_28 = arith.index_cast %swap3A_27 : i32 to index
    %swap3A_29 = memref.load %arg10[%swap3A_28] : memref<336xi32, #tpu.memory_space<smem>>
    memref.store %squeeze3A_26, %arg10[%swap3A_28] : memref<336xi32, #tpu.memory_space<smem>>
    %slice3A_30 = vector.extract_strided_slice %get3A_7 {offsets = [5], sizes = [1], strides = [1]} : vector<16xi32> to vector<1xi32>
    %squeeze3A_31 = vector.extract %slice3A_30[0] : i32 from vector<1xi32>
    %swap3A_32 = arith.constant 5 : i32
    %swap3A_33 = arith.index_cast %swap3A_32 : i32 to index
    %swap3A_34 = memref.load %arg10[%swap3A_33] : memref<336xi32, #tpu.memory_space<smem>>
    memref.store %squeeze3A_31, %arg10[%swap3A_33] : memref<336xi32, #tpu.memory_space<smem>>
    %slice3A_35 = vector.extract_strided_slice %get3A_7 {offsets = [6], sizes = [1], strides = [1]} : vector<16xi32> to vector<1xi32>
    %squeeze3A_36 = vector.extract %slice3A_35[0] : i32 from vector<1xi32>
    %swap3A_37 = arith.constant 6 : i32
    %swap3A_38 = arith.index_cast %swap3A_37 : i32 to index
    %swap3A_39 = memref.load %arg10[%swap3A_38] : memref<336xi32, #tpu.memory_space<smem>>
    memref.store %squeeze3A_36, %arg10[%swap3A_38] : memref<336xi32, #tpu.memory_space<smem>>
    %slice3A_40 = vector.extract_strided_slice %get3A_7 {offsets = [7], sizes = [1], strides = [1]} : vector<16xi32> to vector<1xi32>
    %squeeze3A_41 = vector.extract %slice3A_40[0] : i32 from vector<1xi32>
    %swap3A_42 = arith.constant 7 : i32
    %swap3A_43 = arith.index_cast %swap3A_42 : i32 to index
    %swap3A_44 = memref.load %arg10[%swap3A_43] : memref<336xi32, #tpu.memory_space<smem>>
    memref.store %squeeze3A_41, %arg10[%swap3A_43] : memref<336xi32, #tpu.memory_space<smem>>
    %slice3A_45 = vector.extract_strided_slice %get3A_7 {offsets = [8], sizes = [1], strides = [1]} : vector<16xi32> to vector<1xi32>
    %squeeze3A_46 = vector.extract %slice3A_45[0] : i32 from vector<1xi32>
    %swap3A_47 = arith.constant 8 : i32
    %swap3A_48 = arith.index_cast %swap3A_47 : i32 to index
    %swap3A_49 = memref.load %arg10[%swap3A_48] : memref<336xi32, #tpu.memory_space<smem>>
    memref.store %squeeze3A_46, %arg10[%swap3A_48] : memref<336xi32, #tpu.memory_space<smem>>
    %slice3A_50 = vector.extract_strided_slice %get3A_7 {offsets = [9], sizes = [1], strides = [1]} : vector<16xi32> to vector<1xi32>
    %squeeze3A_51 = vector.extract %slice3A_50[0] : i32 from vector<1xi32>
    %swap3A_52 = arith.constant 9 : i32
    %swap3A_53 = arith.index_cast %swap3A_52 : i32 to index
    %swap3A_54 = memref.load %arg10[%swap3A_53] : memref<336xi32, #tpu.memory_space<smem>>
    memref.store %squeeze3A_51, %arg10[%swap3A_53] : memref<336xi32, #tpu.memory_space<smem>>
    %slice3A_55 = vector.extract_strided_slice %get3A_7 {offsets = [10], sizes = [1], strides = [1]} : vector<16xi32> to vector<1xi32>
    %squeeze3A_56 = vector.extract %slice3A_55[0] : i32 from vector<1xi32>
    %swap3A_57 = arith.constant 10 : i32
    %swap3A_58 = arith.index_cast %swap3A_57 : i32 to index
    %swap3A_59 = memref.load %arg10[%swap3A_58] : memref<336xi32, #tpu.memory_space<smem>>
    memref.store %squeeze3A_56, %arg10[%swap3A_58] : memref<336xi32, #tpu.memory_space<smem>>
    %slice3A_60 = vector.extract_strided_slice %get3A_7 {offsets = [11], sizes = [1], strides = [1]} : vector<16xi32> to vector<1xi32>
    %squeeze3A_61 = vector.extract %slice3A_60[0] : i32 from vector<1xi32>
    %swap3A_62 = arith.constant 11 : i32
    %swap3A_63 = arith.index_cast %swap3A_62 : i32 to index
    %swap3A_64 = memref.load %arg10[%swap3A_63] : memref<336xi32, #tpu.memory_space<smem>>
    memref.store %squeeze3A_61, %arg10[%swap3A_63] : memref<336xi32, #tpu.memory_space<smem>>
    %slice3A_65 = vector.extract_strided_slice %get3A_7 {offsets = [12], sizes = [1], strides = [1]} : vector<16xi32> to vector<1xi32>
    %squeeze3A_66 = vector.extract %slice3A_65[0] : i32 from vector<1xi32>
    %swap3A_67 = arith.constant 12 : i32
    %swap3A_68 = arith.index_cast %swap3A_67 : i32 to index
    %swap3A_69 = memref.load %arg10[%swap3A_68] : memref<336xi32, #tpu.memory_space<smem>>
    memref.store %squeeze3A_66, %arg10[%swap3A_68] : memref<336xi32, #tpu.memory_space<smem>>
    %slice3A_70 = vector.extract_strided_slice %get3A_7 {offsets = [13], sizes = [1], strides = [1]} : vector<16xi32> to vector<1xi32>
    %squeeze3A_71 = vector.extract %slice3A_70[0] : i32 from vector<1xi32>
    %swap3A_72 = arith.constant 13 : i32
    %swap3A_73 = arith.index_cast %swap3A_72 : i32 to index
    %swap3A_74 = memref.load %arg10[%swap3A_73] : memref<336xi32, #tpu.memory_space<smem>>
    memref.store %squeeze3A_71, %arg10[%swap3A_73] : memref<336xi32, #tpu.memory_space<smem>>
    %slice3A_75 = vector.extract_strided_slice %get3A_7 {offsets = [14], sizes = [1], strides = [1]} : vector<16xi32> to vector<1xi32>
    %squeeze3A_76 = vector.extract %slice3A_75[0] : i32 from vector<1xi32>
    %swap3A_77 = arith.constant 14 : i32
    %swap3A_78 = arith.index_cast %swap3A_77 : i32 to index
    %swap3A_79 = memref.load %arg10[%swap3A_78] : memref<336xi32, #tpu.memory_space<smem>>
    memref.store %squeeze3A_76, %arg10[%swap3A_78] : memref<336xi32, #tpu.memory_space<smem>>
    %slice3A_80 = vector.extract_strided_slice %get3A_7 {offsets = [15], sizes = [1], strides = [1]} : vector<16xi32> to vector<1xi32>
    %squeeze3A_81 = vector.extract %slice3A_80[0] : i32 from vector<1xi32>
    %swap3A_82 = arith.constant 15 : i32
    %swap3A_83 = arith.index_cast %swap3A_82 : i32 to index
    %swap3A_84 = memref.load %arg10[%swap3A_83] : memref<336xi32, #tpu.memory_space<smem>>
    memref.store %squeeze3A_81, %arg10[%swap3A_83] : memref<336xi32, #tpu.memory_space<smem>>
    %get3A_85 = arith.constant 16 : index
    %get3A_86 = tpu.vector_load %arg6[%get3A_85] {strides = array<i32>} : memref<336xi32, #tpu.memory_space<vmem>>, vector<16xi32>,
    %get3A_87 = vector.shape_cast %get3A_86 : vector<16xi32> to vector<16xi32>
    %slice3A_88 = vector.extract_strided_slice %get3A_87 {offsets = [0], sizes = [1], strides = [1]} : vector<16xi32> to vector<1xi32>
    %squeeze3A_89 = vector.extract %slice3A_88[0] : i32 from vector<1xi32>
    %swap3A_90 = arith.constant 16 : i32
    %swap3A_91 = arith.index_cast %swap3A_90 : i32 to index
    %swap3A_92 = memref.load %arg10[%swap3A_91] : memref<336xi32, #tpu.memory_space<smem>>
    memref.store %squeeze3A_89, %arg10[%swap3A_91] : memref<336xi32, #tpu.memory_space<smem>>
    %slice3A_93 = vector.extract_strided_slice %get3A_87 {offsets = [1], sizes = [1], strides = [1]} : vector<16xi32> to vector<1xi32>
    %squeeze3A_94 = vector.extract %slice3A_93[0] : i32 from vector<1xi32>
    %swap3A_95 = arith.constant 17 : i32
    %swap3A_96 = arith.index_cast %swap3A_95 : i32 to index
    %swap3A_97 = memref.load %arg10[%swap3A_96] : memref<336xi32, #tpu.memory_space<smem>>
    memref.store %squeeze3A_94, %arg10[%swap3A_96] : memref<336xi32, #tpu.memory_space<smem>>
    %slice3A_98 = vector.extract_strided_slice %get3A_87 {offsets = [2], sizes = [1], strides = [1]} : vector<16xi32> to vector<1xi32>
    %squeeze3A_99 = vector.extract %slice3A_98[0] : i32 from vector<1xi32>
    %swap3A_100 = arith.constant 18 : i32
    %swap3A_101 = arith.index_cast %swap3A_100 : i32 to index
    %swap3A_102 = memref.load %arg10[%swap3A_101] : memref<336xi32, #tpu.memory_space<smem>>
    memref.store %squeeze3A_99, %arg10[%swap3A_101] : memref<336xi32, #tpu.memory_space<smem>>
    %slice3A_103 = vector.extract_strided_slice %get3A_87 {offsets = [3], sizes = [1], strides = [1]} : vector<16xi32> to vector<1xi32>
    %squeeze3A_104 = vector.extract %slice3A_103[0] : i32 from vector<1xi32>
    %swap3A_105 = arith.constant 19 : i32
    %swap3A_106 = arith.index_cast %swap3A_105 : i32 to index
    %swap3A_107 = memref.load %arg10[%swap3A_106] : memref<336xi32, #tpu.memory_space<smem>>
    memref.store %squeeze3A_104, %arg10[%swap3A_106] : memref<336xi32, #tpu.memory_space<smem>>
    %slice3A_108 = vector.extract_strided_slice %get3A_87 {offsets = [4], sizes = [1], strides = [1]} : vector<16xi32> to vector<1xi32>
    %squeeze3A_109 = vector.extract %slice3A_108[0] : i32 from vector<1xi32>
    %swap3A_110 = arith.constant 20 : i32
    %swap3A_111 = arith.index_cast %swap3A_110 : i32 to index
    %swap3A_112 = memref.load %arg10[%swap3A_111] : memref<336xi32, #tpu.memory_space<smem>>
    memref.store %squeeze3A_109, %arg10[%swap3A_111] : memref<336xi32, #tpu.memory_space<smem>>
    %slice3A_113 = vector.extract_strided_slice %get3A_87 {offsets = [5], sizes = [1], strides = [1]} : vector<16xi32> to vector<1xi32>
    %squeeze3A_114 = vector.extract %slice3A_113[0] : i32 from vector<1xi32>
    %swap3A_115 = arith.constant 21 : i32
    %swap3A_116 = arith.index_cast %swap3A_115 : i32 to index
    %swap3A_117 = memref.load %arg10[%swap3A_116] : memref<336xi32, #tpu.memory_space<smem>>
    memref.store %squeeze3A_114, %arg10[%swap3A_116] : memref<336xi32, #tpu.memory_space<smem>>
    %slice3A_118 = vector.extract_strided_slice %get3A_87 {offsets = [6], sizes = [1], strides = [1]} : vector<16xi32> to vector<1xi32>
    %squeeze3A_119 = vector.extract %slice3A_118[0] : i32 from vector<1xi32>
    %swap3A_120 = arith.constant 22 : i32
    %swap3A_121 = arith.index_cast %swap3A_120 : i32 to index
    %swap3A_122 = memref.load %arg10[%swap3A_121] : memref<336xi32, #tpu.memory_space<smem>>
    memref.store %squeeze3A_119, %arg10[%swap3A_121] : memref<336xi32, #tpu.memory_space<smem>>
    %slice3A_123 = vector.extract_strided_slice %get3A_87 {offsets = [7], sizes = [1], strides = [1]} : vector<16xi32> to vector<1xi32>
    %squeeze3A_124 = vector.extract %slice3A_123[0] : i32 from vector<1xi32>
    %swap3A_125 = arith.constant 23 : i32
    %swap3A_126 = arith.index_cast %swap3A_125 : i32 to index
    %swap3A_127 = memref.load %arg10[%swap3A_126] : memref<336xi32, #tpu.memory_space<smem>>
    memref.store %squeeze3A_124, %arg10[%swap3A_126] : memref<336xi32, #tpu.memory_space<smem>>
    %slice3A_128 = vector.extract_strided_slice %get3A_87 {offsets = [8], sizes = [1], strides = [1]} : vector<16xi32> to vector<1xi32>
    %squeeze3A_129 = vector.extract %slice3A_128[0] : i32 from vector<1xi32>
    %swap3A_130 = arith.constant 24 : i32
    %swap3A_131 = arith.index_cast %swap3A_130 : i32 to index
    %swap3A_132 = memref.load %arg10[%swap3A_131] : memref<336xi32, #tpu.memory_space<smem>>
    memref.store %squeeze3A_129, %arg10[%swap3A_131] : memref<336xi32, #tpu.memory_space<smem>>
    %slice3A_133 = vector.extract_strided_slice %get3A_87 {offsets = [9], sizes = [1], strides = [1]} : vector<16xi32> to vector<1xi32>
    %squeeze3A_134 = vector.extract %slice3A_133[0] : i32 from vector<1xi32>
    %swap3A_135 = arith.constant 25 : i32
    %swap3A_136 = arith.index_cast %swap3A_135 : i32 to index
    %swap3A_137 = memref.load %arg10[%swap3A_136] : memref<336xi32, #tpu.memory_space<smem>>
    memref.store %squeeze3A_134, %arg10[%swap3A_136] : memref<336xi32, #tpu.memory_space<smem>>
    %slice3A_138 = vector.extract_strided_slice %get3A_87 {offsets = [10], sizes = [1], strides = [1]} : vector<16xi32> to vector<1xi32>
    %squeeze3A_139 = vector.extract %slice3A_138[0] : i32 from vector<1xi32>
    %swap3A_140 = arith.constant 26 : i32
    %swap3A_141 = arith.index_cast %swap3A_140 : i32 to index
    %swap3A_142 = memref.load %arg10[%swap3A_141] : memref<336xi32, #tpu.memory_space<smem>>
    memref.store %squeeze3A_139, %arg10[%swap3A_141] : memref<336xi32, #tpu.memory_space<smem>>
    %slice3A_143 = vector.extract_strided_slice %get3A_87 {offsets = [11], sizes = [1], strides = [1]} : vector<16xi32> to vector<1xi32>
    %squeeze3A_144 = vector.extract %slice3A_143[0] : i32 from vector<1xi32>
    %swap3A_145 = arith.constant 27 : i32
    %swap3A_146 = arith.index_cast %swap3A_145 : i32 to index
    %swap3A_147 = memref.load %arg10[%swap3A_146] : memref<336xi32, #tpu.memory_space<smem>>
    memref.store %squeeze3A_144, %arg10[%swap3A_146] : memref<336xi32, #tpu.memory_space<smem>>
    %slice3A_148 = vector.extract_strided_slice %get3A_87 {offsets = [12], sizes = [1], strides = [1]} : vector<16xi32> to vector<1xi32>
    %squeeze3A_149 = vector.extract %slice3A_148[0] : i32 from vector<1xi32>
    %swap3A_150 = arith.constant 28 : i32
    %swap3A_151 = arith.index_cast %swap3A_150 : i32 to index
    %swap3A_152 = memref.load %arg10[%swap3A_151] : memref<336xi32, #tpu.memory_space<smem>>
    memref.store %squeeze3A_149, %arg10[%swap3A_151] : memref<336xi32, #tpu.memory_space<smem>>
    %slice3A_153 = vector.extract_strided_slice %get3A_87 {offsets = [13], sizes = [1], strides = [1]} : vector<16xi32> to vector<1xi32>
    %squeeze3A_154 = vector.extract %slice3A_153[0] : i32 from vector<1xi32>
    %swap3A_155 = arith.constant 29 : i32
    %swap3A_156 = arith.index_cast %swap3A_155 : i32 to index
    %swap3A_157 = memref.load %arg10[%swap3A_156] : memref<336xi32, #tpu.memory_space<smem>>
    memref.store %squeeze3A_154, %arg10[%swap3A_156] : memref<336xi32, #tpu.memory_space<smem>>
    %slice3A_158 = vector.extract_strided_slice %get3A_87 {offsets = [14], sizes = [1], strides = [1]} : vector<16xi32> to vector<1xi32>
    %squeeze3A_159 = vector.extract %slice3A_158[0] : i32 from vector<1xi32>
    %swap3A_160 = arith.constant 30 : i32
    %swap3A_161 = arith.index_cast %swap3A_160 : i32 to index
    %swap3A_162 = memref.load %arg10[%swap3A_161] : memref<336xi32, #tpu.memory_space<smem>>
    memref.store %squeeze3A_159, %arg10[%swap3A_161] : memref<336xi32, #tpu.memory_space<smem>>
    %slice3A_163 = vector.extract_strided_slice %get3A_87 {offsets = [15], sizes = [1], strides = [1]} : vector<16xi32> to vector<1xi32>
    %squeeze3A_164 = vector.extract %slice3A_163[0] : i32 from vector<1xi32>
    %swap3A_165 = arith.constant 31 : i32
    %swap3A_166 = arith.index_cast %swap3A_165 : i32 to index
    %swap3A_167 = memref.load %arg10[%swap3A_166] : memref<336xi32, #tpu.memory_space<smem>>
    memref.store %squeeze3A_164, %arg10[%swap3A_166] : memref<336xi32, #tpu.memory_space<smem>>
    %get3A_168 = arith.constant 32 : index
    %get3A_169 = tpu.vector_load %arg6[%get3A_168] {strides = array<i32>} : memref<336xi32, #tpu.memory_space<vmem>>, vector<16xi32>,
    %get3A_170 = vector.shape_cast %get3A_169 : vector<16xi32> to vector<16xi32>
    %slice3A_171 = vector.extract_strided_slice %get3A_170 {offsets = [0], sizes = [1], strides = [1]} : vector<16xi32> to vector<1xi32>
    %squeeze3A_172 = vector.extract %slice3A_171[0] : i32 from vector<1xi32>
    %swap3A_173 = arith.constant 32 : i32
    %swap3A_174 = arith.index_cast %swap3A_173 : i32 to index
    %swap3A_175 = memref.load %arg10[%swap3A_174] : memref<336xi32, #tpu.memory_space<smem>>
    memref.store %squeeze3A_172, %arg10[%swap3A_174] : memref<336xi32, #tpu.memory_space<smem>>
    %slice3A_176 = vector.extract_strided_slice %get3A_170 {offsets = [1], sizes = [1], strides = [1]} : vector<16xi32> to vector<1xi32>
    %squeeze3A_177 = vector.extract %slice3A_176[0] : i32 from vector<1xi32>
    %swap3A_178 = arith.constant 33 : i32
    %swap3A_179 = arith.index_cast %swap3A_178 : i32 to index
    %swap3A_180 = memref.load %arg10[%swap3A_179] : memref<336xi32, #tpu.memory_space<smem>>
    memref.store %squeeze3A_177, %arg10[%swap3A_179] : memref<336xi32, #tpu.memory_space<smem>>
    %slice3A_181 = vector.extract_strided_slice %get3A_170 {offsets = [2], sizes = [1], strides = [1]} : vector<16xi32> to vector<1xi32>
    %squeeze3A_182 = vector.extract %slice3A_181[0] : i32 from vector<1xi32>
    %swap3A_183 = arith.constant 34 : i32
    %swap3A_184 = arith.index_cast %swap3A_183 : i32 to index
    %swap3A_185 = memref.load %arg10[%swap3A_184] : memref<336xi32, #tpu.memory_space<smem>>
    memref.store %squeeze3A_182, %arg10[%swap3A_184] : memref<336xi32, #tpu.memory_space<smem>>
    %slice3A_186 = vector.extract_strided_slice %get3A_170 {offsets = [3], sizes = [1], strides = [1]} : vector<16xi32> to vector<1xi32>
    %squeeze3A_187 = vector.extract %slice3A_186[0] : i32 from vector<1xi32>
    %swap3A_188 = arith.constant 35 : i32
    %swap3A_189 = arith.index_cast %swap3A_188 : i32 to index
    %swap3A_190 = memref.load %arg10[%swap3A_189] : memref<336xi32, #tpu.memory_space<smem>>
    memref.store %squeeze3A_187, %arg10[%swap3A_189] : memref<336xi32, #tpu.memory_space<smem>>
    %slice3A_191 = vector.extract_strided_slice %get3A_170 {offsets = [4], sizes = [1], strides = [1]} : vector<16xi32> to vector<1xi32>
    %squeeze3A_192 = vector.extract %slice3A_191[0] : i32 from vector<1xi32>
    %swap3A_193 = arith.constant 36 : i32
    %swap3A_194 = arith.index_cast %swap3A_193 : i32 to index
    %swap3A_195 = memref.load %arg10[%swap3A_194] : memref<336xi32, #tpu.memory_space<smem>>
    memref.store %squeeze3A_192, %arg10[%swap3A_194] : memref<336xi32, #tpu.memory_space<smem>>
    %slice3A_196 = vector.extract_strided_slice %get3A_170 {offsets = [5], sizes = [1], strides = [1]} : vector<16xi32> to vector<1xi32>
    %squeeze3A_197 = vector.extract %slice3A_196[0] : i32 from vector<1xi32>
    %swap3A_198 = arith.constant 37 : i32
    %swap3A_199 = arith.index_cast %swap3A_198 : i32 to index
    %swap3A_200 = memref.load %arg10[%swap3A_199] : memref<336xi32, #tpu.memory_space<smem>>
    memref.store %squeeze3A_197, %arg10[%swap3A_199] : memref<336xi32, #tpu.memory_space<smem>>
    %slice3A_201 = vector.extract_strided_slice %get3A_170 {offsets = [6], sizes = [1], strides = [1]} : vector<16xi32> to vector<1xi32>
    %squeeze3A_202 = vector.extract %slice3A_201[0] : i32 from vector<1xi32>
    %swap3A_203 = arith.constant 38 : i32
    %swap3A_204 = arith.index_cast %swap3A_203 : i32 to index
    %swap3A_205 = memref.load %arg10[%swap3A_204] : memref<336xi32, #tpu.memory_space<smem>>
    memref.store %squeeze3A_202, %arg10[%swap3A_204] : memref<336xi32, #tpu.memory_space<smem>>
    %slice3A_206 = vector.extract_strided_slice %get3A_170 {offsets = [7], sizes = [1], strides = [1]} : vector<16xi32> to vector<1xi32>
    %squeeze3A_207 = vector.extract %slice3A_206[0] : i32 from vector<1xi32>
    %swap3A_208 = arith.constant 39 : i32
    %swap3A_209 = arith.index_cast %swap3A_208 : i32 to index
    %swap3A_210 = memref.load %arg10[%swap3A_209] : memref<336xi32, #tpu.memory_space<smem>>
    memref.store %squeeze3A_207, %arg10[%swap3A_209] : memref<336xi32, #tpu.memory_space<smem>>
    %slice3A_211 = vector.extract_strided_slice %get3A_170 {offsets = [8], sizes = [1], strides = [1]} : vector<16xi32> to vector<1xi32>
    %squeeze3A_212 = vector.extract %slice3A_211[0] : i32 from vector<1xi32>
    %swap3A_213 = arith.constant 40 : i32
    %swap3A_214 = arith.index_cast %swap3A_213 : i32 to index
    %swap3A_215 = memref.load %arg10[%swap3A_214] : memref<336xi32, #tpu.memory_space<smem>>
    memref.store %squeeze3A_212, %arg10[%swap3A_214] : memref<336xi32, #tpu.memory_space<smem>>
    %slice3A_216 = vector.extract_strided_slice %get3A_170 {offsets = [9], sizes = [1], strides = [1]} : vector<16xi32> to vector<1xi32>
    %squeeze3A_217 = vector.extract %slice3A_216[0] : i32 from vector<1xi32>
    %swap3A_218 = arith.constant 41 : i32
    %swap3A_219 = arith.index_cast %swap3A_218 : i32 to index
    %swap3A_220 = memref.load %arg10[%swap3A_219] : memref<336xi32, #tpu.memory_space<smem>>
    memref.store %squeeze3A_217, %arg10[%swap3A_219] : memref<336xi32, #tpu.memory_space<smem>>
    %slice3A_221 = vector.extract_strided_slice %get3A_170 {offsets = [10], sizes = [1], strides = [1]} : vector<16xi32> to vector<1xi32>
    %squeeze3A_222 = vector.extract %slice3A_221[0] : i32 from vector<1xi32>
    %swap3A_223 = arith.constant 42 : i32
    %swap3A_224 = arith.index_cast %swap3A_223 : i32 to index
    %swap3A_225 = memref.load %arg10[%swap3A_224] : memref<336xi32, #tpu.memory_space<smem>>
    memref.store %squeeze3A_222, %arg10[%swap3A_224] : memref<336xi32, #tpu.memory_space<smem>>
    %slice3A_226 = vector.extract_strided_slice %get3A_170 {offsets = [11], sizes = [1], strides = [1]} : vector<16xi32> to vector<1xi32>
    %squeeze3A_227 = vector.extract %slice3A_226[0] : i32 from vector<1xi32>
    %swap3A_228 = arith.constant 43 : i32
    %swap3A_229 = arith.index_cast %swap3A_228 : i32 to index
    %swap3A_230 = memref.load %arg10[%swap3A_229] : memref<336xi32, #tpu.memory_space<smem>>
    memref.store %squeeze3A_227, %arg10[%swap3A_229] : memref<336xi32, #tpu.memory_space<smem>>
    %slice3A_231 = vector.extract_strided_slice %get3A_170 {offsets = [12], sizes = [1], strides = [1]} : vector<16xi32> to vector<1xi32>
    %squeeze3A_232 = vector.extract %slice3A_231[0] : i32 from vector<1xi32>
    %swap3A_233 = arith.constant 44 : i32
    %swap3A_234 = arith.index_cast %swap3A_233 : i32 to index
    %swap3A_235 = memref.load %arg10[%swap3A_234] : memref<336xi32, #tpu.memory_space<smem>>
    memref.store %squeeze3A_232, %arg10[%swap3A_234] : memref<336xi32, #tpu.memory_space<smem>>
    %slice3A_236 = vector.extract_strided_slice %get3A_170 {offsets = [13], sizes = [1], strides = [1]} : vector<16xi32> to vector<1xi32>
    %squeeze3A_237 = vector.extract %slice3A_236[0] : i32 from vector<1xi32>
    %swap3A_238 = arith.constant 45 : i32
    %swap3A_239 = arith.index_cast %swap3A_238 : i32 to index
    %swap3A_240 = memref.load %arg10[%swap3A_239] : memref<336xi32, #tpu.memory_space<smem>>
    memref.store %squeeze3A_237, %arg10[%swap3A_239] : memref<336xi32, #tpu.memory_space<smem>>
    %slice3A_241 = vector.extract_strided_slice %get3A_170 {offsets = [14], sizes = [1], strides = [1]} : vector<16xi32> to vector<1xi32>
    %squeeze3A_242 = vector.extract %slice3A_241[0] : i32 from vector<1xi32>
    %swap3A_243 = arith.constant 46 : i32
    %swap3A_244 = arith.index_cast %swap3A_243 : i32 to index
    %swap3A_245 = memref.load %arg10[%swap3A_244] : memref<336xi32, #tpu.memory_space<smem>>
    memref.store %squeeze3A_242, %arg10[%swap3A_244] : memref<336xi32, #tpu.memory_space<smem>>
    %slice3A_246 = vector.extract_strided_slice %get3A_170 {offsets = [15], sizes = [1], strides = [1]} : vector<16xi32> to vector<1xi32>
    %squeeze3A_247 = vector.extract %slice3A_246[0] : i32 from vector<1xi32>
    %swap3A_248 = arith.constant 47 : i32
    %swap3A_249 = arith.index_cast %swap3A_248 : i32 to index
    %swap3A_250 = memref.load %arg10[%swap3A_249] : memref<336xi32, #tpu.memory_space<smem>>
    memref.store %squeeze3A_247, %arg10[%swap3A_249] : memref<336xi32, #tpu.memory_space<smem>>
    %get3A_251 = arith.constant 48 : index
    %get3A_252 = tpu.vector_load %arg6[%get3A_251] {strides = array<i32>} : memref<336xi32, #tpu.memory_space<vmem>>, vector<16xi32>,
    %get3A_253 = vector.shape_cast %get3A_252 : vector<16xi32> to vector<16xi32>
    %slice3A_254 = vector.extract_strided_slice %get3A_253 {offsets = [0], sizes = [1], strides = [1]} : vector<16xi32> to vector<1xi32>
    %squeeze3A_255 = vector.extract %slice3A_254[0] : i32 from vector<1xi32>
    %swap3A_256 = arith.constant 48 : i32
    %swap3A_257 = arith.index_cast %swap3A_256 : i32 to index
    %swap3A_258 = memref.load %arg10[%swap3A_257] : memref<336xi32, #tpu.memory_space<smem>>
    memref.store %squeeze3A_255, %arg10[%swap3A_257] : memref<336xi32, #tpu.memory_space<smem>>
    %slice3A_259 = vector.extract_strided_slice %get3A_253 {offsets = [1], sizes = [1], strides = [1]} : vector<16xi32> to vector<1xi32>
    %squeeze3A_260 = vector.extract %slice3A_259[0] : i32 from vector<1xi32>
    %swap3A_261 = arith.constant 49 : i32
    %swap3A_262 = arith.index_cast %swap3A_261 : i32 to index
    %swap3A_263 = memref.load %arg10[%swap3A_262] : memref<336xi32, #tpu.memory_space<smem>>
    memref.store %squeeze3A_260, %arg10[%swap3A_262] : memref<336xi32, #tpu.memory_space<smem>>
    %slice3A_264 = vector.extract_strided_slice %get3A_253 {offsets = [2], sizes = [1], strides = [1]} : vector<16xi32> to vector<1xi32>
    %squeeze3A_265 = vector.extract %slice3A_264[0] : i32 from vector<1xi32>
    %swap3A_266 = arith.constant 50 : i32
    %swap3A_267 = arith.index_cast %swap3A_266 : i32 to index
    %swap3A_268 = memref.load %arg10[%swap3A_267] : memref<336xi32, #tpu.memory_space<smem>>
    memref.store %squeeze3A_265, %arg10[%swap3A_267] : memref<336xi32, #tpu.memory_space<smem>>
    %slice3A_269 = vector.extract_strided_slice %get3A_253 {offsets = [3], sizes = [1], strides = [1]} : vector<16xi32> to vector<1xi32>
    %squeeze3A_270 = vector.extract %slice3A_269[0] : i32 from vector<1xi32>
    %swap3A_271 = arith.constant 51 : i32
    %swap3A_272 = arith.index_cast %swap3A_271 : i32 to index
    %swap3A_273 = memref.load %arg10[%swap3A_272] : memref<336xi32, #tpu.memory_space<smem>>
    memref.store %squeeze3A_270, %arg10[%swap3A_272] : memref<336xi32, #tpu.memory_space<smem>>
    %slice3A_274 = vector.extract_strided_slice %get3A_253 {offsets = [4], sizes = [1], strides = [1]} : vector<16xi32> to vector<1xi32>
    %squeeze3A_275 = vector.extract %slice3A_274[0] : i32 from vector<1xi32>
    %swap3A_276 = arith.constant 52 : i32
    %swap3A_277 = arith.index_cast %swap3A_276 : i32 to index
    %swap3A_278 = memref.load %arg10[%swap3A_277] : memref<336xi32, #tpu.memory_space<smem>>
    memref.store %squeeze3A_275, %arg10[%swap3A_277] : memref<336xi32, #tpu.memory_space<smem>>
    %slice3A_279 = vector.extract_strided_slice %get3A_253 {offsets = [5], sizes = [1], strides = [1]} : vector<16xi32> to vector<1xi32>
    %squeeze3A_280 = vector.extract %slice3A_279[0] : i32 from vector<1xi32>
    %swap3A_281 = arith.constant 53 : i32
    %swap3A_282 = arith.index_cast %swap3A_281 : i32 to index
    %swap3A_283 = memref.load %arg10[%swap3A_282] : memref<336xi32, #tpu.memory_space<smem>>
    memref.store %squeeze3A_280, %arg10[%swap3A_282] : memref<336xi32, #tpu.memory_space<smem>>
    %slice3A_284 = vector.extract_strided_slice %get3A_253 {offsets = [6], sizes = [1], strides = [1]} : vector<16xi32> to vector<1xi32>
    %squeeze3A_285 = vector.extract %slice3A_284[0] : i32 from vector<1xi32>
    %swap3A_286 = arith.constant 54 : i32
    %swap3A_287 = arith.index_cast %swap3A_286 : i32 to index
    %swap3A_288 = memref.load %arg10[%swap3A_287] : memref<336xi32, #tpu.memory_space<smem>>
    memref.store %squeeze3A_285, %arg10[%swap3A_287] : memref<336xi32, #tpu.memory_space<smem>>
    %slice3A_289 = vector.extract_strided_slice %get3A_253 {offsets = [7], sizes = [1], strides = [1]} : vector<16xi32> to vector<1xi32>
    %squeeze3A_290 = vector.extract %slice3A_289[0] : i32 from vector<1xi32>
    %swap3A_291 = arith.constant 55 : i32
    %swap3A_292 = arith.index_cast %swap3A_291 : i32 to index
    %swap3A_293 = memref.load %arg10[%swap3A_292] : memref<336xi32, #tpu.memory_space<smem>>
    memref.store %squeeze3A_290, %arg10[%swap3A_292] : memref<336xi32, #tpu.memory_space<smem>>
    %slice3A_294 = vector.extract_strided_slice %get3A_253 {offsets = [8], sizes = [1], strides = [1]} : vector<16xi32> to vector<1xi32>
    %squeeze3A_295 = vector.extract %slice3A_294[0] : i32 from vector<1xi32>
    %swap3A_296 = arith.constant 56 : i32
    %swap3A_297 = arith.index_cast %swap3A_296 : i32 to index
    %swap3A_298 = memref.load %arg10[%swap3A_297] : memref<336xi32, #tpu.memory_space<smem>>
    memref.store %squeeze3A_295, %arg10[%swap3A_297] : memref<336xi32, #tpu.memory_space<smem>>
    %slice3A_299 = vector.extract_strided_slice %get3A_253 {offsets = [9], sizes = [1], strides = [1]} : vector<16xi32> to vector<1xi32>
    %squeeze3A_300 = vector.extract %slice3A_299[0] : i32 from vector<1xi32>
    %swap3A_301 = arith.constant 57 : i32
    %swap3A_302 = arith.index_cast %swap3A_301 : i32 to index
    %swap3A_303 = memref.load %arg10[%swap3A_302] : memref<336xi32, #tpu.memory_space<smem>>
    memref.store %squeeze3A_300, %arg10[%swap3A_302] : memref<336xi32, #tpu.memory_space<smem>>
    %slice3A_304 = vector.extract_strided_slice %get3A_253 {offsets = [10], sizes = [1], strides = [1]} : vector<16xi32> to vector<1xi32>
    %squeeze3A_305 = vector.extract %slice3A_304[0] : i32 from vector<1xi32>
    %swap3A_306 = arith.constant 58 : i32
    %swap3A_307 = arith.index_cast %swap3A_306 : i32 to index
    %swap3A_308 = memref.load %arg10[%swap3A_307] : memref<336xi32, #tpu.memory_space<smem>>
    memref.store %squeeze3A_305, %arg10[%swap3A_307] : memref<336xi32, #tpu.memory_space<smem>>
    %slice3A_309 = vector.extract_strided_slice %get3A_253 {offsets = [11], sizes = [1], strides = [1]} : vector<16xi32> to vector<1xi32>
    %squeeze3A_310 = vector.extract %slice3A_309[0] : i32 from vector<1xi32>
    %swap3A_311 = arith.constant 59 : i32
    %swap3A_312 = arith.index_cast %swap3A_311 : i32 to index
    %swap3A_313 = memref.load %arg10[%swap3A_312] : memref<336xi32, #tpu.memory_space<smem>>
    memref.store %squeeze3A_310, %arg10[%swap3A_312] : memref<336xi32, #tpu.memory_space<smem>>
    %slice3A_314 = vector.extract_strided_slice %get3A_253 {offsets = [12], sizes = [1], strides = [1]} : vector<16xi32> to vector<1xi32>
    %squeeze3A_315 = vector.extract %slice3A_314[0] : i32 from vector<1xi32>
    %swap3A_316 = arith.constant 60 : i32
    %swap3A_317 = arith.index_cast %swap3A_316 : i32 to index
    %swap3A_318 = memref.load %arg10[%swap3A_317] : memref<336xi32, #tpu.memory_space<smem>>
    memref.store %squeeze3A_315, %arg10[%swap3A_317] : memref<336xi32, #tpu.memory_space<smem>>
    %slice3A_319 = vector.extract_strided_slice %get3A_253 {offsets = [13], sizes = [1], strides = [1]} : vector<16xi32> to vector<1xi32>
    %squeeze3A_320 = vector.extract %slice3A_319[0] : i32 from vector<1xi32>
    %swap3A_321 = arith.constant 61 : i32
    %swap3A_322 = arith.index_cast %swap3A_321 : i32 to index
    %swap3A_323 = memref.load %arg10[%swap3A_322] : memref<336xi32, #tpu.memory_space<smem>>
    memref.store %squeeze3A_320, %arg10[%swap3A_322] : memref<336xi32, #tpu.memory_space<smem>>
    %slice3A_324 = vector.extract_strided_slice %get3A_253 {offsets = [14], sizes = [1], strides = [1]} : vector<16xi32> to vector<1xi32>
    %squeeze3A_325 = vector.extract %slice3A_324[0] : i32 from vector<1xi32>
    %swap3A_326 = arith.constant 62 : i32
    %swap3A_327 = arith.index_cast %swap3A_326 : i32 to index
    %swap3A_328 = memref.load %arg10[%swap3A_327] : memref<336xi32, #tpu.memory_space<smem>>
    memref.store %squeeze3A_325, %arg10[%swap3A_327] : memref<336xi32, #tpu.memory_space<smem>>
    %slice3A_329 = vector.extract_strided_slice %get3A_253 {offsets = [15], sizes = [1], strides = [1]} : vector<16xi32> to vector<1xi32>
    %squeeze3A_330 = vector.extract %slice3A_329[0] : i32 from vector<1xi32>
    %swap3A_331 = arith.constant 63 : i32
    %swap3A_332 = arith.index_cast %swap3A_331 : i32 to index
    %swap3A_333 = memref.load %arg10[%swap3A_332] : memref<336xi32, #tpu.memory_space<smem>>
    memref.store %squeeze3A_330, %arg10[%swap3A_332] : memref<336xi32, #tpu.memory_space<smem>>
    %get3A_334 = arith.constant 64 : index
    %get3A_335 = tpu.vector_load %arg6[%get3A_334] {strides = array<i32>} : memref<336xi32, #tpu.memory_space<vmem>>, vector<16xi32>,
    %get3A_336 = vector.shape_cast %get3A_335 : vector<16xi32> to vector<16xi32>
    %slice3A_337 = vector.extract_strided_slice %get3A_336 {offsets = [0], sizes = [1], strides = [1]} : vector<16xi32> to vector<1xi32>
    %squeeze3A_338 = vector.extract %slice3A_337[0] : i32 from vector<1xi32>
    %swap3A_339 = arith.constant 64 : i32
    %swap3A_340 = arith.index_cast %swap3A_339 : i32 to index
    %swap3A_341 = memref.load %arg10[%swap3A_340] : memref<336xi32, #tpu.memory_space<smem>>
    memref.store %squeeze3A_338, %arg10[%swap3A_340] : memref<336xi32, #tpu.memory_space<smem>>
    %slice3A_342 = vector.extract_strided_slice %get3A_336 {offsets = [1], sizes = [1], strides = [1]} : vector<16xi32> to vector<1xi32>
    %squeeze3A_343 = vector.extract %slice3A_342[0] : i32 from vector<1xi32>
    %swap3A_344 = arith.constant 65 : i32
    %swap3A_345 = arith.index_cast %swap3A_344 : i32 to index
    %swap3A_346 = memref.load %arg10[%swap3A_345] : memref<336xi32, #tpu.memory_space<smem>>
    memref.store %squeeze3A_343, %arg10[%swap3A_345] : memref<336xi32, #tpu.memory_space<smem>>
    %slice3A_347 = vector.extract_strided_slice %get3A_336 {offsets = [2], sizes = [1], strides = [1]} : vector<16xi32> to vector<1xi32>
    %squeeze3A_348 = vector.extract %slice3A_347[0] : i32 from vector<1xi32>
    %swap3A_349 = arith.constant 66 : i32
    %swap3A_350 = arith.index_cast %swap3A_349 : i32 to index
    %swap3A_351 = memref.load %arg10[%swap3A_350] : memref<336xi32, #tpu.memory_space<smem>>
    memref.store %squeeze3A_348, %arg10[%swap3A_350] : memref<336xi32, #tpu.memory_space<smem>>
    %slice3A_352 = vector.extract_strided_slice %get3A_336 {offsets = [3], sizes = [1], strides = [1]} : vector<16xi32> to vector<1xi32>
    %squeeze3A_353 = vector.extract %slice3A_352[0] : i32 from vector<1xi32>
    %swap3A_354 = arith.constant 67 : i32
    %swap3A_355 = arith.index_cast %swap3A_354 : i32 to index
    %swap3A_356 = memref.load %arg10[%swap3A_355] : memref<336xi32, #tpu.memory_space<smem>>
    memref.store %squeeze3A_353, %arg10[%swap3A_355] : memref<336xi32, #tpu.memory_space<smem>>
    %slice3A_357 = vector.extract_strided_slice %get3A_336 {offsets = [4], sizes = [1], strides = [1]} : vector<16xi32> to vector<1xi32>
    %squeeze3A_358 = vector.extract %slice3A_357[0] : i32 from vector<1xi32>
    %swap3A_359 = arith.constant 68 : i32
    %swap3A_360 = arith.index_cast %swap3A_359 : i32 to index
    %swap3A_361 = memref.load %arg10[%swap3A_360] : memref<336xi32, #tpu.memory_space<smem>>
    memref.store %squeeze3A_358, %arg10[%swap3A_360] : memref<336xi32, #tpu.memory_space<smem>>
    %slice3A_362 = vector.extract_strided_slice %get3A_336 {offsets = [5], sizes = [1], strides = [1]} : vector<16xi32> to vector<1xi32>
    %squeeze3A_363 = vector.extract %slice3A_362[0] : i32 from vector<1xi32>
    %swap3A_364 = arith.constant 69 : i32
    %swap3A_365 = arith.index_cast %swap3A_364 : i32 to index
    %swap3A_366 = memref.load %arg10[%swap3A_365] : memref<336xi32, #tpu.memory_space<smem>>
    memref.store %squeeze3A_363, %arg10[%swap3A_365] : memref<336xi32, #tpu.memory_space<smem>>
    %slice3A_367 = vector.extract_strided_slice %get3A_336 {offsets = [6], sizes = [1], strides = [1]} : vector<16xi32> to vector<1xi32>
    %squeeze3A_368 = vector.extract %slice3A_367[0] : i32 from vector<1xi32>
    %swap3A_369 = arith.constant 70 : i32
    %swap3A_370 = arith.index_cast %swap3A_369 : i32 to index
    %swap3A_371 = memref.load %arg10[%swap3A_370] : memref<336xi32, #tpu.memory_space<smem>>
    memref.store %squeeze3A_368, %arg10[%swap3A_370] : memref<336xi32, #tpu.memory_space<smem>>
    %slice3A_372 = vector.extract_strided_slice %get3A_336 {offsets = [7], sizes = [1], strides = [1]} : vector<16xi32> to vector<1xi32>
    %squeeze3A_373 = vector.extract %slice3A_372[0] : i32 from vector<1xi32>
    %swap3A_374 = arith.constant 71 : i32
    %swap3A_375 = arith.index_cast %swap3A_374 : i32 to index
    %swap3A_376 = memref.load %arg10[%swap3A_375] : memref<336xi32, #tpu.memory_space<smem>>
    memref.store %squeeze3A_373, %arg10[%swap3A_375] : memref<336xi32, #tpu.memory_space<smem>>
    %slice3A_377 = vector.extract_strided_slice %get3A_336 {offsets = [8], sizes = [1], strides = [1]} : vector<16xi32> to vector<1xi32>
    %squeeze3A_378 = vector.extract %slice3A_377[0] : i32 from vector<1xi32>
    %swap3A_379 = arith.constant 72 : i32
    %swap3A_380 = arith.index_cast %swap3A_379 : i32 to index
    %swap3A_381 = memref.load %arg10[%swap3A_380] : memref<336xi32, #tpu.memory_space<smem>>
    memref.store %squeeze3A_378, %arg10[%swap3A_380] : memref<336xi32, #tpu.memory_space<smem>>
    %slice3A_382 = vector.extract_strided_slice %get3A_336 {offsets = [9], sizes = [1], strides = [1]} : vector<16xi32> to vector<1xi32>
    %squeeze3A_383 = vector.extract %slice3A_382[0] : i32 from vector<1xi32>
    %swap3A_384 = arith.constant 73 : i32
    %swap3A_385 = arith.index_cast %swap3A_384 : i32 to index
    %swap3A_386 = memref.load %arg10[%swap3A_385] : memref<336xi32, #tpu.memory_space<smem>>
    memref.store %squeeze3A_383, %arg10[%swap3A_385] : memref<336xi32, #tpu.memory_space<smem>>
    %slice3A_387 = vector.extract_strided_slice %get3A_336 {offsets = [10], sizes = [1], strides = [1]} : vector<16xi32> to vector<1xi32>
    %squeeze3A_388 = vector.extract %slice3A_387[0] : i32 from vector<1xi32>
    %swap3A_389 = arith.constant 74 : i32
    %swap3A_390 = arith.index_cast %swap3A_389 : i32 to index
    %swap3A_391 = memref.load %arg10[%swap3A_390] : memref<336xi32, #tpu.memory_space<smem>>
    memref.store %squeeze3A_388, %arg10[%swap3A_390] : memref<336xi32, #tpu.memory_space<smem>>
    %slice3A_392 = vector.extract_strided_slice %get3A_336 {offsets = [11], sizes = [1], strides = [1]} : vector<16xi32> to vector<1xi32>
    %squeeze3A_393 = vector.extract %slice3A_392[0] : i32 from vector<1xi32>
    %swap3A_394 = arith.constant 75 : i32
    %swap3A_395 = arith.index_cast %swap3A_394 : i32 to index
    %swap3A_396 = memref.load %arg10[%swap3A_395] : memref<336xi32, #tpu.memory_space<smem>>
    memref.store %squeeze3A_393, %arg10[%swap3A_395] : memref<336xi32, #tpu.memory_space<smem>>
    %slice3A_397 = vector.extract_strided_slice %get3A_336 {offsets = [12], sizes = [1], strides = [1]} : vector<16xi32> to vector<1xi32>
    %squeeze3A_398 = vector.extract %slice3A_397[0] : i32 from vector<1xi32>
    %swap3A_399 = arith.constant 76 : i32
    %swap3A_400 = arith.index_cast %swap3A_399 : i32 to index
    %swap3A_401 = memref.load %arg10[%swap3A_400] : memref<336xi32, #tpu.memory_space<smem>>
    memref.store %squeeze3A_398, %arg10[%swap3A_400] : memref<336xi32, #tpu.memory_space<smem>>
    %slice3A_402 = vector.extract_strided_slice %get3A_336 {offsets = [13], sizes = [1], strides = [1]} : vector<16xi32> to vector<1xi32>
    %squeeze3A_403 = vector.extract %slice3A_402[0] : i32 from vector<1xi32>
    %swap3A_404 = arith.constant 77 : i32
    %swap3A_405 = arith.index_cast %swap3A_404 : i32 to index
    %swap3A_406 = memref.load %arg10[%swap3A_405] : memref<336xi32, #tpu.memory_space<smem>>
    memref.store %squeeze3A_403, %arg10[%swap3A_405] : memref<336xi32, #tpu.memory_space<smem>>
    %slice3A_407 = vector.extract_strided_slice %get3A_336 {offsets = [14], sizes = [1], strides = [1]} : vector<16xi32> to vector<1xi32>
    %squeeze3A_408 = vector.extract %slice3A_407[0] : i32 from vector<1xi32>
    %swap3A_409 = arith.constant 78 : i32
    %swap3A_410 = arith.index_cast %swap3A_409 : i32 to index
    %swap3A_411 = memref.load %arg10[%swap3A_410] : memref<336xi32, #tpu.memory_space<smem>>
    memref.store %squeeze3A_408, %arg10[%swap3A_410] : memref<336xi32, #tpu.memory_space<smem>>
    %slice3A_412 = vector.extract_strided_slice %get3A_336 {offsets = [15], sizes = [1], strides = [1]} : vector<16xi32> to vector<1xi32>
    %squeeze3A_413 = vector.extract %slice3A_412[0] : i32 from vector<1xi32>
    %swap3A_414 = arith.constant 79 : i32
    %swap3A_415 = arith.index_cast %swap3A_414 : i32 to index
    %swap3A_416 = memref.load %arg10[%swap3A_415] : memref<336xi32, #tpu.memory_space<smem>>
    memref.store %squeeze3A_413, %arg10[%swap3A_415] : memref<336xi32, #tpu.memory_space<smem>>
    %get3A_417 = arith.constant 80 : index
    %get3A_418 = tpu.vector_load %arg6[%get3A_417] {strides = array<i32>} : memref<336xi32, #tpu.memory_space<vmem>>, vector<16xi32>,
    %get3A_419 = vector.shape_cast %get3A_418 : vector<16xi32> to vector<16xi32>
    %slice3A_420 = vector.extract_strided_slice %get3A_419 {offsets = [0], sizes = [1], strides = [1]} : vector<16xi32> to vector<1xi32>
    %squeeze3A_421 = vector.extract %slice3A_420[0] : i32 from vector<1xi32>
    %swap3A_422 = arith.constant 80 : i32
    %swap3A_423 = arith.index_cast %swap3A_422 : i32 to index
    %swap3A_424 = memref.load %arg10[%swap3A_423] : memref<336xi32, #tpu.memory_space<smem>>
    memref.store %squeeze3A_421, %arg10[%swap3A_423] : memref<336xi32, #tpu.memory_space<smem>>
    %slice3A_425 = vector.extract_strided_slice %get3A_419 {offsets = [1], sizes = [1], strides = [1]} : vector<16xi32> to vector<1xi32>
    %squeeze3A_426 = vector.extract %slice3A_425[0] : i32 from vector<1xi32>
    %swap3A_427 = arith.constant 81 : i32
    %swap3A_428 = arith.index_cast %swap3A_427 : i32 to index
    %swap3A_429 = memref.load %arg10[%swap3A_428] : memref<336xi32, #tpu.memory_space<smem>>
    memref.store %squeeze3A_426, %arg10[%swap3A_428] : memref<336xi32, #tpu.memory_space<smem>>
    %slice3A_430 = vector.extract_strided_slice %get3A_419 {offsets = [2], sizes = [1], strides = [1]} : vector<16xi32> to vector<1xi32>
    %squeeze3A_431 = vector.extract %slice3A_430[0] : i32 from vector<1xi32>
    %swap3A_432 = arith.constant 82 : i32
    %swap3A_433 = arith.index_cast %swap3A_432 : i32 to index
    %swap3A_434 = memref.load %arg10[%swap3A_433] : memref<336xi32, #tpu.memory_space<smem>>
    memref.store %squeeze3A_431, %arg10[%swap3A_433] : memref<336xi32, #tpu.memory_space<smem>>
    %slice3A_435 = vector.extract_strided_slice %get3A_419 {offsets = [3], sizes = [1], strides = [1]} : vector<16xi32> to vector<1xi32>
    %squeeze3A_436 = vector.extract %slice3A_435[0] : i32 from vector<1xi32>
    %swap3A_437 = arith.constant 83 : i32
    %swap3A_438 = arith.index_cast %swap3A_437 : i32 to index
    %swap3A_439 = memref.load %arg10[%swap3A_438] : memref<336xi32, #tpu.memory_space<smem>>
    memref.store %squeeze3A_436, %arg10[%swap3A_438] : memref<336xi32, #tpu.memory_space<smem>>
    %slice3A_440 = vector.extract_strided_slice %get3A_419 {offsets = [4], sizes = [1], strides = [1]} : vector<16xi32> to vector<1xi32>
    %squeeze3A_441 = vector.extract %slice3A_440[0] : i32 from vector<1xi32>
    %swap3A_442 = arith.constant 84 : i32
    %swap3A_443 = arith.index_cast %swap3A_442 : i32 to index
    %swap3A_444 = memref.load %arg10[%swap3A_443] : memref<336xi32, #tpu.memory_space<smem>>
    memref.store %squeeze3A_441, %arg10[%swap3A_443] : memref<336xi32, #tpu.memory_space<smem>>
    %slice3A_445 = vector.extract_strided_slice %get3A_419 {offsets = [5], sizes = [1], strides = [1]} : vector<16xi32> to vector<1xi32>
    %squeeze3A_446 = vector.extract %slice3A_445[0] : i32 from vector<1xi32>
    %swap3A_447 = arith.constant 85 : i32
    %swap3A_448 = arith.index_cast %swap3A_447 : i32 to index
    %swap3A_449 = memref.load %arg10[%swap3A_448] : memref<336xi32, #tpu.memory_space<smem>>
    memref.store %squeeze3A_446, %arg10[%swap3A_448] : memref<336xi32, #tpu.memory_space<smem>>
    %slice3A_450 = vector.extract_strided_slice %get3A_419 {offsets = [6], sizes = [1], strides = [1]} : vector<16xi32> to vector<1xi32>
    %squeeze3A_451 = vector.extract %slice3A_450[0] : i32 from vector<1xi32>
    %swap3A_452 = arith.constant 86 : i32
    %swap3A_453 = arith.index_cast %swap3A_452 : i32 to index
    %swap3A_454 = memref.load %arg10[%swap3A_453] : memref<336xi32, #tpu.memory_space<smem>>
    memref.store %squeeze3A_451, %arg10[%swap3A_453] : memref<336xi32, #tpu.memory_space<smem>>
    %slice3A_455 = vector.extract_strided_slice %get3A_419 {offsets = [7], sizes = [1], strides = [1]} : vector<16xi32> to vector<1xi32>
    %squeeze3A_456 = vector.extract %slice3A_455[0] : i32 from vector<1xi32>
    %swap3A_457 = arith.constant 87 : i32
    %swap3A_458 = arith.index_cast %swap3A_457 : i32 to index
    %swap3A_459 = memref.load %arg10[%swap3A_458] : memref<336xi32, #tpu.memory_space<smem>>
    memref.store %squeeze3A_456, %arg10[%swap3A_458] : memref<336xi32, #tpu.memory_space<smem>>
    %slice3A_460 = vector.extract_strided_slice %get3A_419 {offsets = [8], sizes = [1], strides = [1]} : vector<16xi32> to vector<1xi32>
    %squeeze3A_461 = vector.extract %slice3A_460[0] : i32 from vector<1xi32>
    %swap3A_462 = arith.constant 88 : i32
    %swap3A_463 = arith.index_cast %swap3A_462 : i32 to index
    %swap3A_464 = memref.load %arg10[%swap3A_463] : memref<336xi32, #tpu.memory_space<smem>>
    memref.store %squeeze3A_461, %arg10[%swap3A_463] : memref<336xi32, #tpu.memory_space<smem>>
    %slice3A_465 = vector.extract_strided_slice %get3A_419 {offsets = [9], sizes = [1], strides = [1]} : vector<16xi32> to vector<1xi32>
    %squeeze3A_466 = vector.extract %slice3A_465[0] : i32 from vector<1xi32>
    %swap3A_467 = arith.constant 89 : i32
    %swap3A_468 = arith.index_cast %swap3A_467 : i32 to index
    %swap3A_469 = memref.load %arg10[%swap3A_468] : memref<336xi32, #tpu.memory_space<smem>>
    memref.store %squeeze3A_466, %arg10[%swap3A_468] : memref<336xi32, #tpu.memory_space<smem>>
    %slice3A_470 = vector.extract_strided_slice %get3A_419 {offsets = [10], sizes = [1], strides = [1]} : vector<16xi32> to vector<1xi32>
    %squeeze3A_471 = vector.extract %slice3A_470[0] : i32 from vector<1xi32>
    %swap3A_472 = arith.constant 90 : i32
    %swap3A_473 = arith.index_cast %swap3A_472 : i32 to index
    %swap3A_474 = memref.load %arg10[%swap3A_473] : memref<336xi32, #tpu.memory_space<smem>>
    memref.store %squeeze3A_471, %arg10[%swap3A_473] : memref<336xi32, #tpu.memory_space<smem>>
    %slice3A_475 = vector.extract_strided_slice %get3A_419 {offsets = [11], sizes = [1], strides = [1]} : vector<16xi32> to vector<1xi32>
    %squeeze3A_476 = vector.extract %slice3A_475[0] : i32 from vector<1xi32>
    %swap3A_477 = arith.constant 91 : i32
    %swap3A_478 = arith.index_cast %swap3A_477 : i32 to index
    %swap3A_479 = memref.load %arg10[%swap3A_478] : memref<336xi32, #tpu.memory_space<smem>>
    memref.store %squeeze3A_476, %arg10[%swap3A_478] : memref<336xi32, #tpu.memory_space<smem>>
    %slice3A_480 = vector.extract_strided_slice %get3A_419 {offsets = [12], sizes = [1], strides = [1]} : vector<16xi32> to vector<1xi32>
    %squeeze3A_481 = vector.extract %slice3A_480[0] : i32 from vector<1xi32>
    %swap3A_482 = arith.constant 92 : i32
    %swap3A_483 = arith.index_cast %swap3A_482 : i32 to index
    %swap3A_484 = memref.load %arg10[%swap3A_483] : memref<336xi32, #tpu.memory_space<smem>>
    memref.store %squeeze3A_481, %arg10[%swap3A_483] : memref<336xi32, #tpu.memory_space<smem>>
    %slice3A_485 = vector.extract_strided_slice %get3A_419 {offsets = [13], sizes = [1], strides = [1]} : vector<16xi32> to vector<1xi32>
    %squeeze3A_486 = vector.extract %slice3A_485[0] : i32 from vector<1xi32>
    %swap3A_487 = arith.constant 93 : i32
    %swap3A_488 = arith.index_cast %swap3A_487 : i32 to index
    %swap3A_489 = memref.load %arg10[%swap3A_488] : memref<336xi32, #tpu.memory_space<smem>>
    memref.store %squeeze3A_486, %arg10[%swap3A_488] : memref<336xi32, #tpu.memory_space<smem>>
    %slice3A_490 = vector.extract_strided_slice %get3A_419 {offsets = [14], sizes = [1], strides = [1]} : vector<16xi32> to vector<1xi32>
    %squeeze3A_491 = vector.extract %slice3A_490[0] : i32 from vector<1xi32>
    %swap3A_492 = arith.constant 94 : i32
    %swap3A_493 = arith.index_cast %swap3A_492 : i32 to index
    %swap3A_494 = memref.load %arg10[%swap3A_493] : memref<336xi32, #tpu.memory_space<smem>>
    memref.store %squeeze3A_491, %arg10[%swap3A_493] : memref<336xi32, #tpu.memory_space<smem>>
    %slice3A_495 = vector.extract_strided_slice %get3A_419 {offsets = [15], sizes = [1], strides = [1]} : vector<16xi32> to vector<1xi32>
    %squeeze3A_496 = vector.extract %slice3A_495[0] : i32 from vector<1xi32>
    %swap3A_497 = arith.constant 95 : i32
    %swap3A_498 = arith.index_cast %swap3A_497 : i32 to index
    %swap3A_499 = memref.load %arg10[%swap3A_498] : memref<336xi32, #tpu.memory_space<smem>>
    memref.store %squeeze3A_496, %arg10[%swap3A_498] : memref<336xi32, #tpu.memory_space<smem>>
    %get3A_500 = arith.constant 96 : index
    %get3A_501 = tpu.vector_load %arg6[%get3A_500] {strides = array<i32>} : memref<336xi32, #tpu.memory_space<vmem>>, vector<16xi32>,
    %get3A_502 = vector.shape_cast %get3A_501 : vector<16xi32> to vector<16xi32>
    %slice3A_503 = vector.extract_strided_slice %get3A_502 {offsets = [0], sizes = [1], strides = [1]} : vector<16xi32> to vector<1xi32>
    %squeeze3A_504 = vector.extract %slice3A_503[0] : i32 from vector<1xi32>
    %swap3A_505 = arith.constant 96 : i32
    %swap3A_506 = arith.index_cast %swap3A_505 : i32 to index
    %swap3A_507 = memref.load %arg10[%swap3A_506] : memref<336xi32, #tpu.memory_space<smem>>
    memref.store %squeeze3A_504, %arg10[%swap3A_506] : memref<336xi32, #tpu.memory_space<smem>>
    %slice3A_508 = vector.extract_strided_slice %get3A_502 {offsets = [1], sizes = [1], strides = [1]} : vector<16xi32> to vector<1xi32>
    %squeeze3A_509 = vector.extract %slice3A_508[0] : i32 from vector<1xi32>
    %swap3A_510 = arith.constant 97 : i32
    %swap3A_511 = arith.index_cast %swap3A_510 : i32 to index
    %swap3A_512 = memref.load %arg10[%swap3A_511] : memref<336xi32, #tpu.memory_space<smem>>
    memref.store %squeeze3A_509, %arg10[%swap3A_511] : memref<336xi32, #tpu.memory_space<smem>>
    %slice3A_513 = vector.extract_strided_slice %get3A_502 {offsets = [2], sizes = [1], strides = [1]} : vector<16xi32> to vector<1xi32>
    %squeeze3A_514 = vector.extract %slice3A_513[0] : i32 from vector<1xi32>
    %swap3A_515 = arith.constant 98 : i32
    %swap3A_516 = arith.index_cast %swap3A_515 : i32 to index
    %swap3A_517 = memref.load %arg10[%swap3A_516] : memref<336xi32, #tpu.memory_space<smem>>
    memref.store %squeeze3A_514, %arg10[%swap3A_516] : memref<336xi32, #tpu.memory_space<smem>>
    %slice3A_518 = vector.extract_strided_slice %get3A_502 {offsets = [3], sizes = [1], strides = [1]} : vector<16xi32> to vector<1xi32>
    %squeeze3A_519 = vector.extract %slice3A_518[0] : i32 from vector<1xi32>
    %swap3A_520 = arith.constant 99 : i32
    %swap3A_521 = arith.index_cast %swap3A_520 : i32 to index
    %swap3A_522 = memref.load %arg10[%swap3A_521] : memref<336xi32, #tpu.memory_space<smem>>
    memref.store %squeeze3A_519, %arg10[%swap3A_521] : memref<336xi32, #tpu.memory_space<smem>>
    %slice3A_523 = vector.extract_strided_slice %get3A_502 {offsets = [4], sizes = [1], strides = [1]} : vector<16xi32> to vector<1xi32>
    %squeeze3A_524 = vector.extract %slice3A_523[0] : i32 from vector<1xi32>
    %swap3A_525 = arith.constant 100 : i32
    %swap3A_526 = arith.index_cast %swap3A_525 : i32 to index
    %swap3A_527 = memref.load %arg10[%swap3A_526] : memref<336xi32, #tpu.memory_space<smem>>
    memref.store %squeeze3A_524, %arg10[%swap3A_526] : memref<336xi32, #tpu.memory_space<smem>>
    %slice3A_528 = vector.extract_strided_slice %get3A_502 {offsets = [5], sizes = [1], strides = [1]} : vector<16xi32> to vector<1xi32>
    %squeeze3A_529 = vector.extract %slice3A_528[0] : i32 from vector<1xi32>
    %swap3A_530 = arith.constant 101 : i32
    %swap3A_531 = arith.index_cast %swap3A_530 : i32 to index
    %swap3A_532 = memref.load %arg10[%swap3A_531] : memref<336xi32, #tpu.memory_space<smem>>
    memref.store %squeeze3A_529, %arg10[%swap3A_531] : memref<336xi32, #tpu.memory_space<smem>>
    %slice3A_533 = vector.extract_strided_slice %get3A_502 {offsets = [6], sizes = [1], strides = [1]} : vector<16xi32> to vector<1xi32>
    %squeeze3A_534 = vector.extract %slice3A_533[0] : i32 from vector<1xi32>
    %swap3A_535 = arith.constant 102 : i32
    %swap3A_536 = arith.index_cast %swap3A_535 : i32 to index
    %swap3A_537 = memref.load %arg10[%swap3A_536] : memref<336xi32, #tpu.memory_space<smem>>
    memref.store %squeeze3A_534, %arg10[%swap3A_536] : memref<336xi32, #tpu.memory_space<smem>>
    %slice3A_538 = vector.extract_strided_slice %get3A_502 {offsets = [7], sizes = [1], strides = [1]} : vector<16xi32> to vector<1xi32>
    %squeeze3A_539 = vector.extract %slice3A_538[0] : i32 from vector<1xi32>
    %swap3A_540 = arith.constant 103 : i32
    %swap3A_541 = arith.index_cast %swap3A_540 : i32 to index
    %swap3A_542 = memref.load %arg10[%swap3A_541] : memref<336xi32, #tpu.memory_space<smem>>
    memref.store %squeeze3A_539, %arg10[%swap3A_541] : memref<336xi32, #tpu.memory_space<smem>>
    %slice3A_543 = vector.extract_strided_slice %get3A_502 {offsets = [8], sizes = [1], strides = [1]} : vector<16xi32> to vector<1xi32>
    %squeeze3A_544 = vector.extract %slice3A_543[0] : i32 from vector<1xi32>
    %swap3A_545 = arith.constant 104 : i32
    %swap3A_546 = arith.index_cast %swap3A_545 : i32 to index
    %swap3A_547 = memref.load %arg10[%swap3A_546] : memref<336xi32, #tpu.memory_space<smem>>
    memref.store %squeeze3A_544, %arg10[%swap3A_546] : memref<336xi32, #tpu.memory_space<smem>>
    %slice3A_548 = vector.extract_strided_slice %get3A_502 {offsets = [9], sizes = [1], strides = [1]} : vector<16xi32> to vector<1xi32>
    %squeeze3A_549 = vector.extract %slice3A_548[0] : i32 from vector<1xi32>
    %swap3A_550 = arith.constant 105 : i32
    %swap3A_551 = arith.index_cast %swap3A_550 : i32 to index
    %swap3A_552 = memref.load %arg10[%swap3A_551] : memref<336xi32, #tpu.memory_space<smem>>
    memref.store %squeeze3A_549, %arg10[%swap3A_551] : memref<336xi32, #tpu.memory_space<smem>>
    %slice3A_553 = vector.extract_strided_slice %get3A_502 {offsets = [10], sizes = [1], strides = [1]} : vector<16xi32> to vector<1xi32>
    %squeeze3A_554 = vector.extract %slice3A_553[0] : i32 from vector<1xi32>
    %swap3A_555 = arith.constant 106 : i32
    %swap3A_556 = arith.index_cast %swap3A_555 : i32 to index
    %swap3A_557 = memref.load %arg10[%swap3A_556] : memref<336xi32, #tpu.memory_space<smem>>
    memref.store %squeeze3A_554, %arg10[%swap3A_556] : memref<336xi32, #tpu.memory_space<smem>>
    %slice3A_558 = vector.extract_strided_slice %get3A_502 {offsets = [11], sizes = [1], strides = [1]} : vector<16xi32> to vector<1xi32>
    %squeeze3A_559 = vector.extract %slice3A_558[0] : i32 from vector<1xi32>
    %swap3A_560 = arith.constant 107 : i32
    %swap3A_561 = arith.index_cast %swap3A_560 : i32 to index
    %swap3A_562 = memref.load %arg10[%swap3A_561] : memref<336xi32, #tpu.memory_space<smem>>
    memref.store %squeeze3A_559, %arg10[%swap3A_561] : memref<336xi32, #tpu.memory_space<smem>>
    %slice3A_563 = vector.extract_strided_slice %get3A_502 {offsets = [12], sizes = [1], strides = [1]} : vector<16xi32> to vector<1xi32>
    %squeeze3A_564 = vector.extract %slice3A_563[0] : i32 from vector<1xi32>
    %swap3A_565 = arith.constant 108 : i32
    %swap3A_566 = arith.index_cast %swap3A_565 : i32 to index
    %swap3A_567 = memref.load %arg10[%swap3A_566] : memref<336xi32, #tpu.memory_space<smem>>
    memref.store %squeeze3A_564, %arg10[%swap3A_566] : memref<336xi32, #tpu.memory_space<smem>>
    %slice3A_568 = vector.extract_strided_slice %get3A_502 {offsets = [13], sizes = [1], strides = [1]} : vector<16xi32> to vector<1xi32>
    %squeeze3A_569 = vector.extract %slice3A_568[0] : i32 from vector<1xi32>
    %swap3A_570 = arith.constant 109 : i32
    %swap3A_571 = arith.index_cast %swap3A_570 : i32 to index
    %swap3A_572 = memref.load %arg10[%swap3A_571] : memref<336xi32, #tpu.memory_space<smem>>
    memref.store %squeeze3A_569, %arg10[%swap3A_571] : memref<336xi32, #tpu.memory_space<smem>>
    %slice3A_573 = vector.extract_strided_slice %get3A_502 {offsets = [14], sizes = [1], strides = [1]} : vector<16xi32> to vector<1xi32>
    %squeeze3A_574 = vector.extract %slice3A_573[0] : i32 from vector<1xi32>
    %swap3A_575 = arith.constant 110 : i32
    %swap3A_576 = arith.index_cast %swap3A_575 : i32 to index
    %swap3A_577 = memref.load %arg10[%swap3A_576] : memref<336xi32, #tpu.memory_space<smem>>
    memref.store %squeeze3A_574, %arg10[%swap3A_576] : memref<336xi32, #tpu.memory_space<smem>>
    %slice3A_578 = vector.extract_strided_slice %get3A_502 {offsets = [15], sizes = [1], strides = [1]} : vector<16xi32> to vector<1xi32>
    %squeeze3A_579 = vector.extract %slice3A_578[0] : i32 from vector<1xi32>
    %swap3A_580 = arith.constant 111 : i32
    %swap3A_581 = arith.index_cast %swap3A_580 : i32 to index
    %swap3A_582 = memref.load %arg10[%swap3A_581] : memref<336xi32, #tpu.memory_space<smem>>
    memref.store %squeeze3A_579, %arg10[%swap3A_581] : memref<336xi32, #tpu.memory_space<smem>>
    %get3A_583 = arith.constant 112 : index
    %get3A_584 = tpu.vector_load %arg6[%get3A_583] {strides = array<i32>} : memref<336xi32, #tpu.memory_space<vmem>>, vector<16xi32>,
    %get3A_585 = vector.shape_cast %get3A_584 : vector<16xi32> to vector<16xi32>
    %slice3A_586 = vector.extract_strided_slice %get3A_585 {offsets = [0], sizes = [1], strides = [1]} : vector<16xi32> to vector<1xi32>
    %squeeze3A_587 = vector.extract %slice3A_586[0] : i32 from vector<1xi32>
    %swap3A_588 = arith.constant 112 : i32
    %swap3A_589 = arith.index_cast %swap3A_588 : i32 to index
    %swap3A_590 = memref.load %arg10[%swap3A_589] : memref<336xi32, #tpu.memory_space<smem>>
    memref.store %squeeze3A_587, %arg10[%swap3A_589] : memref<336xi32, #tpu.memory_space<smem>>
    %slice3A_591 = vector.extract_strided_slice %get3A_585 {offsets = [1], sizes = [1], strides = [1]} : vector<16xi32> to vector<1xi32>
    %squeeze3A_592 = vector.extract %slice3A_591[0] : i32 from vector<1xi32>
    %swap3A_593 = arith.constant 113 : i32
    %swap3A_594 = arith.index_cast %swap3A_593 : i32 to index
    %swap3A_595 = memref.load %arg10[%swap3A_594] : memref<336xi32, #tpu.memory_space<smem>>
    memref.store %squeeze3A_592, %arg10[%swap3A_594] : memref<336xi32, #tpu.memory_space<smem>>
    %slice3A_596 = vector.extract_strided_slice %get3A_585 {offsets = [2], sizes = [1], strides = [1]} : vector<16xi32> to vector<1xi32>
    %squeeze3A_597 = vector.extract %slice3A_596[0] : i32 from vector<1xi32>
    %swap3A_598 = arith.constant 114 : i32
    %swap3A_599 = arith.index_cast %swap3A_598 : i32 to index
    %swap3A_600 = memref.load %arg10[%swap3A_599] : memref<336xi32, #tpu.memory_space<smem>>
    memref.store %squeeze3A_597, %arg10[%swap3A_599] : memref<336xi32, #tpu.memory_space<smem>>
    %slice3A_601 = vector.extract_strided_slice %get3A_585 {offsets = [3], sizes = [1], strides = [1]} : vector<16xi32> to vector<1xi32>
    %squeeze3A_602 = vector.extract %slice3A_601[0] : i32 from vector<1xi32>
    %swap3A_603 = arith.constant 115 : i32
    %swap3A_604 = arith.index_cast %swap3A_603 : i32 to index
    %swap3A_605 = memref.load %arg10[%swap3A_604] : memref<336xi32, #tpu.memory_space<smem>>
    memref.store %squeeze3A_602, %arg10[%swap3A_604] : memref<336xi32, #tpu.memory_space<smem>>
    %slice3A_606 = vector.extract_strided_slice %get3A_585 {offsets = [4], sizes = [1], strides = [1]} : vector<16xi32> to vector<1xi32>
    %squeeze3A_607 = vector.extract %slice3A_606[0] : i32 from vector<1xi32>
    %swap3A_608 = arith.constant 116 : i32
    %swap3A_609 = arith.index_cast %swap3A_608 : i32 to index
    %swap3A_610 = memref.load %arg10[%swap3A_609] : memref<336xi32, #tpu.memory_space<smem>>
    memref.store %squeeze3A_607, %arg10[%swap3A_609] : memref<336xi32, #tpu.memory_space<smem>>
    %slice3A_611 = vector.extract_strided_slice %get3A_585 {offsets = [5], sizes = [1], strides = [1]} : vector<16xi32> to vector<1xi32>
    %squeeze3A_612 = vector.extract %slice3A_611[0] : i32 from vector<1xi32>
    %swap3A_613 = arith.constant 117 : i32
    %swap3A_614 = arith.index_cast %swap3A_613 : i32 to index
    %swap3A_615 = memref.load %arg10[%swap3A_614] : memref<336xi32, #tpu.memory_space<smem>>
    memref.store %squeeze3A_612, %arg10[%swap3A_614] : memref<336xi32, #tpu.memory_space<smem>>
    %slice3A_616 = vector.extract_strided_slice %get3A_585 {offsets = [6], sizes = [1], strides = [1]} : vector<16xi32> to vector<1xi32>
    %squeeze3A_617 = vector.extract %slice3A_616[0] : i32 from vector<1xi32>
    %swap3A_618 = arith.constant 118 : i32
    %swap3A_619 = arith.index_cast %swap3A_618 : i32 to index
    %swap3A_620 = memref.load %arg10[%swap3A_619] : memref<336xi32, #tpu.memory_space<smem>>
    memref.store %squeeze3A_617, %arg10[%swap3A_619] : memref<336xi32, #tpu.memory_space<smem>>
    %slice3A_621 = vector.extract_strided_slice %get3A_585 {offsets = [7], sizes = [1], strides = [1]} : vector<16xi32> to vector<1xi32>
    %squeeze3A_622 = vector.extract %slice3A_621[0] : i32 from vector<1xi32>
    %swap3A_623 = arith.constant 119 : i32
    %swap3A_624 = arith.index_cast %swap3A_623 : i32 to index
    %swap3A_625 = memref.load %arg10[%swap3A_624] : memref<336xi32, #tpu.memory_space<smem>>
    memref.store %squeeze3A_622, %arg10[%swap3A_624] : memref<336xi32, #tpu.memory_space<smem>>
    %slice3A_626 = vector.extract_strided_slice %get3A_585 {offsets = [8], sizes = [1], strides = [1]} : vector<16xi32> to vector<1xi32>
    %squeeze3A_627 = vector.extract %slice3A_626[0] : i32 from vector<1xi32>
    %swap3A_628 = arith.constant 120 : i32
    %swap3A_629 = arith.index_cast %swap3A_628 : i32 to index
    %swap3A_630 = memref.load %arg10[%swap3A_629] : memref<336xi32, #tpu.memory_space<smem>>
    memref.store %squeeze3A_627, %arg10[%swap3A_629] : memref<336xi32, #tpu.memory_space<smem>>
    %slice3A_631 = vector.extract_strided_slice %get3A_585 {offsets = [9], sizes = [1], strides = [1]} : vector<16xi32> to vector<1xi32>
    %squeeze3A_632 = vector.extract %slice3A_631[0] : i32 from vector<1xi32>
    %swap3A_633 = arith.constant 121 : i32
    %swap3A_634 = arith.index_cast %swap3A_633 : i32 to index
    %swap3A_635 = memref.load %arg10[%swap3A_634] : memref<336xi32, #tpu.memory_space<smem>>
    memref.store %squeeze3A_632, %arg10[%swap3A_634] : memref<336xi32, #tpu.memory_space<smem>>
    %slice3A_636 = vector.extract_strided_slice %get3A_585 {offsets = [10], sizes = [1], strides = [1]} : vector<16xi32> to vector<1xi32>
    %squeeze3A_637 = vector.extract %slice3A_636[0] : i32 from vector<1xi32>
    %swap3A_638 = arith.constant 122 : i32
    %swap3A_639 = arith.index_cast %swap3A_638 : i32 to index
    %swap3A_640 = memref.load %arg10[%swap3A_639] : memref<336xi32, #tpu.memory_space<smem>>
    memref.store %squeeze3A_637, %arg10[%swap3A_639] : memref<336xi32, #tpu.memory_space<smem>>
    %slice3A_641 = vector.extract_strided_slice %get3A_585 {offsets = [11], sizes = [1], strides = [1]} : vector<16xi32> to vector<1xi32>
    %squeeze3A_642 = vector.extract %slice3A_641[0] : i32 from vector<1xi32>
    %swap3A_643 = arith.constant 123 : i32
    %swap3A_644 = arith.index_cast %swap3A_643 : i32 to index
    %swap3A_645 = memref.load %arg10[%swap3A_644] : memref<336xi32, #tpu.memory_space<smem>>
    memref.store %squeeze3A_642, %arg10[%swap3A_644] : memref<336xi32, #tpu.memory_space<smem>>
    %slice3A_646 = vector.extract_strided_slice %get3A_585 {offsets = [12], sizes = [1], strides = [1]} : vector<16xi32> to vector<1xi32>
    %squeeze3A_647 = vector.extract %slice3A_646[0] : i32 from vector<1xi32>
    %swap3A_648 = arith.constant 124 : i32
    %swap3A_649 = arith.index_cast %swap3A_648 : i32 to index
    %swap3A_650 = memref.load %arg10[%swap3A_649] : memref<336xi32, #tpu.memory_space<smem>>
    memref.store %squeeze3A_647, %arg10[%swap3A_649] : memref<336xi32, #tpu.memory_space<smem>>
    %slice3A_651 = vector.extract_strided_slice %get3A_585 {offsets = [13], sizes = [1], strides = [1]} : vector<16xi32> to vector<1xi32>
    %squeeze3A_652 = vector.extract %slice3A_651[0] : i32 from vector<1xi32>
    %swap3A_653 = arith.constant 125 : i32
    %swap3A_654 = arith.index_cast %swap3A_653 : i32 to index
    %swap3A_655 = memref.load %arg10[%swap3A_654] : memref<336xi32, #tpu.memory_space<smem>>
    memref.store %squeeze3A_652, %arg10[%swap3A_654] : memref<336xi32, #tpu.memory_space<smem>>
    %slice3A_656 = vector.extract_strided_slice %get3A_585 {offsets = [14], sizes = [1], strides = [1]} : vector<16xi32> to vector<1xi32>
    %squeeze3A_657 = vector.extract %slice3A_656[0] : i32 from vector<1xi32>
    %swap3A_658 = arith.constant 126 : i32
    %swap3A_659 = arith.index_cast %swap3A_658 : i32 to index
    %swap3A_660 = memref.load %arg10[%swap3A_659] : memref<336xi32, #tpu.memory_space<smem>>
    memref.store %squeeze3A_657, %arg10[%swap3A_659] : memref<336xi32, #tpu.memory_space<smem>>
    %slice3A_661 = vector.extract_strided_slice %get3A_585 {offsets = [15], sizes = [1], strides = [1]} : vector<16xi32> to vector<1xi32>
    %squeeze3A_662 = vector.extract %slice3A_661[0] : i32 from vector<1xi32>
    %swap3A_663 = arith.constant 127 : i32
    %swap3A_664 = arith.index_cast %swap3A_663 : i32 to index
    %swap3A_665 = memref.load %arg10[%swap3A_664] : memref<336xi32, #tpu.memory_space<smem>>
    memref.store %squeeze3A_662, %arg10[%swap3A_664] : memref<336xi32, #tpu.memory_space<smem>>
    %get3A_666 = arith.constant 128 : index
    %get3A_667 = tpu.vector_load %arg6[%get3A_666] {strides = array<i32>} : memref<336xi32, #tpu.memory_space<vmem>>, vector<16xi32>,
    %get3A_668 = vector.shape_cast %get3A_667 : vector<16xi32> to vector<16xi32>
    %slice3A_669 = vector.extract_strided_slice %get3A_668 {offsets = [0], sizes = [1], strides = [1]} : vector<16xi32> to vector<1xi32>
    %squeeze3A_670 = vector.extract %slice3A_669[0] : i32 from vector<1xi32>
    %swap3A_671 = arith.constant 128 : i32
    %swap3A_672 = arith.index_cast %swap3A_671 : i32 to index
    %swap3A_673 = memref.load %arg10[%swap3A_672] : memref<336xi32, #tpu.memory_space<smem>>
    memref.store %squeeze3A_670, %arg10[%swap3A_672] : memref<336xi32, #tpu.memory_space<smem>>
    %slice3A_674 = vector.extract_strided_slice %get3A_668 {offsets = [1], sizes = [1], strides = [1]} : vector<16xi32> to vector<1xi32>
    %squeeze3A_675 = vector.extract %slice3A_674[0] : i32 from vector<1xi32>
    %swap3A_676 = arith.constant 129 : i32
    %swap3A_677 = arith.index_cast %swap3A_676 : i32 to index
    %swap3A_678 = memref.load %arg10[%swap3A_677] : memref<336xi32, #tpu.memory_space<smem>>
    memref.store %squeeze3A_675, %arg10[%swap3A_677] : memref<336xi32, #tpu.memory_space<smem>>
    %slice3A_679 = vector.extract_strided_slice %get3A_668 {offsets = [2], sizes = [1], strides = [1]} : vector<16xi32> to vector<1xi32>
    %squeeze3A_680 = vector.extract %slice3A_679[0] : i32 from vector<1xi32>
    %swap3A_681 = arith.constant 130 : i32
    %swap3A_682 = arith.index_cast %swap3A_681 : i32 to index
    %swap3A_683 = memref.load %arg10[%swap3A_682] : memref<336xi32, #tpu.memory_space<smem>>
    memref.store %squeeze3A_680, %arg10[%swap3A_682] : memref<336xi32, #tpu.memory_space<smem>>
    %slice3A_684 = vector.extract_strided_slice %get3A_668 {offsets = [3], sizes = [1], strides = [1]} : vector<16xi32> to vector<1xi32>
    %squeeze3A_685 = vector.extract %slice3A_684[0] : i32 from vector<1xi32>
    %swap3A_686 = arith.constant 131 : i32
    %swap3A_687 = arith.index_cast %swap3A_686 : i32 to index
    %swap3A_688 = memref.load %arg10[%swap3A_687] : memref<336xi32, #tpu.memory_space<smem>>
    memref.store %squeeze3A_685, %arg10[%swap3A_687] : memref<336xi32, #tpu.memory_space<smem>>
    %slice3A_689 = vector.extract_strided_slice %get3A_668 {offsets = [4], sizes = [1], strides = [1]} : vector<16xi32> to vector<1xi32>
    %squeeze3A_690 = vector.extract %slice3A_689[0] : i32 from vector<1xi32>
    %swap3A_691 = arith.constant 132 : i32
    %swap3A_692 = arith.index_cast %swap3A_691 : i32 to index
    %swap3A_693 = memref.load %arg10[%swap3A_692] : memref<336xi32, #tpu.memory_space<smem>>
    memref.store %squeeze3A_690, %arg10[%swap3A_692] : memref<336xi32, #tpu.memory_space<smem>>
    %slice3A_694 = vector.extract_strided_slice %get3A_668 {offsets = [5], sizes = [1], strides = [1]} : vector<16xi32> to vector<1xi32>
    %squeeze3A_695 = vector.extract %slice3A_694[0] : i32 from vector<1xi32>
    %swap3A_696 = arith.constant 133 : i32
    %swap3A_697 = arith.index_cast %swap3A_696 : i32 to index
    %swap3A_698 = memref.load %arg10[%swap3A_697] : memref<336xi32, #tpu.memory_space<smem>>
    memref.store %squeeze3A_695, %arg10[%swap3A_697] : memref<336xi32, #tpu.memory_space<smem>>
    %slice3A_699 = vector.extract_strided_slice %get3A_668 {offsets = [6], sizes = [1], strides = [1]} : vector<16xi32> to vector<1xi32>
    %squeeze3A_700 = vector.extract %slice3A_699[0] : i32 from vector<1xi32>
    %swap3A_701 = arith.constant 134 : i32
    %swap3A_702 = arith.index_cast %swap3A_701 : i32 to index
    %swap3A_703 = memref.load %arg10[%swap3A_702] : memref<336xi32, #tpu.memory_space<smem>>
    memref.store %squeeze3A_700, %arg10[%swap3A_702] : memref<336xi32, #tpu.memory_space<smem>>
    %slice3A_704 = vector.extract_strided_slice %get3A_668 {offsets = [7], sizes = [1], strides = [1]} : vector<16xi32> to vector<1xi32>
    %squeeze3A_705 = vector.extract %slice3A_704[0] : i32 from vector<1xi32>
    %swap3A_706 = arith.constant 135 : i32
    %swap3A_707 = arith.index_cast %swap3A_706 : i32 to index
    %swap3A_708 = memref.load %arg10[%swap3A_707] : memref<336xi32, #tpu.memory_space<smem>>
    memref.store %squeeze3A_705, %arg10[%swap3A_707] : memref<336xi32, #tpu.memory_space<smem>>
    %slice3A_709 = vector.extract_strided_slice %get3A_668 {offsets = [8], sizes = [1], strides = [1]} : vector<16xi32> to vector<1xi32>
    %squeeze3A_710 = vector.extract %slice3A_709[0] : i32 from vector<1xi32>
    %swap3A_711 = arith.constant 136 : i32
    %swap3A_712 = arith.index_cast %swap3A_711 : i32 to index
    %swap3A_713 = memref.load %arg10[%swap3A_712] : memref<336xi32, #tpu.memory_space<smem>>
    memref.store %squeeze3A_710, %arg10[%swap3A_712] : memref<336xi32, #tpu.memory_space<smem>>
    %slice3A_714 = vector.extract_strided_slice %get3A_668 {offsets = [9], sizes = [1], strides = [1]} : vector<16xi32> to vector<1xi32>
    %squeeze3A_715 = vector.extract %slice3A_714[0] : i32 from vector<1xi32>
    %swap3A_716 = arith.constant 137 : i32
    %swap3A_717 = arith.index_cast %swap3A_716 : i32 to index
    %swap3A_718 = memref.load %arg10[%swap3A_717] : memref<336xi32, #tpu.memory_space<smem>>
    memref.store %squeeze3A_715, %arg10[%swap3A_717] : memref<336xi32, #tpu.memory_space<smem>>
    %slice3A_719 = vector.extract_strided_slice %get3A_668 {offsets = [10], sizes = [1], strides = [1]} : vector<16xi32> to vector<1xi32>
    %squeeze3A_720 = vector.extract %slice3A_719[0] : i32 from vector<1xi32>
    %swap3A_721 = arith.constant 138 : i32
    %swap3A_722 = arith.index_cast %swap3A_721 : i32 to index
    %swap3A_723 = memref.load %arg10[%swap3A_722] : memref<336xi32, #tpu.memory_space<smem>>
    memref.store %squeeze3A_720, %arg10[%swap3A_722] : memref<336xi32, #tpu.memory_space<smem>>
    %slice3A_724 = vector.extract_strided_slice %get3A_668 {offsets = [11], sizes = [1], strides = [1]} : vector<16xi32> to vector<1xi32>
    %squeeze3A_725 = vector.extract %slice3A_724[0] : i32 from vector<1xi32>
    %swap3A_726 = arith.constant 139 : i32
    %swap3A_727 = arith.index_cast %swap3A_726 : i32 to index
    %swap3A_728 = memref.load %arg10[%swap3A_727] : memref<336xi32, #tpu.memory_space<smem>>
    memref.store %squeeze3A_725, %arg10[%swap3A_727] : memref<336xi32, #tpu.memory_space<smem>>
    %slice3A_729 = vector.extract_strided_slice %get3A_668 {offsets = [12], sizes = [1], strides = [1]} : vector<16xi32> to vector<1xi32>
    %squeeze3A_730 = vector.extract %slice3A_729[0] : i32 from vector<1xi32>
    %swap3A_731 = arith.constant 140 : i32
    %swap3A_732 = arith.index_cast %swap3A_731 : i32 to index
    %swap3A_733 = memref.load %arg10[%swap3A_732] : memref<336xi32, #tpu.memory_space<smem>>
    memref.store %squeeze3A_730, %arg10[%swap3A_732] : memref<336xi32, #tpu.memory_space<smem>>
    %slice3A_734 = vector.extract_strided_slice %get3A_668 {offsets = [13], sizes = [1], strides = [1]} : vector<16xi32> to vector<1xi32>
    %squeeze3A_735 = vector.extract %slice3A_734[0] : i32 from vector<1xi32>
    %swap3A_736 = arith.constant 141 : i32
    %swap3A_737 = arith.index_cast %swap3A_736 : i32 to index
    %swap3A_738 = memref.load %arg10[%swap3A_737] : memref<336xi32, #tpu.memory_space<smem>>
    memref.store %squeeze3A_735, %arg10[%swap3A_737] : memref<336xi32, #tpu.memory_space<smem>>
    %slice3A_739 = vector.extract_strided_slice %get3A_668 {offsets = [14], sizes = [1], strides = [1]} : vector<16xi32> to vector<1xi32>
    %squeeze3A_740 = vector.extract %slice3A_739[0] : i32 from vector<1xi32>
    %swap3A_741 = arith.constant 142 : i32
    %swap3A_742 = arith.index_cast %swap3A_741 : i32 to index
    %swap3A_743 = memref.load %arg10[%swap3A_742] : memref<336xi32, #tpu.memory_space<smem>>
    memref.store %squeeze3A_740, %arg10[%swap3A_742] : memref<336xi32, #tpu.memory_space<smem>>
    %slice3A_744 = vector.extract_strided_slice %get3A_668 {offsets = [15], sizes = [1], strides = [1]} : vector<16xi32> to vector<1xi32>
    %squeeze3A_745 = vector.extract %slice3A_744[0] : i32 from vector<1xi32>
    %swap3A_746 = arith.constant 143 : i32
    %swap3A_747 = arith.index_cast %swap3A_746 : i32 to index
    %swap3A_748 = memref.load %arg10[%swap3A_747] : memref<336xi32, #tpu.memory_space<smem>>
    memref.store %squeeze3A_745, %arg10[%swap3A_747] : memref<336xi32, #tpu.memory_space<smem>>
    %get3A_749 = arith.constant 144 : index
    %get3A_750 = tpu.vector_load %arg6[%get3A_749] {strides = array<i32>} : memref<336xi32, #tpu.memory_space<vmem>>, vector<16xi32>,
    %get3A_751 = vector.shape_cast %get3A_750 : vector<16xi32> to vector<16xi32>
    %slice3A_752 = vector.extract_strided_slice %get3A_751 {offsets = [0], sizes = [1], strides = [1]} : vector<16xi32> to vector<1xi32>
    %squeeze3A_753 = vector.extract %slice3A_752[0] : i32 from vector<1xi32>
    %swap3A_754 = arith.constant 144 : i32
    %swap3A_755 = arith.index_cast %swap3A_754 : i32 to index
    %swap3A_756 = memref.load %arg10[%swap3A_755] : memref<336xi32, #tpu.memory_space<smem>>
    memref.store %squeeze3A_753, %arg10[%swap3A_755] : memref<336xi32, #tpu.memory_space<smem>>
    %slice3A_757 = vector.extract_strided_slice %get3A_751 {offsets = [1], sizes = [1], strides = [1]} : vector<16xi32> to vector<1xi32>
    %squeeze3A_758 = vector.extract %slice3A_757[0] : i32 from vector<1xi32>
    %swap3A_759 = arith.constant 145 : i32
    %swap3A_760 = arith.index_cast %swap3A_759 : i32 to index
    %swap3A_761 = memref.load %arg10[%swap3A_760] : memref<336xi32, #tpu.memory_space<smem>>
    memref.store %squeeze3A_758, %arg10[%swap3A_760] : memref<336xi32, #tpu.memory_space<smem>>
    %slice3A_762 = vector.extract_strided_slice %get3A_751 {offsets = [2], sizes = [1], strides = [1]} : vector<16xi32> to vector<1xi32>
    %squeeze3A_763 = vector.extract %slice3A_762[0] : i32 from vector<1xi32>
    %swap3A_764 = arith.constant 146 : i32
    %swap3A_765 = arith.index_cast %swap3A_764 : i32 to index
    %swap3A_766 = memref.load %arg10[%swap3A_765] : memref<336xi32, #tpu.memory_space<smem>>
    memref.store %squeeze3A_763, %arg10[%swap3A_765] : memref<336xi32, #tpu.memory_space<smem>>
    %slice3A_767 = vector.extract_strided_slice %get3A_751 {offsets = [3], sizes = [1], strides = [1]} : vector<16xi32> to vector<1xi32>
    %squeeze3A_768 = vector.extract %slice3A_767[0] : i32 from vector<1xi32>
    %swap3A_769 = arith.constant 147 : i32
    %swap3A_770 = arith.index_cast %swap3A_769 : i32 to index
    %swap3A_771 = memref.load %arg10[%swap3A_770] : memref<336xi32, #tpu.memory_space<smem>>
    memref.store %squeeze3A_768, %arg10[%swap3A_770] : memref<336xi32, #tpu.memory_space<smem>>
    %slice3A_772 = vector.extract_strided_slice %get3A_751 {offsets = [4], sizes = [1], strides = [1]} : vector<16xi32> to vector<1xi32>
    %squeeze3A_773 = vector.extract %slice3A_772[0] : i32 from vector<1xi32>
    %swap3A_774 = arith.constant 148 : i32
    %swap3A_775 = arith.index_cast %swap3A_774 : i32 to index
    %swap3A_776 = memref.load %arg10[%swap3A_775] : memref<336xi32, #tpu.memory_space<smem>>
    memref.store %squeeze3A_773, %arg10[%swap3A_775] : memref<336xi32, #tpu.memory_space<smem>>
    %slice3A_777 = vector.extract_strided_slice %get3A_751 {offsets = [5], sizes = [1], strides = [1]} : vector<16xi32> to vector<1xi32>
    %squeeze3A_778 = vector.extract %slice3A_777[0] : i32 from vector<1xi32>
    %swap3A_779 = arith.constant 149 : i32
    %swap3A_780 = arith.index_cast %swap3A_779 : i32 to index
    %swap3A_781 = memref.load %arg10[%swap3A_780] : memref<336xi32, #tpu.memory_space<smem>>
    memref.store %squeeze3A_778, %arg10[%swap3A_780] : memref<336xi32, #tpu.memory_space<smem>>
    %slice3A_782 = vector.extract_strided_slice %get3A_751 {offsets = [6], sizes = [1], strides = [1]} : vector<16xi32> to vector<1xi32>
    %squeeze3A_783 = vector.extract %slice3A_782[0] : i32 from vector<1xi32>
    %swap3A_784 = arith.constant 150 : i32
    %swap3A_785 = arith.index_cast %swap3A_784 : i32 to index
    %swap3A_786 = memref.load %arg10[%swap3A_785] : memref<336xi32, #tpu.memory_space<smem>>
    memref.store %squeeze3A_783, %arg10[%swap3A_785] : memref<336xi32, #tpu.memory_space<smem>>
    %slice3A_787 = vector.extract_strided_slice %get3A_751 {offsets = [7], sizes = [1], strides = [1]} : vector<16xi32> to vector<1xi32>
    %squeeze3A_788 = vector.extract %slice3A_787[0] : i32 from vector<1xi32>
    %swap3A_789 = arith.constant 151 : i32
    %swap3A_790 = arith.index_cast %swap3A_789 : i32 to index
    %swap3A_791 = memref.load %arg10[%swap3A_790] : memref<336xi32, #tpu.memory_space<smem>>
    memref.store %squeeze3A_788, %arg10[%swap3A_790] : memref<336xi32, #tpu.memory_space<smem>>
    %slice3A_792 = vector.extract_strided_slice %get3A_751 {offsets = [8], sizes = [1], strides = [1]} : vector<16xi32> to vector<1xi32>
    %squeeze3A_793 = vector.extract %slice3A_792[0] : i32 from vector<1xi32>
    %swap3A_794 = arith.constant 152 : i32
    %swap3A_795 = arith.index_cast %swap3A_794 : i32 to index
    %swap3A_796 = memref.load %arg10[%swap3A_795] : memref<336xi32, #tpu.memory_space<smem>>
    memref.store %squeeze3A_793, %arg10[%swap3A_795] : memref<336xi32, #tpu.memory_space<smem>>
    %slice3A_797 = vector.extract_strided_slice %get3A_751 {offsets = [9], sizes = [1], strides = [1]} : vector<16xi32> to vector<1xi32>
    %squeeze3A_798 = vector.extract %slice3A_797[0] : i32 from vector<1xi32>
    %swap3A_799 = arith.constant 153 : i32
    %swap3A_800 = arith.index_cast %swap3A_799 : i32 to index
    %swap3A_801 = memref.load %arg10[%swap3A_800] : memref<336xi32, #tpu.memory_space<smem>>
    memref.store %squeeze3A_798, %arg10[%swap3A_800] : memref<336xi32, #tpu.memory_space<smem>>
    %slice3A_802 = vector.extract_strided_slice %get3A_751 {offsets = [10], sizes = [1], strides = [1]} : vector<16xi32> to vector<1xi32>
    %squeeze3A_803 = vector.extract %slice3A_802[0] : i32 from vector<1xi32>
    %swap3A_804 = arith.constant 154 : i32
    %swap3A_805 = arith.index_cast %swap3A_804 : i32 to index
    %swap3A_806 = memref.load %arg10[%swap3A_805] : memref<336xi32, #tpu.memory_space<smem>>
    memref.store %squeeze3A_803, %arg10[%swap3A_805] : memref<336xi32, #tpu.memory_space<smem>>
    %slice3A_807 = vector.extract_strided_slice %get3A_751 {offsets = [11], sizes = [1], strides = [1]} : vector<16xi32> to vector<1xi32>
    %squeeze3A_808 = vector.extract %slice3A_807[0] : i32 from vector<1xi32>
    %swap3A_809 = arith.constant 155 : i32
    %swap3A_810 = arith.index_cast %swap3A_809 : i32 to index
    %swap3A_811 = memref.load %arg10[%swap3A_810] : memref<336xi32, #tpu.memory_space<smem>>
    memref.store %squeeze3A_808, %arg10[%swap3A_810] : memref<336xi32, #tpu.memory_space<smem>>
    %slice3A_812 = vector.extract_strided_slice %get3A_751 {offsets = [12], sizes = [1], strides = [1]} : vector<16xi32> to vector<1xi32>
    %squeeze3A_813 = vector.extract %slice3A_812[0] : i32 from vector<1xi32>
    %swap3A_814 = arith.constant 156 : i32
    %swap3A_815 = arith.index_cast %swap3A_814 : i32 to index
    %swap3A_816 = memref.load %arg10[%swap3A_815] : memref<336xi32, #tpu.memory_space<smem>>
    memref.store %squeeze3A_813, %arg10[%swap3A_815] : memref<336xi32, #tpu.memory_space<smem>>
    %slice3A_817 = vector.extract_strided_slice %get3A_751 {offsets = [13], sizes = [1], strides = [1]} : vector<16xi32> to vector<1xi32>
    %squeeze3A_818 = vector.extract %slice3A_817[0] : i32 from vector<1xi32>
    %swap3A_819 = arith.constant 157 : i32
    %swap3A_820 = arith.index_cast %swap3A_819 : i32 to index
    %swap3A_821 = memref.load %arg10[%swap3A_820] : memref<336xi32, #tpu.memory_space<smem>>
    memref.store %squeeze3A_818, %arg10[%swap3A_820] : memref<336xi32, #tpu.memory_space<smem>>
    %slice3A_822 = vector.extract_strided_slice %get3A_751 {offsets = [14], sizes = [1], strides = [1]} : vector<16xi32> to vector<1xi32>
    %squeeze3A_823 = vector.extract %slice3A_822[0] : i32 from vector<1xi32>
    %swap3A_824 = arith.constant 158 : i32
    %swap3A_825 = arith.index_cast %swap3A_824 : i32 to index
    %swap3A_826 = memref.load %arg10[%swap3A_825] : memref<336xi32, #tpu.memory_space<smem>>
    memref.store %squeeze3A_823, %arg10[%swap3A_825] : memref<336xi32, #tpu.memory_space<smem>>
    %slice3A_827 = vector.extract_strided_slice %get3A_751 {offsets = [15], sizes = [1], strides = [1]} : vector<16xi32> to vector<1xi32>
    %squeeze3A_828 = vector.extract %slice3A_827[0] : i32 from vector<1xi32>
    %swap3A_829 = arith.constant 159 : i32
    %swap3A_830 = arith.index_cast %swap3A_829 : i32 to index
    %swap3A_831 = memref.load %arg10[%swap3A_830] : memref<336xi32, #tpu.memory_space<smem>>
    memref.store %squeeze3A_828, %arg10[%swap3A_830] : memref<336xi32, #tpu.memory_space<smem>>
    %get3A_832 = arith.constant 160 : index
    %get3A_833 = tpu.vector_load %arg6[%get3A_832] {strides = array<i32>} : memref<336xi32, #tpu.memory_space<vmem>>, vector<16xi32>,
    %get3A_834 = vector.shape_cast %get3A_833 : vector<16xi32> to vector<16xi32>
    %slice3A_835 = vector.extract_strided_slice %get3A_834 {offsets = [0], sizes = [1], strides = [1]} : vector<16xi32> to vector<1xi32>
    %squeeze3A_836 = vector.extract %slice3A_835[0] : i32 from vector<1xi32>
    %swap3A_837 = arith.constant 160 : i32
    %swap3A_838 = arith.index_cast %swap3A_837 : i32 to index
    %swap3A_839 = memref.load %arg10[%swap3A_838] : memref<336xi32, #tpu.memory_space<smem>>
    memref.store %squeeze3A_836, %arg10[%swap3A_838] : memref<336xi32, #tpu.memory_space<smem>>
    %slice3A_840 = vector.extract_strided_slice %get3A_834 {offsets = [1], sizes = [1], strides = [1]} : vector<16xi32> to vector<1xi32>
    %squeeze3A_841 = vector.extract %slice3A_840[0] : i32 from vector<1xi32>
    %swap3A_842 = arith.constant 161 : i32
    %swap3A_843 = arith.index_cast %swap3A_842 : i32 to index
    %swap3A_844 = memref.load %arg10[%swap3A_843] : memref<336xi32, #tpu.memory_space<smem>>
    memref.store %squeeze3A_841, %arg10[%swap3A_843] : memref<336xi32, #tpu.memory_space<smem>>
    %slice3A_845 = vector.extract_strided_slice %get3A_834 {offsets = [2], sizes = [1], strides = [1]} : vector<16xi32> to vector<1xi32>
    %squeeze3A_846 = vector.extract %slice3A_845[0] : i32 from vector<1xi32>
    %swap3A_847 = arith.constant 162 : i32
    %swap3A_848 = arith.index_cast %swap3A_847 : i32 to index
    %swap3A_849 = memref.load %arg10[%swap3A_848] : memref<336xi32, #tpu.memory_space<smem>>
    memref.store %squeeze3A_846, %arg10[%swap3A_848] : memref<336xi32, #tpu.memory_space<smem>>
    %slice3A_850 = vector.extract_strided_slice %get3A_834 {offsets = [3], sizes = [1], strides = [1]} : vector<16xi32> to vector<1xi32>
    %squeeze3A_851 = vector.extract %slice3A_850[0] : i32 from vector<1xi32>
    %swap3A_852 = arith.constant 163 : i32
    %swap3A_853 = arith.index_cast %swap3A_852 : i32 to index
    %swap3A_854 = memref.load %arg10[%swap3A_853] : memref<336xi32, #tpu.memory_space<smem>>
    memref.store %squeeze3A_851, %arg10[%swap3A_853] : memref<336xi32, #tpu.memory_space<smem>>
    %slice3A_855 = vector.extract_strided_slice %get3A_834 {offsets = [4], sizes = [1], strides = [1]} : vector<16xi32> to vector<1xi32>
    %squeeze3A_856 = vector.extract %slice3A_855[0] : i32 from vector<1xi32>
    %swap3A_857 = arith.constant 164 : i32
    %swap3A_858 = arith.index_cast %swap3A_857 : i32 to index
    %swap3A_859 = memref.load %arg10[%swap3A_858] : memref<336xi32, #tpu.memory_space<smem>>
    memref.store %squeeze3A_856, %arg10[%swap3A_858] : memref<336xi32, #tpu.memory_space<smem>>
    %slice3A_860 = vector.extract_strided_slice %get3A_834 {offsets = [5], sizes = [1], strides = [1]} : vector<16xi32> to vector<1xi32>
    %squeeze3A_861 = vector.extract %slice3A_860[0] : i32 from vector<1xi32>
    %swap3A_862 = arith.constant 165 : i32
    %swap3A_863 = arith.index_cast %swap3A_862 : i32 to index
    %swap3A_864 = memref.load %arg10[%swap3A_863] : memref<336xi32, #tpu.memory_space<smem>>
    memref.store %squeeze3A_861, %arg10[%swap3A_863] : memref<336xi32, #tpu.memory_space<smem>>
    %slice3A_865 = vector.extract_strided_slice %get3A_834 {offsets = [6], sizes = [1], strides = [1]} : vector<16xi32> to vector<1xi32>
    %squeeze3A_866 = vector.extract %slice3A_865[0] : i32 from vector<1xi32>
    %swap3A_867 = arith.constant 166 : i32
    %swap3A_868 = arith.index_cast %swap3A_867 : i32 to index
    %swap3A_869 = memref.load %arg10[%swap3A_868] : memref<336xi32, #tpu.memory_space<smem>>
    memref.store %squeeze3A_866, %arg10[%swap3A_868] : memref<336xi32, #tpu.memory_space<smem>>
    %slice3A_870 = vector.extract_strided_slice %get3A_834 {offsets = [7], sizes = [1], strides = [1]} : vector<16xi32> to vector<1xi32>
    %squeeze3A_871 = vector.extract %slice3A_870[0] : i32 from vector<1xi32>
    %swap3A_872 = arith.constant 167 : i32
    %swap3A_873 = arith.index_cast %swap3A_872 : i32 to index
    %swap3A_874 = memref.load %arg10[%swap3A_873] : memref<336xi32, #tpu.memory_space<smem>>
    memref.store %squeeze3A_871, %arg10[%swap3A_873] : memref<336xi32, #tpu.memory_space<smem>>
    %slice3A_875 = vector.extract_strided_slice %get3A_834 {offsets = [8], sizes = [1], strides = [1]} : vector<16xi32> to vector<1xi32>
    %squeeze3A_876 = vector.extract %slice3A_875[0] : i32 from vector<1xi32>
    %swap3A_877 = arith.constant 168 : i32
    %swap3A_878 = arith.index_cast %swap3A_877 : i32 to index
    %swap3A_879 = memref.load %arg10[%swap3A_878] : memref<336xi32, #tpu.memory_space<smem>>
    memref.store %squeeze3A_876, %arg10[%swap3A_878] : memref<336xi32, #tpu.memory_space<smem>>
    %slice3A_880 = vector.extract_strided_slice %get3A_834 {offsets = [9], sizes = [1], strides = [1]} : vector<16xi32> to vector<1xi32>
    %squeeze3A_881 = vector.extract %slice3A_880[0] : i32 from vector<1xi32>
    %swap3A_882 = arith.constant 169 : i32
    %swap3A_883 = arith.index_cast %swap3A_882 : i32 to index
    %swap3A_884 = memref.load %arg10[%swap3A_883] : memref<336xi32, #tpu.memory_space<smem>>
    memref.store %squeeze3A_881, %arg10[%swap3A_883] : memref<336xi32, #tpu.memory_space<smem>>
    %slice3A_885 = vector.extract_strided_slice %get3A_834 {offsets = [10], sizes = [1], strides = [1]} : vector<16xi32> to vector<1xi32>
    %squeeze3A_886 = vector.extract %slice3A_885[0] : i32 from vector<1xi32>
    %swap3A_887 = arith.constant 170 : i32
    %swap3A_888 = arith.index_cast %swap3A_887 : i32 to index
    %swap3A_889 = memref.load %arg10[%swap3A_888] : memref<336xi32, #tpu.memory_space<smem>>
    memref.store %squeeze3A_886, %arg10[%swap3A_888] : memref<336xi32, #tpu.memory_space<smem>>
    %slice3A_890 = vector.extract_strided_slice %get3A_834 {offsets = [11], sizes = [1], strides = [1]} : vector<16xi32> to vector<1xi32>
    %squeeze3A_891 = vector.extract %slice3A_890[0] : i32 from vector<1xi32>
    %swap3A_892 = arith.constant 171 : i32
    %swap3A_893 = arith.index_cast %swap3A_892 : i32 to index
    %swap3A_894 = memref.load %arg10[%swap3A_893] : memref<336xi32, #tpu.memory_space<smem>>
    memref.store %squeeze3A_891, %arg10[%swap3A_893] : memref<336xi32, #tpu.memory_space<smem>>
    %slice3A_895 = vector.extract_strided_slice %get3A_834 {offsets = [12], sizes = [1], strides = [1]} : vector<16xi32> to vector<1xi32>
    %squeeze3A_896 = vector.extract %slice3A_895[0] : i32 from vector<1xi32>
    %swap3A_897 = arith.constant 172 : i32
    %swap3A_898 = arith.index_cast %swap3A_897 : i32 to index
    %swap3A_899 = memref.load %arg10[%swap3A_898] : memref<336xi32, #tpu.memory_space<smem>>
    memref.store %squeeze3A_896, %arg10[%swap3A_898] : memref<336xi32, #tpu.memory_space<smem>>
    %slice3A_900 = vector.extract_strided_slice %get3A_834 {offsets = [13], sizes = [1], strides = [1]} : vector<16xi32> to vector<1xi32>
    %squeeze3A_901 = vector.extract %slice3A_900[0] : i32 from vector<1xi32>
    %swap3A_902 = arith.constant 173 : i32
    %swap3A_903 = arith.index_cast %swap3A_902 : i32 to index
    %swap3A_904 = memref.load %arg10[%swap3A_903] : memref<336xi32, #tpu.memory_space<smem>>
    memref.store %squeeze3A_901, %arg10[%swap3A_903] : memref<336xi32, #tpu.memory_space<smem>>
    %slice3A_905 = vector.extract_strided_slice %get3A_834 {offsets = [14], sizes = [1], strides = [1]} : vector<16xi32> to vector<1xi32>
    %squeeze3A_906 = vector.extract %slice3A_905[0] : i32 from vector<1xi32>
    %swap3A_907 = arith.constant 174 : i32
    %swap3A_908 = arith.index_cast %swap3A_907 : i32 to index
    %swap3A_909 = memref.load %arg10[%swap3A_908] : memref<336xi32, #tpu.memory_space<smem>>
    memref.store %squeeze3A_906, %arg10[%swap3A_908] : memref<336xi32, #tpu.memory_space<smem>>
    %slice3A_910 = vector.extract_strided_slice %get3A_834 {offsets = [15], sizes = [1], strides = [1]} : vector<16xi32> to vector<1xi32>
    %squeeze3A_911 = vector.extract %slice3A_910[0] : i32 from vector<1xi32>
    %swap3A_912 = arith.constant 175 : i32
    %swap3A_913 = arith.index_cast %swap3A_912 : i32 to index
    %swap3A_914 = memref.load %arg10[%swap3A_913] : memref<336xi32, #tpu.memory_space<smem>>
    memref.store %squeeze3A_911, %arg10[%swap3A_913] : memref<336xi32, #tpu.memory_space<smem>>
    %get3A_915 = arith.constant 176 : index
    %get3A_916 = tpu.vector_load %arg6[%get3A_915] {strides = array<i32>} : memref<336xi32, #tpu.memory_space<vmem>>, vector<16xi32>,
    %get3A_917 = vector.shape_cast %get3A_916 : vector<16xi32> to vector<16xi32>
    %slice3A_918 = vector.extract_strided_slice %get3A_917 {offsets = [0], sizes = [1], strides = [1]} : vector<16xi32> to vector<1xi32>
    %squeeze3A_919 = vector.extract %slice3A_918[0] : i32 from vector<1xi32>
    %swap3A_920 = arith.constant 176 : i32
    %swap3A_921 = arith.index_cast %swap3A_920 : i32 to index
    %swap3A_922 = memref.load %arg10[%swap3A_921] : memref<336xi32, #tpu.memory_space<smem>>
    memref.store %squeeze3A_919, %arg10[%swap3A_921] : memref<336xi32, #tpu.memory_space<smem>>
    %slice3A_923 = vector.extract_strided_slice %get3A_917 {offsets = [1], sizes = [1], strides = [1]} : vector<16xi32> to vector<1xi32>
    %squeeze3A_924 = vector.extract %slice3A_923[0] : i32 from vector<1xi32>
    %swap3A_925 = arith.constant 177 : i32
    %swap3A_926 = arith.index_cast %swap3A_925 : i32 to index
    %swap3A_927 = memref.load %arg10[%swap3A_926] : memref<336xi32, #tpu.memory_space<smem>>
    memref.store %squeeze3A_924, %arg10[%swap3A_926] : memref<336xi32, #tpu.memory_space<smem>>
    %slice3A_928 = vector.extract_strided_slice %get3A_917 {offsets = [2], sizes = [1], strides = [1]} : vector<16xi32> to vector<1xi32>
    %squeeze3A_929 = vector.extract %slice3A_928[0] : i32 from vector<1xi32>
    %swap3A_930 = arith.constant 178 : i32
    %swap3A_931 = arith.index_cast %swap3A_930 : i32 to index
    %swap3A_932 = memref.load %arg10[%swap3A_931] : memref<336xi32, #tpu.memory_space<smem>>
    memref.store %squeeze3A_929, %arg10[%swap3A_931] : memref<336xi32, #tpu.memory_space<smem>>
    %slice3A_933 = vector.extract_strided_slice %get3A_917 {offsets = [3], sizes = [1], strides = [1]} : vector<16xi32> to vector<1xi32>
    %squeeze3A_934 = vector.extract %slice3A_933[0] : i32 from vector<1xi32>
    %swap3A_935 = arith.constant 179 : i32
    %swap3A_936 = arith.index_cast %swap3A_935 : i32 to index
    %swap3A_937 = memref.load %arg10[%swap3A_936] : memref<336xi32, #tpu.memory_space<smem>>
    memref.store %squeeze3A_934, %arg10[%swap3A_936] : memref<336xi32, #tpu.memory_space<smem>>
    %slice3A_938 = vector.extract_strided_slice %get3A_917 {offsets = [4], sizes = [1], strides = [1]} : vector<16xi32> to vector<1xi32>
    %squeeze3A_939 = vector.extract %slice3A_938[0] : i32 from vector<1xi32>
    %swap3A_940 = arith.constant 180 : i32
    %swap3A_941 = arith.index_cast %swap3A_940 : i32 to index
    %swap3A_942 = memref.load %arg10[%swap3A_941] : memref<336xi32, #tpu.memory_space<smem>>
    memref.store %squeeze3A_939, %arg10[%swap3A_941] : memref<336xi32, #tpu.memory_space<smem>>
    %slice3A_943 = vector.extract_strided_slice %get3A_917 {offsets = [5], sizes = [1], strides = [1]} : vector<16xi32> to vector<1xi32>
    %squeeze3A_944 = vector.extract %slice3A_943[0] : i32 from vector<1xi32>
    %swap3A_945 = arith.constant 181 : i32
    %swap3A_946 = arith.index_cast %swap3A_945 : i32 to index
    %swap3A_947 = memref.load %arg10[%swap3A_946] : memref<336xi32, #tpu.memory_space<smem>>
    memref.store %squeeze3A_944, %arg10[%swap3A_946] : memref<336xi32, #tpu.memory_space<smem>>
    %slice3A_948 = vector.extract_strided_slice %get3A_917 {offsets = [6], sizes = [1], strides = [1]} : vector<16xi32> to vector<1xi32>
    %squeeze3A_949 = vector.extract %slice3A_948[0] : i32 from vector<1xi32>
    %swap3A_950 = arith.constant 182 : i32
    %swap3A_951 = arith.index_cast %swap3A_950 : i32 to index
    %swap3A_952 = memref.load %arg10[%swap3A_951] : memref<336xi32, #tpu.memory_space<smem>>
    memref.store %squeeze3A_949, %arg10[%swap3A_951] : memref<336xi32, #tpu.memory_space<smem>>
    %slice3A_953 = vector.extract_strided_slice %get3A_917 {offsets = [7], sizes = [1], strides = [1]} : vector<16xi32> to vector<1xi32>
    %squeeze3A_954 = vector.extract %slice3A_953[0] : i32 from vector<1xi32>
    %swap3A_955 = arith.constant 183 : i32
    %swap3A_956 = arith.index_cast %swap3A_955 : i32 to index
    %swap3A_957 = memref.load %arg10[%swap3A_956] : memref<336xi32, #tpu.memory_space<smem>>
    memref.store %squeeze3A_954, %arg10[%swap3A_956] : memref<336xi32, #tpu.memory_space<smem>>
    %slice3A_958 = vector.extract_strided_slice %get3A_917 {offsets = [8], sizes = [1], strides = [1]} : vector<16xi32> to vector<1xi32>
    %squeeze3A_959 = vector.extract %slice3A_958[0] : i32 from vector<1xi32>
    %swap3A_960 = arith.constant 184 : i32
    %swap3A_961 = arith.index_cast %swap3A_960 : i32 to index
    %swap3A_962 = memref.load %arg10[%swap3A_961] : memref<336xi32, #tpu.memory_space<smem>>
    memref.store %squeeze3A_959, %arg10[%swap3A_961] : memref<336xi32, #tpu.memory_space<smem>>
    %slice3A_963 = vector.extract_strided_slice %get3A_917 {offsets = [9], sizes = [1], strides = [1]} : vector<16xi32> to vector<1xi32>
    %squeeze3A_964 = vector.extract %slice3A_963[0] : i32 from vector<1xi32>
    %swap3A_965 = arith.constant 185 : i32
    %swap3A_966 = arith.index_cast %swap3A_965 : i32 to index
    %swap3A_967 = memref.load %arg10[%swap3A_966] : memref<336xi32, #tpu.memory_space<smem>>
    memref.store %squeeze3A_964, %arg10[%swap3A_966] : memref<336xi32, #tpu.memory_space<smem>>
    %slice3A_968 = vector.extract_strided_slice %get3A_917 {offsets = [10], sizes = [1], strides = [1]} : vector<16xi32> to vector<1xi32>
    %squeeze3A_969 = vector.extract %slice3A_968[0] : i32 from vector<1xi32>
    %swap3A_970 = arith.constant 186 : i32
    %swap3A_971 = arith.index_cast %swap3A_970 : i32 to index
    %swap3A_972 = memref.load %arg10[%swap3A_971] : memref<336xi32, #tpu.memory_space<smem>>
    memref.store %squeeze3A_969, %arg10[%swap3A_971] : memref<336xi32, #tpu.memory_space<smem>>
    %slice3A_973 = vector.extract_strided_slice %get3A_917 {offsets = [11], sizes = [1], strides = [1]} : vector<16xi32> to vector<1xi32>
    %squeeze3A_974 = vector.extract %slice3A_973[0] : i32 from vector<1xi32>
    %swap3A_975 = arith.constant 187 : i32
    %swap3A_976 = arith.index_cast %swap3A_975 : i32 to index
    %swap3A_977 = memref.load %arg10[%swap3A_976] : memref<336xi32, #tpu.memory_space<smem>>
    memref.store %squeeze3A_974, %arg10[%swap3A_976] : memref<336xi32, #tpu.memory_space<smem>>
    %slice3A_978 = vector.extract_strided_slice %get3A_917 {offsets = [12], sizes = [1], strides = [1]} : vector<16xi32> to vector<1xi32>
    %squeeze3A_979 = vector.extract %slice3A_978[0] : i32 from vector<1xi32>
    %swap3A_980 = arith.constant 188 : i32
    %swap3A_981 = arith.index_cast %swap3A_980 : i32 to index
    %swap3A_982 = memref.load %arg10[%swap3A_981] : memref<336xi32, #tpu.memory_space<smem>>
    memref.store %squeeze3A_979, %arg10[%swap3A_981] : memref<336xi32, #tpu.memory_space<smem>>
    %slice3A_983 = vector.extract_strided_slice %get3A_917 {offsets = [13], sizes = [1], strides = [1]} : vector<16xi32> to vector<1xi32>
    %squeeze3A_984 = vector.extract %slice3A_983[0] : i32 from vector<1xi32>
    %swap3A_985 = arith.constant 189 : i32
    %swap3A_986 = arith.index_cast %swap3A_985 : i32 to index
    %swap3A_987 = memref.load %arg10[%swap3A_986] : memref<336xi32, #tpu.memory_space<smem>>
    memref.store %squeeze3A_984, %arg10[%swap3A_986] : memref<336xi32, #tpu.memory_space<smem>>
    %slice3A_988 = vector.extract_strided_slice %get3A_917 {offsets = [14], sizes = [1], strides = [1]} : vector<16xi32> to vector<1xi32>
    %squeeze3A_989 = vector.extract %slice3A_988[0] : i32 from vector<1xi32>
    %swap3A_990 = arith.constant 190 : i32
    %swap3A_991 = arith.index_cast %swap3A_990 : i32 to index
    %swap3A_992 = memref.load %arg10[%swap3A_991] : memref<336xi32, #tpu.memory_space<smem>>
    memref.store %squeeze3A_989, %arg10[%swap3A_991] : memref<336xi32, #tpu.memory_space<smem>>
    %slice3A_993 = vector.extract_strided_slice %get3A_917 {offsets = [15], sizes = [1], strides = [1]} : vector<16xi32> to vector<1xi32>
    %squeeze3A_994 = vector.extract %slice3A_993[0] : i32 from vector<1xi32>
    %swap3A_995 = arith.constant 191 : i32
    %swap3A_996 = arith.index_cast %swap3A_995 : i32 to index
    %swap3A_997 = memref.load %arg10[%swap3A_996] : memref<336xi32, #tpu.memory_space<smem>>
    memref.store %squeeze3A_994, %arg10[%swap3A_996] : memref<336xi32, #tpu.memory_space<smem>>
    %get3A_998 = arith.constant 192 : index
    %get3A_999 = tpu.vector_load %arg6[%get3A_998] {strides = array<i32>} : memref<336xi32, #tpu.memory_space<vmem>>, vector<16xi32>,
    %get3A_1000 = vector.shape_cast %get3A_999 : vector<16xi32> to vector<16xi32>
    %slice3A_1001 = vector.extract_strided_slice %get3A_1000 {offsets = [0], sizes = [1], strides = [1]} : vector<16xi32> to vector<1xi32>
    %squeeze3A_1002 = vector.extract %slice3A_1001[0] : i32 from vector<1xi32>
    %swap3A_1003 = arith.constant 192 : i32
    %swap3A_1004 = arith.index_cast %swap3A_1003 : i32 to index
    %swap3A_1005 = memref.load %arg10[%swap3A_1004] : memref<336xi32, #tpu.memory_space<smem>>
    memref.store %squeeze3A_1002, %arg10[%swap3A_1004] : memref<336xi32, #tpu.memory_space<smem>>
    %slice3A_1006 = vector.extract_strided_slice %get3A_1000 {offsets = [1], sizes = [1], strides = [1]} : vector<16xi32> to vector<1xi32>
    %squeeze3A_1007 = vector.extract %slice3A_1006[0] : i32 from vector<1xi32>
    %swap3A_1008 = arith.constant 193 : i32
    %swap3A_1009 = arith.index_cast %swap3A_1008 : i32 to index
    %swap3A_1010 = memref.load %arg10[%swap3A_1009] : memref<336xi32, #tpu.memory_space<smem>>
    memref.store %squeeze3A_1007, %arg10[%swap3A_1009] : memref<336xi32, #tpu.memory_space<smem>>
    %slice3A_1011 = vector.extract_strided_slice %get3A_1000 {offsets = [2], sizes = [1], strides = [1]} : vector<16xi32> to vector<1xi32>
    %squeeze3A_1012 = vector.extract %slice3A_1011[0] : i32 from vector<1xi32>
    %swap3A_1013 = arith.constant 194 : i32
    %swap3A_1014 = arith.index_cast %swap3A_1013 : i32 to index
    %swap3A_1015 = memref.load %arg10[%swap3A_1014] : memref<336xi32, #tpu.memory_space<smem>>
    memref.store %squeeze3A_1012, %arg10[%swap3A_1014] : memref<336xi32, #tpu.memory_space<smem>>
    %slice3A_1016 = vector.extract_strided_slice %get3A_1000 {offsets = [3], sizes = [1], strides = [1]} : vector<16xi32> to vector<1xi32>
    %squeeze3A_1017 = vector.extract %slice3A_1016[0] : i32 from vector<1xi32>
    %swap3A_1018 = arith.constant 195 : i32
    %swap3A_1019 = arith.index_cast %swap3A_1018 : i32 to index
    %swap3A_1020 = memref.load %arg10[%swap3A_1019] : memref<336xi32, #tpu.memory_space<smem>>
    memref.store %squeeze3A_1017, %arg10[%swap3A_1019] : memref<336xi32, #tpu.memory_space<smem>>
    %slice3A_1021 = vector.extract_strided_slice %get3A_1000 {offsets = [4], sizes = [1], strides = [1]} : vector<16xi32> to vector<1xi32>
    %squeeze3A_1022 = vector.extract %slice3A_1021[0] : i32 from vector<1xi32>
    %swap3A_1023 = arith.constant 196 : i32
    %swap3A_1024 = arith.index_cast %swap3A_1023 : i32 to index
    %swap3A_1025 = memref.load %arg10[%swap3A_1024] : memref<336xi32, #tpu.memory_space<smem>>
    memref.store %squeeze3A_1022, %arg10[%swap3A_1024] : memref<336xi32, #tpu.memory_space<smem>>
    %slice3A_1026 = vector.extract_strided_slice %get3A_1000 {offsets = [5], sizes = [1], strides = [1]} : vector<16xi32> to vector<1xi32>
    %squeeze3A_1027 = vector.extract %slice3A_1026[0] : i32 from vector<1xi32>
    %swap3A_1028 = arith.constant 197 : i32
    %swap3A_1029 = arith.index_cast %swap3A_1028 : i32 to index
    %swap3A_1030 = memref.load %arg10[%swap3A_1029] : memref<336xi32, #tpu.memory_space<smem>>
    memref.store %squeeze3A_1027, %arg10[%swap3A_1029] : memref<336xi32, #tpu.memory_space<smem>>
    %slice3A_1031 = vector.extract_strided_slice %get3A_1000 {offsets = [6], sizes = [1], strides = [1]} : vector<16xi32> to vector<1xi32>
    %squeeze3A_1032 = vector.extract %slice3A_1031[0] : i32 from vector<1xi32>
    %swap3A_1033 = arith.constant 198 : i32
    %swap3A_1034 = arith.index_cast %swap3A_1033 : i32 to index
    %swap3A_1035 = memref.load %arg10[%swap3A_1034] : memref<336xi32, #tpu.memory_space<smem>>
    memref.store %squeeze3A_1032, %arg10[%swap3A_1034] : memref<336xi32, #tpu.memory_space<smem>>
    %slice3A_1036 = vector.extract_strided_slice %get3A_1000 {offsets = [7], sizes = [1], strides = [1]} : vector<16xi32> to vector<1xi32>
    %squeeze3A_1037 = vector.extract %slice3A_1036[0] : i32 from vector<1xi32>
    %swap3A_1038 = arith.constant 199 : i32
    %swap3A_1039 = arith.index_cast %swap3A_1038 : i32 to index
    %swap3A_1040 = memref.load %arg10[%swap3A_1039] : memref<336xi32, #tpu.memory_space<smem>>
    memref.store %squeeze3A_1037, %arg10[%swap3A_1039] : memref<336xi32, #tpu.memory_space<smem>>
    %slice3A_1041 = vector.extract_strided_slice %get3A_1000 {offsets = [8], sizes = [1], strides = [1]} : vector<16xi32> to vector<1xi32>
    %squeeze3A_1042 = vector.extract %slice3A_1041[0] : i32 from vector<1xi32>
    %swap3A_1043 = arith.constant 200 : i32
    %swap3A_1044 = arith.index_cast %swap3A_1043 : i32 to index
    %swap3A_1045 = memref.load %arg10[%swap3A_1044] : memref<336xi32, #tpu.memory_space<smem>>
    memref.store %squeeze3A_1042, %arg10[%swap3A_1044] : memref<336xi32, #tpu.memory_space<smem>>
    %slice3A_1046 = vector.extract_strided_slice %get3A_1000 {offsets = [9], sizes = [1], strides = [1]} : vector<16xi32> to vector<1xi32>
    %squeeze3A_1047 = vector.extract %slice3A_1046[0] : i32 from vector<1xi32>
    %swap3A_1048 = arith.constant 201 : i32
    %swap3A_1049 = arith.index_cast %swap3A_1048 : i32 to index
    %swap3A_1050 = memref.load %arg10[%swap3A_1049] : memref<336xi32, #tpu.memory_space<smem>>
    memref.store %squeeze3A_1047, %arg10[%swap3A_1049] : memref<336xi32, #tpu.memory_space<smem>>
    %slice3A_1051 = vector.extract_strided_slice %get3A_1000 {offsets = [10], sizes = [1], strides = [1]} : vector<16xi32> to vector<1xi32>
    %squeeze3A_1052 = vector.extract %slice3A_1051[0] : i32 from vector<1xi32>
    %swap3A_1053 = arith.constant 202 : i32
    %swap3A_1054 = arith.index_cast %swap3A_1053 : i32 to index
    %swap3A_1055 = memref.load %arg10[%swap3A_1054] : memref<336xi32, #tpu.memory_space<smem>>
    memref.store %squeeze3A_1052, %arg10[%swap3A_1054] : memref<336xi32, #tpu.memory_space<smem>>
    %slice3A_1056 = vector.extract_strided_slice %get3A_1000 {offsets = [11], sizes = [1], strides = [1]} : vector<16xi32> to vector<1xi32>
    %squeeze3A_1057 = vector.extract %slice3A_1056[0] : i32 from vector<1xi32>
    %swap3A_1058 = arith.constant 203 : i32
    %swap3A_1059 = arith.index_cast %swap3A_1058 : i32 to index
    %swap3A_1060 = memref.load %arg10[%swap3A_1059] : memref<336xi32, #tpu.memory_space<smem>>
    memref.store %squeeze3A_1057, %arg10[%swap3A_1059] : memref<336xi32, #tpu.memory_space<smem>>
    %slice3A_1061 = vector.extract_strided_slice %get3A_1000 {offsets = [12], sizes = [1], strides = [1]} : vector<16xi32> to vector<1xi32>
    %squeeze3A_1062 = vector.extract %slice3A_1061[0] : i32 from vector<1xi32>
    %swap3A_1063 = arith.constant 204 : i32
    %swap3A_1064 = arith.index_cast %swap3A_1063 : i32 to index
    %swap3A_1065 = memref.load %arg10[%swap3A_1064] : memref<336xi32, #tpu.memory_space<smem>>
    memref.store %squeeze3A_1062, %arg10[%swap3A_1064] : memref<336xi32, #tpu.memory_space<smem>>
    %slice3A_1066 = vector.extract_strided_slice %get3A_1000 {offsets = [13], sizes = [1], strides = [1]} : vector<16xi32> to vector<1xi32>
    %squeeze3A_1067 = vector.extract %slice3A_1066[0] : i32 from vector<1xi32>
    %swap3A_1068 = arith.constant 205 : i32
    %swap3A_1069 = arith.index_cast %swap3A_1068 : i32 to index
    %swap3A_1070 = memref.load %arg10[%swap3A_1069] : memref<336xi32, #tpu.memory_space<smem>>
    memref.store %squeeze3A_1067, %arg10[%swap3A_1069] : memref<336xi32, #tpu.memory_space<smem>>
    %slice3A_1071 = vector.extract_strided_slice %get3A_1000 {offsets = [14], sizes = [1], strides = [1]} : vector<16xi32> to vector<1xi32>
    %squeeze3A_1072 = vector.extract %slice3A_1071[0] : i32 from vector<1xi32>
    %swap3A_1073 = arith.constant 206 : i32
    %swap3A_1074 = arith.index_cast %swap3A_1073 : i32 to index
    %swap3A_1075 = memref.load %arg10[%swap3A_1074] : memref<336xi32, #tpu.memory_space<smem>>
    memref.store %squeeze3A_1072, %arg10[%swap3A_1074] : memref<336xi32, #tpu.memory_space<smem>>
    %slice3A_1076 = vector.extract_strided_slice %get3A_1000 {offsets = [15], sizes = [1], strides = [1]} : vector<16xi32> to vector<1xi32>
    %squeeze3A_1077 = vector.extract %slice3A_1076[0] : i32 from vector<1xi32>
    %swap3A_1078 = arith.constant 207 : i32
    %swap3A_1079 = arith.index_cast %swap3A_1078 : i32 to index
    %swap3A_1080 = memref.load %arg10[%swap3A_1079] : memref<336xi32, #tpu.memory_space<smem>>
    memref.store %squeeze3A_1077, %arg10[%swap3A_1079] : memref<336xi32, #tpu.memory_space<smem>>
    %get3A_1081 = arith.constant 208 : index
    %get3A_1082 = tpu.vector_load %arg6[%get3A_1081] {strides = array<i32>} : memref<336xi32, #tpu.memory_space<vmem>>, vector<16xi32>,
    %get3A_1083 = vector.shape_cast %get3A_1082 : vector<16xi32> to vector<16xi32>
    %slice3A_1084 = vector.extract_strided_slice %get3A_1083 {offsets = [0], sizes = [1], strides = [1]} : vector<16xi32> to vector<1xi32>
    %squeeze3A_1085 = vector.extract %slice3A_1084[0] : i32 from vector<1xi32>
    %swap3A_1086 = arith.constant 208 : i32
    %swap3A_1087 = arith.index_cast %swap3A_1086 : i32 to index
    %swap3A_1088 = memref.load %arg10[%swap3A_1087] : memref<336xi32, #tpu.memory_space<smem>>
    memref.store %squeeze3A_1085, %arg10[%swap3A_1087] : memref<336xi32, #tpu.memory_space<smem>>
    %slice3A_1089 = vector.extract_strided_slice %get3A_1083 {offsets = [1], sizes = [1], strides = [1]} : vector<16xi32> to vector<1xi32>
    %squeeze3A_1090 = vector.extract %slice3A_1089[0] : i32 from vector<1xi32>
    %swap3A_1091 = arith.constant 209 : i32
    %swap3A_1092 = arith.index_cast %swap3A_1091 : i32 to index
    %swap3A_1093 = memref.load %arg10[%swap3A_1092] : memref<336xi32, #tpu.memory_space<smem>>
    memref.store %squeeze3A_1090, %arg10[%swap3A_1092] : memref<336xi32, #tpu.memory_space<smem>>
    %slice3A_1094 = vector.extract_strided_slice %get3A_1083 {offsets = [2], sizes = [1], strides = [1]} : vector<16xi32> to vector<1xi32>
    %squeeze3A_1095 = vector.extract %slice3A_1094[0] : i32 from vector<1xi32>
    %swap3A_1096 = arith.constant 210 : i32
    %swap3A_1097 = arith.index_cast %swap3A_1096 : i32 to index
    %swap3A_1098 = memref.load %arg10[%swap3A_1097] : memref<336xi32, #tpu.memory_space<smem>>
    memref.store %squeeze3A_1095, %arg10[%swap3A_1097] : memref<336xi32, #tpu.memory_space<smem>>
    %slice3A_1099 = vector.extract_strided_slice %get3A_1083 {offsets = [3], sizes = [1], strides = [1]} : vector<16xi32> to vector<1xi32>
    %squeeze3A_1100 = vector.extract %slice3A_1099[0] : i32 from vector<1xi32>
    %swap3A_1101 = arith.constant 211 : i32
    %swap3A_1102 = arith.index_cast %swap3A_1101 : i32 to index
    %swap3A_1103 = memref.load %arg10[%swap3A_1102] : memref<336xi32, #tpu.memory_space<smem>>
    memref.store %squeeze3A_1100, %arg10[%swap3A_1102] : memref<336xi32, #tpu.memory_space<smem>>
    %slice3A_1104 = vector.extract_strided_slice %get3A_1083 {offsets = [4], sizes = [1], strides = [1]} : vector<16xi32> to vector<1xi32>
    %squeeze3A_1105 = vector.extract %slice3A_1104[0] : i32 from vector<1xi32>
    %swap3A_1106 = arith.constant 212 : i32
    %swap3A_1107 = arith.index_cast %swap3A_1106 : i32 to index
    %swap3A_1108 = memref.load %arg10[%swap3A_1107] : memref<336xi32, #tpu.memory_space<smem>>
    memref.store %squeeze3A_1105, %arg10[%swap3A_1107] : memref<336xi32, #tpu.memory_space<smem>>
    %slice3A_1109 = vector.extract_strided_slice %get3A_1083 {offsets = [5], sizes = [1], strides = [1]} : vector<16xi32> to vector<1xi32>
    %squeeze3A_1110 = vector.extract %slice3A_1109[0] : i32 from vector<1xi32>
    %swap3A_1111 = arith.constant 213 : i32
    %swap3A_1112 = arith.index_cast %swap3A_1111 : i32 to index
    %swap3A_1113 = memref.load %arg10[%swap3A_1112] : memref<336xi32, #tpu.memory_space<smem>>
    memref.store %squeeze3A_1110, %arg10[%swap3A_1112] : memref<336xi32, #tpu.memory_space<smem>>
    %slice3A_1114 = vector.extract_strided_slice %get3A_1083 {offsets = [6], sizes = [1], strides = [1]} : vector<16xi32> to vector<1xi32>
    %squeeze3A_1115 = vector.extract %slice3A_1114[0] : i32 from vector<1xi32>
    %swap3A_1116 = arith.constant 214 : i32
    %swap3A_1117 = arith.index_cast %swap3A_1116 : i32 to index
    %swap3A_1118 = memref.load %arg10[%swap3A_1117] : memref<336xi32, #tpu.memory_space<smem>>
    memref.store %squeeze3A_1115, %arg10[%swap3A_1117] : memref<336xi32, #tpu.memory_space<smem>>
    %slice3A_1119 = vector.extract_strided_slice %get3A_1083 {offsets = [7], sizes = [1], strides = [1]} : vector<16xi32> to vector<1xi32>
    %squeeze3A_1120 = vector.extract %slice3A_1119[0] : i32 from vector<1xi32>
    %swap3A_1121 = arith.constant 215 : i32
    %swap3A_1122 = arith.index_cast %swap3A_1121 : i32 to index
    %swap3A_1123 = memref.load %arg10[%swap3A_1122] : memref<336xi32, #tpu.memory_space<smem>>
    memref.store %squeeze3A_1120, %arg10[%swap3A_1122] : memref<336xi32, #tpu.memory_space<smem>>
    %slice3A_1124 = vector.extract_strided_slice %get3A_1083 {offsets = [8], sizes = [1], strides = [1]} : vector<16xi32> to vector<1xi32>
    %squeeze3A_1125 = vector.extract %slice3A_1124[0] : i32 from vector<1xi32>
    %swap3A_1126 = arith.constant 216 : i32
    %swap3A_1127 = arith.index_cast %swap3A_1126 : i32 to index
    %swap3A_1128 = memref.load %arg10[%swap3A_1127] : memref<336xi32, #tpu.memory_space<smem>>
    memref.store %squeeze3A_1125, %arg10[%swap3A_1127] : memref<336xi32, #tpu.memory_space<smem>>
    %slice3A_1129 = vector.extract_strided_slice %get3A_1083 {offsets = [9], sizes = [1], strides = [1]} : vector<16xi32> to vector<1xi32>
    %squeeze3A_1130 = vector.extract %slice3A_1129[0] : i32 from vector<1xi32>
    %swap3A_1131 = arith.constant 217 : i32
    %swap3A_1132 = arith.index_cast %swap3A_1131 : i32 to index
    %swap3A_1133 = memref.load %arg10[%swap3A_1132] : memref<336xi32, #tpu.memory_space<smem>>
    memref.store %squeeze3A_1130, %arg10[%swap3A_1132] : memref<336xi32, #tpu.memory_space<smem>>
    %slice3A_1134 = vector.extract_strided_slice %get3A_1083 {offsets = [10], sizes = [1], strides = [1]} : vector<16xi32> to vector<1xi32>
    %squeeze3A_1135 = vector.extract %slice3A_1134[0] : i32 from vector<1xi32>
    %swap3A_1136 = arith.constant 218 : i32
    %swap3A_1137 = arith.index_cast %swap3A_1136 : i32 to index
    %swap3A_1138 = memref.load %arg10[%swap3A_1137] : memref<336xi32, #tpu.memory_space<smem>>
    memref.store %squeeze3A_1135, %arg10[%swap3A_1137] : memref<336xi32, #tpu.memory_space<smem>>
    %slice3A_1139 = vector.extract_strided_slice %get3A_1083 {offsets = [11], sizes = [1], strides = [1]} : vector<16xi32> to vector<1xi32>
    %squeeze3A_1140 = vector.extract %slice3A_1139[0] : i32 from vector<1xi32>
    %swap3A_1141 = arith.constant 219 : i32
    %swap3A_1142 = arith.index_cast %swap3A_1141 : i32 to index
    %swap3A_1143 = memref.load %arg10[%swap3A_1142] : memref<336xi32, #tpu.memory_space<smem>>
    memref.store %squeeze3A_1140, %arg10[%swap3A_1142] : memref<336xi32, #tpu.memory_space<smem>>
    %slice3A_1144 = vector.extract_strided_slice %get3A_1083 {offsets = [12], sizes = [1], strides = [1]} : vector<16xi32> to vector<1xi32>
    %squeeze3A_1145 = vector.extract %slice3A_1144[0] : i32 from vector<1xi32>
    %swap3A_1146 = arith.constant 220 : i32
    %swap3A_1147 = arith.index_cast %swap3A_1146 : i32 to index
    %swap3A_1148 = memref.load %arg10[%swap3A_1147] : memref<336xi32, #tpu.memory_space<smem>>
    memref.store %squeeze3A_1145, %arg10[%swap3A_1147] : memref<336xi32, #tpu.memory_space<smem>>
    %slice3A_1149 = vector.extract_strided_slice %get3A_1083 {offsets = [13], sizes = [1], strides = [1]} : vector<16xi32> to vector<1xi32>
    %squeeze3A_1150 = vector.extract %slice3A_1149[0] : i32 from vector<1xi32>
    %swap3A_1151 = arith.constant 221 : i32
    %swap3A_1152 = arith.index_cast %swap3A_1151 : i32 to index
    %swap3A_1153 = memref.load %arg10[%swap3A_1152] : memref<336xi32, #tpu.memory_space<smem>>
    memref.store %squeeze3A_1150, %arg10[%swap3A_1152] : memref<336xi32, #tpu.memory_space<smem>>
    %slice3A_1154 = vector.extract_strided_slice %get3A_1083 {offsets = [14], sizes = [1], strides = [1]} : vector<16xi32> to vector<1xi32>
    %squeeze3A_1155 = vector.extract %slice3A_1154[0] : i32 from vector<1xi32>
    %swap3A_1156 = arith.constant 222 : i32
    %swap3A_1157 = arith.index_cast %swap3A_1156 : i32 to index
    %swap3A_1158 = memref.load %arg10[%swap3A_1157] : memref<336xi32, #tpu.memory_space<smem>>
    memref.store %squeeze3A_1155, %arg10[%swap3A_1157] : memref<336xi32, #tpu.memory_space<smem>>
    %slice3A_1159 = vector.extract_strided_slice %get3A_1083 {offsets = [15], sizes = [1], strides = [1]} : vector<16xi32> to vector<1xi32>
    %squeeze3A_1160 = vector.extract %slice3A_1159[0] : i32 from vector<1xi32>
    %swap3A_1161 = arith.constant 223 : i32
    %swap3A_1162 = arith.index_cast %swap3A_1161 : i32 to index
    %swap3A_1163 = memref.load %arg10[%swap3A_1162] : memref<336xi32, #tpu.memory_space<smem>>
    memref.store %squeeze3A_1160, %arg10[%swap3A_1162] : memref<336xi32, #tpu.memory_space<smem>>
    %get3A_1164 = arith.constant 224 : index
    %get3A_1165 = tpu.vector_load %arg6[%get3A_1164] {strides = array<i32>} : memref<336xi32, #tpu.memory_space<vmem>>, vector<16xi32>,
    %get3A_1166 = vector.shape_cast %get3A_1165 : vector<16xi32> to vector<16xi32>
    %slice3A_1167 = vector.extract_strided_slice %get3A_1166 {offsets = [0], sizes = [1], strides = [1]} : vector<16xi32> to vector<1xi32>
    %squeeze3A_1168 = vector.extract %slice3A_1167[0] : i32 from vector<1xi32>
    %swap3A_1169 = arith.constant 224 : i32
    %swap3A_1170 = arith.index_cast %swap3A_1169 : i32 to index
    %swap3A_1171 = memref.load %arg10[%swap3A_1170] : memref<336xi32, #tpu.memory_space<smem>>
    memref.store %squeeze3A_1168, %arg10[%swap3A_1170] : memref<336xi32, #tpu.memory_space<smem>>
    %slice3A_1172 = vector.extract_strided_slice %get3A_1166 {offsets = [1], sizes = [1], strides = [1]} : vector<16xi32> to vector<1xi32>
    %squeeze3A_1173 = vector.extract %slice3A_1172[0] : i32 from vector<1xi32>
    %swap3A_1174 = arith.constant 225 : i32
    %swap3A_1175 = arith.index_cast %swap3A_1174 : i32 to index
    %swap3A_1176 = memref.load %arg10[%swap3A_1175] : memref<336xi32, #tpu.memory_space<smem>>
    memref.store %squeeze3A_1173, %arg10[%swap3A_1175] : memref<336xi32, #tpu.memory_space<smem>>
    %slice3A_1177 = vector.extract_strided_slice %get3A_1166 {offsets = [2], sizes = [1], strides = [1]} : vector<16xi32> to vector<1xi32>
    %squeeze3A_1178 = vector.extract %slice3A_1177[0] : i32 from vector<1xi32>
    %swap3A_1179 = arith.constant 226 : i32
    %swap3A_1180 = arith.index_cast %swap3A_1179 : i32 to index
    %swap3A_1181 = memref.load %arg10[%swap3A_1180] : memref<336xi32, #tpu.memory_space<smem>>
    memref.store %squeeze3A_1178, %arg10[%swap3A_1180] : memref<336xi32, #tpu.memory_space<smem>>
    %slice3A_1182 = vector.extract_strided_slice %get3A_1166 {offsets = [3], sizes = [1], strides = [1]} : vector<16xi32> to vector<1xi32>
    %squeeze3A_1183 = vector.extract %slice3A_1182[0] : i32 from vector<1xi32>
    %swap3A_1184 = arith.constant 227 : i32
    %swap3A_1185 = arith.index_cast %swap3A_1184 : i32 to index
    %swap3A_1186 = memref.load %arg10[%swap3A_1185] : memref<336xi32, #tpu.memory_space<smem>>
    memref.store %squeeze3A_1183, %arg10[%swap3A_1185] : memref<336xi32, #tpu.memory_space<smem>>
    %slice3A_1187 = vector.extract_strided_slice %get3A_1166 {offsets = [4], sizes = [1], strides = [1]} : vector<16xi32> to vector<1xi32>
    %squeeze3A_1188 = vector.extract %slice3A_1187[0] : i32 from vector<1xi32>
    %swap3A_1189 = arith.constant 228 : i32
    %swap3A_1190 = arith.index_cast %swap3A_1189 : i32 to index
    %swap3A_1191 = memref.load %arg10[%swap3A_1190] : memref<336xi32, #tpu.memory_space<smem>>
    memref.store %squeeze3A_1188, %arg10[%swap3A_1190] : memref<336xi32, #tpu.memory_space<smem>>
    %slice3A_1192 = vector.extract_strided_slice %get3A_1166 {offsets = [5], sizes = [1], strides = [1]} : vector<16xi32> to vector<1xi32>
    %squeeze3A_1193 = vector.extract %slice3A_1192[0] : i32 from vector<1xi32>
    %swap3A_1194 = arith.constant 229 : i32
    %swap3A_1195 = arith.index_cast %swap3A_1194 : i32 to index
    %swap3A_1196 = memref.load %arg10[%swap3A_1195] : memref<336xi32, #tpu.memory_space<smem>>
    memref.store %squeeze3A_1193, %arg10[%swap3A_1195] : memref<336xi32, #tpu.memory_space<smem>>
    %slice3A_1197 = vector.extract_strided_slice %get3A_1166 {offsets = [6], sizes = [1], strides = [1]} : vector<16xi32> to vector<1xi32>
    %squeeze3A_1198 = vector.extract %slice3A_1197[0] : i32 from vector<1xi32>
    %swap3A_1199 = arith.constant 230 : i32
    %swap3A_1200 = arith.index_cast %swap3A_1199 : i32 to index
    %swap3A_1201 = memref.load %arg10[%swap3A_1200] : memref<336xi32, #tpu.memory_space<smem>>
    memref.store %squeeze3A_1198, %arg10[%swap3A_1200] : memref<336xi32, #tpu.memory_space<smem>>
    %slice3A_1202 = vector.extract_strided_slice %get3A_1166 {offsets = [7], sizes = [1], strides = [1]} : vector<16xi32> to vector<1xi32>
    %squeeze3A_1203 = vector.extract %slice3A_1202[0] : i32 from vector<1xi32>
    %swap3A_1204 = arith.constant 231 : i32
    %swap3A_1205 = arith.index_cast %swap3A_1204 : i32 to index
    %swap3A_1206 = memref.load %arg10[%swap3A_1205] : memref<336xi32, #tpu.memory_space<smem>>
    memref.store %squeeze3A_1203, %arg10[%swap3A_1205] : memref<336xi32, #tpu.memory_space<smem>>
    %slice3A_1207 = vector.extract_strided_slice %get3A_1166 {offsets = [8], sizes = [1], strides = [1]} : vector<16xi32> to vector<1xi32>
    %squeeze3A_1208 = vector.extract %slice3A_1207[0] : i32 from vector<1xi32>
    %swap3A_1209 = arith.constant 232 : i32
    %swap3A_1210 = arith.index_cast %swap3A_1209 : i32 to index
    %swap3A_1211 = memref.load %arg10[%swap3A_1210] : memref<336xi32, #tpu.memory_space<smem>>
    memref.store %squeeze3A_1208, %arg10[%swap3A_1210] : memref<336xi32, #tpu.memory_space<smem>>
    %slice3A_1212 = vector.extract_strided_slice %get3A_1166 {offsets = [9], sizes = [1], strides = [1]} : vector<16xi32> to vector<1xi32>
    %squeeze3A_1213 = vector.extract %slice3A_1212[0] : i32 from vector<1xi32>
    %swap3A_1214 = arith.constant 233 : i32
    %swap3A_1215 = arith.index_cast %swap3A_1214 : i32 to index
    %swap3A_1216 = memref.load %arg10[%swap3A_1215] : memref<336xi32, #tpu.memory_space<smem>>
    memref.store %squeeze3A_1213, %arg10[%swap3A_1215] : memref<336xi32, #tpu.memory_space<smem>>
    %slice3A_1217 = vector.extract_strided_slice %get3A_1166 {offsets = [10], sizes = [1], strides = [1]} : vector<16xi32> to vector<1xi32>
    %squeeze3A_1218 = vector.extract %slice3A_1217[0] : i32 from vector<1xi32>
    %swap3A_1219 = arith.constant 234 : i32
    %swap3A_1220 = arith.index_cast %swap3A_1219 : i32 to index
    %swap3A_1221 = memref.load %arg10[%swap3A_1220] : memref<336xi32, #tpu.memory_space<smem>>
    memref.store %squeeze3A_1218, %arg10[%swap3A_1220] : memref<336xi32, #tpu.memory_space<smem>>
    %slice3A_1222 = vector.extract_strided_slice %get3A_1166 {offsets = [11], sizes = [1], strides = [1]} : vector<16xi32> to vector<1xi32>
    %squeeze3A_1223 = vector.extract %slice3A_1222[0] : i32 from vector<1xi32>
    %swap3A_1224 = arith.constant 235 : i32
    %swap3A_1225 = arith.index_cast %swap3A_1224 : i32 to index
    %swap3A_1226 = memref.load %arg10[%swap3A_1225] : memref<336xi32, #tpu.memory_space<smem>>
    memref.store %squeeze3A_1223, %arg10[%swap3A_1225] : memref<336xi32, #tpu.memory_space<smem>>
    %slice3A_1227 = vector.extract_strided_slice %get3A_1166 {offsets = [12], sizes = [1], strides = [1]} : vector<16xi32> to vector<1xi32>
    %squeeze3A_1228 = vector.extract %slice3A_1227[0] : i32 from vector<1xi32>
    %swap3A_1229 = arith.constant 236 : i32
    %swap3A_1230 = arith.index_cast %swap3A_1229 : i32 to index
    %swap3A_1231 = memref.load %arg10[%swap3A_1230] : memref<336xi32, #tpu.memory_space<smem>>
    memref.store %squeeze3A_1228, %arg10[%swap3A_1230] : memref<336xi32, #tpu.memory_space<smem>>
    %slice3A_1232 = vector.extract_strided_slice %get3A_1166 {offsets = [13], sizes = [1], strides = [1]} : vector<16xi32> to vector<1xi32>
    %squeeze3A_1233 = vector.extract %slice3A_1232[0] : i32 from vector<1xi32>
    %swap3A_1234 = arith.constant 237 : i32
    %swap3A_1235 = arith.index_cast %swap3A_1234 : i32 to index
    %swap3A_1236 = memref.load %arg10[%swap3A_1235] : memref<336xi32, #tpu.memory_space<smem>>
    memref.store %squeeze3A_1233, %arg10[%swap3A_1235] : memref<336xi32, #tpu.memory_space<smem>>
    %slice3A_1237 = vector.extract_strided_slice %get3A_1166 {offsets = [14], sizes = [1], strides = [1]} : vector<16xi32> to vector<1xi32>
    %squeeze3A_1238 = vector.extract %slice3A_1237[0] : i32 from vector<1xi32>
    %swap3A_1239 = arith.constant 238 : i32
    %swap3A_1240 = arith.index_cast %swap3A_1239 : i32 to index
    %swap3A_1241 = memref.load %arg10[%swap3A_1240] : memref<336xi32, #tpu.memory_space<smem>>
    memref.store %squeeze3A_1238, %arg10[%swap3A_1240] : memref<336xi32, #tpu.memory_space<smem>>
    %slice3A_1242 = vector.extract_strided_slice %get3A_1166 {offsets = [15], sizes = [1], strides = [1]} : vector<16xi32> to vector<1xi32>
    %squeeze3A_1243 = vector.extract %slice3A_1242[0] : i32 from vector<1xi32>
    %swap3A_1244 = arith.constant 239 : i32
    %swap3A_1245 = arith.index_cast %swap3A_1244 : i32 to index
    %swap3A_1246 = memref.load %arg10[%swap3A_1245] : memref<336xi32, #tpu.memory_space<smem>>
    memref.store %squeeze3A_1243, %arg10[%swap3A_1245] : memref<336xi32, #tpu.memory_space<smem>>
    %get3A_1247 = arith.constant 240 : index
    %get3A_1248 = tpu.vector_load %arg6[%get3A_1247] {strides = array<i32>} : memref<336xi32, #tpu.memory_space<vmem>>, vector<16xi32>,
    %get3A_1249 = vector.shape_cast %get3A_1248 : vector<16xi32> to vector<16xi32>
    %slice3A_1250 = vector.extract_strided_slice %get3A_1249 {offsets = [0], sizes = [1], strides = [1]} : vector<16xi32> to vector<1xi32>
    %squeeze3A_1251 = vector.extract %slice3A_1250[0] : i32 from vector<1xi32>
    %swap3A_1252 = arith.constant 240 : i32
    %swap3A_1253 = arith.index_cast %swap3A_1252 : i32 to index
    %swap3A_1254 = memref.load %arg10[%swap3A_1253] : memref<336xi32, #tpu.memory_space<smem>>
    memref.store %squeeze3A_1251, %arg10[%swap3A_1253] : memref<336xi32, #tpu.memory_space<smem>>
    %slice3A_1255 = vector.extract_strided_slice %get3A_1249 {offsets = [1], sizes = [1], strides = [1]} : vector<16xi32> to vector<1xi32>
    %squeeze3A_1256 = vector.extract %slice3A_1255[0] : i32 from vector<1xi32>
    %swap3A_1257 = arith.constant 241 : i32
    %swap3A_1258 = arith.index_cast %swap3A_1257 : i32 to index
    %swap3A_1259 = memref.load %arg10[%swap3A_1258] : memref<336xi32, #tpu.memory_space<smem>>
    memref.store %squeeze3A_1256, %arg10[%swap3A_1258] : memref<336xi32, #tpu.memory_space<smem>>
    %slice3A_1260 = vector.extract_strided_slice %get3A_1249 {offsets = [2], sizes = [1], strides = [1]} : vector<16xi32> to vector<1xi32>
    %squeeze3A_1261 = vector.extract %slice3A_1260[0] : i32 from vector<1xi32>
    %swap3A_1262 = arith.constant 242 : i32
    %swap3A_1263 = arith.index_cast %swap3A_1262 : i32 to index
    %swap3A_1264 = memref.load %arg10[%swap3A_1263] : memref<336xi32, #tpu.memory_space<smem>>
    memref.store %squeeze3A_1261, %arg10[%swap3A_1263] : memref<336xi32, #tpu.memory_space<smem>>
    %slice3A_1265 = vector.extract_strided_slice %get3A_1249 {offsets = [3], sizes = [1], strides = [1]} : vector<16xi32> to vector<1xi32>
    %squeeze3A_1266 = vector.extract %slice3A_1265[0] : i32 from vector<1xi32>
    %swap3A_1267 = arith.constant 243 : i32
    %swap3A_1268 = arith.index_cast %swap3A_1267 : i32 to index
    %swap3A_1269 = memref.load %arg10[%swap3A_1268] : memref<336xi32, #tpu.memory_space<smem>>
    memref.store %squeeze3A_1266, %arg10[%swap3A_1268] : memref<336xi32, #tpu.memory_space<smem>>
    %slice3A_1270 = vector.extract_strided_slice %get3A_1249 {offsets = [4], sizes = [1], strides = [1]} : vector<16xi32> to vector<1xi32>
    %squeeze3A_1271 = vector.extract %slice3A_1270[0] : i32 from vector<1xi32>
    %swap3A_1272 = arith.constant 244 : i32
    %swap3A_1273 = arith.index_cast %swap3A_1272 : i32 to index
    %swap3A_1274 = memref.load %arg10[%swap3A_1273] : memref<336xi32, #tpu.memory_space<smem>>
    memref.store %squeeze3A_1271, %arg10[%swap3A_1273] : memref<336xi32, #tpu.memory_space<smem>>
    %slice3A_1275 = vector.extract_strided_slice %get3A_1249 {offsets = [5], sizes = [1], strides = [1]} : vector<16xi32> to vector<1xi32>
    %squeeze3A_1276 = vector.extract %slice3A_1275[0] : i32 from vector<1xi32>
    %swap3A_1277 = arith.constant 245 : i32
    %swap3A_1278 = arith.index_cast %swap3A_1277 : i32 to index
    %swap3A_1279 = memref.load %arg10[%swap3A_1278] : memref<336xi32, #tpu.memory_space<smem>>
    memref.store %squeeze3A_1276, %arg10[%swap3A_1278] : memref<336xi32, #tpu.memory_space<smem>>
    %slice3A_1280 = vector.extract_strided_slice %get3A_1249 {offsets = [6], sizes = [1], strides = [1]} : vector<16xi32> to vector<1xi32>
    %squeeze3A_1281 = vector.extract %slice3A_1280[0] : i32 from vector<1xi32>
    %swap3A_1282 = arith.constant 246 : i32
    %swap3A_1283 = arith.index_cast %swap3A_1282 : i32 to index
    %swap3A_1284 = memref.load %arg10[%swap3A_1283] : memref<336xi32, #tpu.memory_space<smem>>
    memref.store %squeeze3A_1281, %arg10[%swap3A_1283] : memref<336xi32, #tpu.memory_space<smem>>
    %slice3A_1285 = vector.extract_strided_slice %get3A_1249 {offsets = [7], sizes = [1], strides = [1]} : vector<16xi32> to vector<1xi32>
    %squeeze3A_1286 = vector.extract %slice3A_1285[0] : i32 from vector<1xi32>
    %swap3A_1287 = arith.constant 247 : i32
    %swap3A_1288 = arith.index_cast %swap3A_1287 : i32 to index
    %swap3A_1289 = memref.load %arg10[%swap3A_1288] : memref<336xi32, #tpu.memory_space<smem>>
    memref.store %squeeze3A_1286, %arg10[%swap3A_1288] : memref<336xi32, #tpu.memory_space<smem>>
    %slice3A_1290 = vector.extract_strided_slice %get3A_1249 {offsets = [8], sizes = [1], strides = [1]} : vector<16xi32> to vector<1xi32>
    %squeeze3A_1291 = vector.extract %slice3A_1290[0] : i32 from vector<1xi32>
    %swap3A_1292 = arith.constant 248 : i32
    %swap3A_1293 = arith.index_cast %swap3A_1292 : i32 to index
    %swap3A_1294 = memref.load %arg10[%swap3A_1293] : memref<336xi32, #tpu.memory_space<smem>>
    memref.store %squeeze3A_1291, %arg10[%swap3A_1293] : memref<336xi32, #tpu.memory_space<smem>>
    %slice3A_1295 = vector.extract_strided_slice %get3A_1249 {offsets = [9], sizes = [1], strides = [1]} : vector<16xi32> to vector<1xi32>
    %squeeze3A_1296 = vector.extract %slice3A_1295[0] : i32 from vector<1xi32>
    %swap3A_1297 = arith.constant 249 : i32
    %swap3A_1298 = arith.index_cast %swap3A_1297 : i32 to index
    %swap3A_1299 = memref.load %arg10[%swap3A_1298] : memref<336xi32, #tpu.memory_space<smem>>
    memref.store %squeeze3A_1296, %arg10[%swap3A_1298] : memref<336xi32, #tpu.memory_space<smem>>
    %slice3A_1300 = vector.extract_strided_slice %get3A_1249 {offsets = [10], sizes = [1], strides = [1]} : vector<16xi32> to vector<1xi32>
    %squeeze3A_1301 = vector.extract %slice3A_1300[0] : i32 from vector<1xi32>
    %swap3A_1302 = arith.constant 250 : i32
    %swap3A_1303 = arith.index_cast %swap3A_1302 : i32 to index
    %swap3A_1304 = memref.load %arg10[%swap3A_1303] : memref<336xi32, #tpu.memory_space<smem>>
    memref.store %squeeze3A_1301, %arg10[%swap3A_1303] : memref<336xi32, #tpu.memory_space<smem>>
    %slice3A_1305 = vector.extract_strided_slice %get3A_1249 {offsets = [11], sizes = [1], strides = [1]} : vector<16xi32> to vector<1xi32>
    %squeeze3A_1306 = vector.extract %slice3A_1305[0] : i32 from vector<1xi32>
    %swap3A_1307 = arith.constant 251 : i32
    %swap3A_1308 = arith.index_cast %swap3A_1307 : i32 to index
    %swap3A_1309 = memref.load %arg10[%swap3A_1308] : memref<336xi32, #tpu.memory_space<smem>>
    memref.store %squeeze3A_1306, %arg10[%swap3A_1308] : memref<336xi32, #tpu.memory_space<smem>>
    %slice3A_1310 = vector.extract_strided_slice %get3A_1249 {offsets = [12], sizes = [1], strides = [1]} : vector<16xi32> to vector<1xi32>
    %squeeze3A_1311 = vector.extract %slice3A_1310[0] : i32 from vector<1xi32>
    %swap3A_1312 = arith.constant 252 : i32
    %swap3A_1313 = arith.index_cast %swap3A_1312 : i32 to index
    %swap3A_1314 = memref.load %arg10[%swap3A_1313] : memref<336xi32, #tpu.memory_space<smem>>
    memref.store %squeeze3A_1311, %arg10[%swap3A_1313] : memref<336xi32, #tpu.memory_space<smem>>
    %slice3A_1315 = vector.extract_strided_slice %get3A_1249 {offsets = [13], sizes = [1], strides = [1]} : vector<16xi32> to vector<1xi32>
    %squeeze3A_1316 = vector.extract %slice3A_1315[0] : i32 from vector<1xi32>
    %swap3A_1317 = arith.constant 253 : i32
    %swap3A_1318 = arith.index_cast %swap3A_1317 : i32 to index
    %swap3A_1319 = memref.load %arg10[%swap3A_1318] : memref<336xi32, #tpu.memory_space<smem>>
    memref.store %squeeze3A_1316, %arg10[%swap3A_1318] : memref<336xi32, #tpu.memory_space<smem>>
    %slice3A_1320 = vector.extract_strided_slice %get3A_1249 {offsets = [14], sizes = [1], strides = [1]} : vector<16xi32> to vector<1xi32>
    %squeeze3A_1321 = vector.extract %slice3A_1320[0] : i32 from vector<1xi32>
    %swap3A_1322 = arith.constant 254 : i32
    %swap3A_1323 = arith.index_cast %swap3A_1322 : i32 to index
    %swap3A_1324 = memref.load %arg10[%swap3A_1323] : memref<336xi32, #tpu.memory_space<smem>>
    memref.store %squeeze3A_1321, %arg10[%swap3A_1323] : memref<336xi32, #tpu.memory_space<smem>>
    %slice3A_1325 = vector.extract_strided_slice %get3A_1249 {offsets = [15], sizes = [1], strides = [1]} : vector<16xi32> to vector<1xi32>
    %squeeze3A_1326 = vector.extract %slice3A_1325[0] : i32 from vector<1xi32>
    %swap3A_1327 = arith.constant 255 : i32
    %swap3A_1328 = arith.index_cast %swap3A_1327 : i32 to index
    %swap3A_1329 = memref.load %arg10[%swap3A_1328] : memref<336xi32, #tpu.memory_space<smem>>
    memref.store %squeeze3A_1326, %arg10[%swap3A_1328] : memref<336xi32, #tpu.memory_space<smem>>
    %get3A_1330 = arith.constant 256 : index
    %get3A_1331 = tpu.vector_load %arg6[%get3A_1330] {strides = array<i32>} : memref<336xi32, #tpu.memory_space<vmem>>, vector<16xi32>,
    %get3A_1332 = vector.shape_cast %get3A_1331 : vector<16xi32> to vector<16xi32>
    %slice3A_1333 = vector.extract_strided_slice %get3A_1332 {offsets = [0], sizes = [1], strides = [1]} : vector<16xi32> to vector<1xi32>
    %squeeze3A_1334 = vector.extract %slice3A_1333[0] : i32 from vector<1xi32>
    %swap3A_1335 = arith.constant 256 : i32
    %swap3A_1336 = arith.index_cast %swap3A_1335 : i32 to index
    %swap3A_1337 = memref.load %arg10[%swap3A_1336] : memref<336xi32, #tpu.memory_space<smem>>
    memref.store %squeeze3A_1334, %arg10[%swap3A_1336] : memref<336xi32, #tpu.memory_space<smem>>
    %slice3A_1338 = vector.extract_strided_slice %get3A_1332 {offsets = [1], sizes = [1], strides = [1]} : vector<16xi32> to vector<1xi32>
    %squeeze3A_1339 = vector.extract %slice3A_1338[0] : i32 from vector<1xi32>
    %swap3A_1340 = arith.constant 257 : i32
    %swap3A_1341 = arith.index_cast %swap3A_1340 : i32 to index
    %swap3A_1342 = memref.load %arg10[%swap3A_1341] : memref<336xi32, #tpu.memory_space<smem>>
    memref.store %squeeze3A_1339, %arg10[%swap3A_1341] : memref<336xi32, #tpu.memory_space<smem>>
    %slice3A_1343 = vector.extract_strided_slice %get3A_1332 {offsets = [2], sizes = [1], strides = [1]} : vector<16xi32> to vector<1xi32>
    %squeeze3A_1344 = vector.extract %slice3A_1343[0] : i32 from vector<1xi32>
    %swap3A_1345 = arith.constant 258 : i32
    %swap3A_1346 = arith.index_cast %swap3A_1345 : i32 to index
    %swap3A_1347 = memref.load %arg10[%swap3A_1346] : memref<336xi32, #tpu.memory_space<smem>>
    memref.store %squeeze3A_1344, %arg10[%swap3A_1346] : memref<336xi32, #tpu.memory_space<smem>>
    %slice3A_1348 = vector.extract_strided_slice %get3A_1332 {offsets = [3], sizes = [1], strides = [1]} : vector<16xi32> to vector<1xi32>
    %squeeze3A_1349 = vector.extract %slice3A_1348[0] : i32 from vector<1xi32>
    %swap3A_1350 = arith.constant 259 : i32
    %swap3A_1351 = arith.index_cast %swap3A_1350 : i32 to index
    %swap3A_1352 = memref.load %arg10[%swap3A_1351] : memref<336xi32, #tpu.memory_space<smem>>
    memref.store %squeeze3A_1349, %arg10[%swap3A_1351] : memref<336xi32, #tpu.memory_space<smem>>
    %slice3A_1353 = vector.extract_strided_slice %get3A_1332 {offsets = [4], sizes = [1], strides = [1]} : vector<16xi32> to vector<1xi32>
    %squeeze3A_1354 = vector.extract %slice3A_1353[0] : i32 from vector<1xi32>
    %swap3A_1355 = arith.constant 260 : i32
    %swap3A_1356 = arith.index_cast %swap3A_1355 : i32 to index
    %swap3A_1357 = memref.load %arg10[%swap3A_1356] : memref<336xi32, #tpu.memory_space<smem>>
    memref.store %squeeze3A_1354, %arg10[%swap3A_1356] : memref<336xi32, #tpu.memory_space<smem>>
    %slice3A_1358 = vector.extract_strided_slice %get3A_1332 {offsets = [5], sizes = [1], strides = [1]} : vector<16xi32> to vector<1xi32>
    %squeeze3A_1359 = vector.extract %slice3A_1358[0] : i32 from vector<1xi32>
    %swap3A_1360 = arith.constant 261 : i32
    %swap3A_1361 = arith.index_cast %swap3A_1360 : i32 to index
    %swap3A_1362 = memref.load %arg10[%swap3A_1361] : memref<336xi32, #tpu.memory_space<smem>>
    memref.store %squeeze3A_1359, %arg10[%swap3A_1361] : memref<336xi32, #tpu.memory_space<smem>>
    %slice3A_1363 = vector.extract_strided_slice %get3A_1332 {offsets = [6], sizes = [1], strides = [1]} : vector<16xi32> to vector<1xi32>
    %squeeze3A_1364 = vector.extract %slice3A_1363[0] : i32 from vector<1xi32>
    %swap3A_1365 = arith.constant 262 : i32
    %swap3A_1366 = arith.index_cast %swap3A_1365 : i32 to index
    %swap3A_1367 = memref.load %arg10[%swap3A_1366] : memref<336xi32, #tpu.memory_space<smem>>
    memref.store %squeeze3A_1364, %arg10[%swap3A_1366] : memref<336xi32, #tpu.memory_space<smem>>
    %slice3A_1368 = vector.extract_strided_slice %get3A_1332 {offsets = [7], sizes = [1], strides = [1]} : vector<16xi32> to vector<1xi32>
    %squeeze3A_1369 = vector.extract %slice3A_1368[0] : i32 from vector<1xi32>
    %swap3A_1370 = arith.constant 263 : i32
    %swap3A_1371 = arith.index_cast %swap3A_1370 : i32 to index
    %swap3A_1372 = memref.load %arg10[%swap3A_1371] : memref<336xi32, #tpu.memory_space<smem>>
    memref.store %squeeze3A_1369, %arg10[%swap3A_1371] : memref<336xi32, #tpu.memory_space<smem>>
    %slice3A_1373 = vector.extract_strided_slice %get3A_1332 {offsets = [8], sizes = [1], strides = [1]} : vector<16xi32> to vector<1xi32>
    %squeeze3A_1374 = vector.extract %slice3A_1373[0] : i32 from vector<1xi32>
    %swap3A_1375 = arith.constant 264 : i32
    %swap3A_1376 = arith.index_cast %swap3A_1375 : i32 to index
    %swap3A_1377 = memref.load %arg10[%swap3A_1376] : memref<336xi32, #tpu.memory_space<smem>>
    memref.store %squeeze3A_1374, %arg10[%swap3A_1376] : memref<336xi32, #tpu.memory_space<smem>>
    %slice3A_1378 = vector.extract_strided_slice %get3A_1332 {offsets = [9], sizes = [1], strides = [1]} : vector<16xi32> to vector<1xi32>
    %squeeze3A_1379 = vector.extract %slice3A_1378[0] : i32 from vector<1xi32>
    %swap3A_1380 = arith.constant 265 : i32
    %swap3A_1381 = arith.index_cast %swap3A_1380 : i32 to index
    %swap3A_1382 = memref.load %arg10[%swap3A_1381] : memref<336xi32, #tpu.memory_space<smem>>
    memref.store %squeeze3A_1379, %arg10[%swap3A_1381] : memref<336xi32, #tpu.memory_space<smem>>
    %slice3A_1383 = vector.extract_strided_slice %get3A_1332 {offsets = [10], sizes = [1], strides = [1]} : vector<16xi32> to vector<1xi32>
    %squeeze3A_1384 = vector.extract %slice3A_1383[0] : i32 from vector<1xi32>
    %swap3A_1385 = arith.constant 266 : i32
    %swap3A_1386 = arith.index_cast %swap3A_1385 : i32 to index
    %swap3A_1387 = memref.load %arg10[%swap3A_1386] : memref<336xi32, #tpu.memory_space<smem>>
    memref.store %squeeze3A_1384, %arg10[%swap3A_1386] : memref<336xi32, #tpu.memory_space<smem>>
    %slice3A_1388 = vector.extract_strided_slice %get3A_1332 {offsets = [11], sizes = [1], strides = [1]} : vector<16xi32> to vector<1xi32>
    %squeeze3A_1389 = vector.extract %slice3A_1388[0] : i32 from vector<1xi32>
    %swap3A_1390 = arith.constant 267 : i32
    %swap3A_1391 = arith.index_cast %swap3A_1390 : i32 to index
    %swap3A_1392 = memref.load %arg10[%swap3A_1391] : memref<336xi32, #tpu.memory_space<smem>>
    memref.store %squeeze3A_1389, %arg10[%swap3A_1391] : memref<336xi32, #tpu.memory_space<smem>>
    %slice3A_1393 = vector.extract_strided_slice %get3A_1332 {offsets = [12], sizes = [1], strides = [1]} : vector<16xi32> to vector<1xi32>
    %squeeze3A_1394 = vector.extract %slice3A_1393[0] : i32 from vector<1xi32>
    %swap3A_1395 = arith.constant 268 : i32
    %swap3A_1396 = arith.index_cast %swap3A_1395 : i32 to index
    %swap3A_1397 = memref.load %arg10[%swap3A_1396] : memref<336xi32, #tpu.memory_space<smem>>
    memref.store %squeeze3A_1394, %arg10[%swap3A_1396] : memref<336xi32, #tpu.memory_space<smem>>
    %slice3A_1398 = vector.extract_strided_slice %get3A_1332 {offsets = [13], sizes = [1], strides = [1]} : vector<16xi32> to vector<1xi32>
    %squeeze3A_1399 = vector.extract %slice3A_1398[0] : i32 from vector<1xi32>
    %swap3A_1400 = arith.constant 269 : i32
    %swap3A_1401 = arith.index_cast %swap3A_1400 : i32 to index
    %swap3A_1402 = memref.load %arg10[%swap3A_1401] : memref<336xi32, #tpu.memory_space<smem>>
    memref.store %squeeze3A_1399, %arg10[%swap3A_1401] : memref<336xi32, #tpu.memory_space<smem>>
    %slice3A_1403 = vector.extract_strided_slice %get3A_1332 {offsets = [14], sizes = [1], strides = [1]} : vector<16xi32> to vector<1xi32>
    %squeeze3A_1404 = vector.extract %slice3A_1403[0] : i32 from vector<1xi32>
    %swap3A_1405 = arith.constant 270 : i32
    %swap3A_1406 = arith.index_cast %swap3A_1405 : i32 to index
    %swap3A_1407 = memref.load %arg10[%swap3A_1406] : memref<336xi32, #tpu.memory_space<smem>>
    memref.store %squeeze3A_1404, %arg10[%swap3A_1406] : memref<336xi32, #tpu.memory_space<smem>>
    %slice3A_1408 = vector.extract_strided_slice %get3A_1332 {offsets = [15], sizes = [1], strides = [1]} : vector<16xi32> to vector<1xi32>
    %squeeze3A_1409 = vector.extract %slice3A_1408[0] : i32 from vector<1xi32>
    %swap3A_1410 = arith.constant 271 : i32
    %swap3A_1411 = arith.index_cast %swap3A_1410 : i32 to index
    %swap3A_1412 = memref.load %arg10[%swap3A_1411] : memref<336xi32, #tpu.memory_space<smem>>
    memref.store %squeeze3A_1409, %arg10[%swap3A_1411] : memref<336xi32, #tpu.memory_space<smem>>
    %get3A_1413 = arith.constant 272 : index
    %get3A_1414 = tpu.vector_load %arg6[%get3A_1413] {strides = array<i32>} : memref<336xi32, #tpu.memory_space<vmem>>, vector<16xi32>,
    %get3A_1415 = vector.shape_cast %get3A_1414 : vector<16xi32> to vector<16xi32>
    %slice3A_1416 = vector.extract_strided_slice %get3A_1415 {offsets = [0], sizes = [1], strides = [1]} : vector<16xi32> to vector<1xi32>
    %squeeze3A_1417 = vector.extract %slice3A_1416[0] : i32 from vector<1xi32>
    %swap3A_1418 = arith.constant 272 : i32
    %swap3A_1419 = arith.index_cast %swap3A_1418 : i32 to index
    %swap3A_1420 = memref.load %arg10[%swap3A_1419] : memref<336xi32, #tpu.memory_space<smem>>
    memref.store %squeeze3A_1417, %arg10[%swap3A_1419] : memref<336xi32, #tpu.memory_space<smem>>
    %slice3A_1421 = vector.extract_strided_slice %get3A_1415 {offsets = [1], sizes = [1], strides = [1]} : vector<16xi32> to vector<1xi32>
    %squeeze3A_1422 = vector.extract %slice3A_1421[0] : i32 from vector<1xi32>
    %swap3A_1423 = arith.constant 273 : i32
    %swap3A_1424 = arith.index_cast %swap3A_1423 : i32 to index
    %swap3A_1425 = memref.load %arg10[%swap3A_1424] : memref<336xi32, #tpu.memory_space<smem>>
    memref.store %squeeze3A_1422, %arg10[%swap3A_1424] : memref<336xi32, #tpu.memory_space<smem>>
    %slice3A_1426 = vector.extract_strided_slice %get3A_1415 {offsets = [2], sizes = [1], strides = [1]} : vector<16xi32> to vector<1xi32>
    %squeeze3A_1427 = vector.extract %slice3A_1426[0] : i32 from vector<1xi32>
    %swap3A_1428 = arith.constant 274 : i32
    %swap3A_1429 = arith.index_cast %swap3A_1428 : i32 to index
    %swap3A_1430 = memref.load %arg10[%swap3A_1429] : memref<336xi32, #tpu.memory_space<smem>>
    memref.store %squeeze3A_1427, %arg10[%swap3A_1429] : memref<336xi32, #tpu.memory_space<smem>>
    %slice3A_1431 = vector.extract_strided_slice %get3A_1415 {offsets = [3], sizes = [1], strides = [1]} : vector<16xi32> to vector<1xi32>
    %squeeze3A_1432 = vector.extract %slice3A_1431[0] : i32 from vector<1xi32>
    %swap3A_1433 = arith.constant 275 : i32
    %swap3A_1434 = arith.index_cast %swap3A_1433 : i32 to index
    %swap3A_1435 = memref.load %arg10[%swap3A_1434] : memref<336xi32, #tpu.memory_space<smem>>
    memref.store %squeeze3A_1432, %arg10[%swap3A_1434] : memref<336xi32, #tpu.memory_space<smem>>
    %slice3A_1436 = vector.extract_strided_slice %get3A_1415 {offsets = [4], sizes = [1], strides = [1]} : vector<16xi32> to vector<1xi32>
    %squeeze3A_1437 = vector.extract %slice3A_1436[0] : i32 from vector<1xi32>
    %swap3A_1438 = arith.constant 276 : i32
    %swap3A_1439 = arith.index_cast %swap3A_1438 : i32 to index
    %swap3A_1440 = memref.load %arg10[%swap3A_1439] : memref<336xi32, #tpu.memory_space<smem>>
    memref.store %squeeze3A_1437, %arg10[%swap3A_1439] : memref<336xi32, #tpu.memory_space<smem>>
    %slice3A_1441 = vector.extract_strided_slice %get3A_1415 {offsets = [5], sizes = [1], strides = [1]} : vector<16xi32> to vector<1xi32>
    %squeeze3A_1442 = vector.extract %slice3A_1441[0] : i32 from vector<1xi32>
    %swap3A_1443 = arith.constant 277 : i32
    %swap3A_1444 = arith.index_cast %swap3A_1443 : i32 to index
    %swap3A_1445 = memref.load %arg10[%swap3A_1444] : memref<336xi32, #tpu.memory_space<smem>>
    memref.store %squeeze3A_1442, %arg10[%swap3A_1444] : memref<336xi32, #tpu.memory_space<smem>>
    %slice3A_1446 = vector.extract_strided_slice %get3A_1415 {offsets = [6], sizes = [1], strides = [1]} : vector<16xi32> to vector<1xi32>
    %squeeze3A_1447 = vector.extract %slice3A_1446[0] : i32 from vector<1xi32>
    %swap3A_1448 = arith.constant 278 : i32
    %swap3A_1449 = arith.index_cast %swap3A_1448 : i32 to index
    %swap3A_1450 = memref.load %arg10[%swap3A_1449] : memref<336xi32, #tpu.memory_space<smem>>
    memref.store %squeeze3A_1447, %arg10[%swap3A_1449] : memref<336xi32, #tpu.memory_space<smem>>
    %slice3A_1451 = vector.extract_strided_slice %get3A_1415 {offsets = [7], sizes = [1], strides = [1]} : vector<16xi32> to vector<1xi32>
    %squeeze3A_1452 = vector.extract %slice3A_1451[0] : i32 from vector<1xi32>
    %swap3A_1453 = arith.constant 279 : i32
    %swap3A_1454 = arith.index_cast %swap3A_1453 : i32 to index
    %swap3A_1455 = memref.load %arg10[%swap3A_1454] : memref<336xi32, #tpu.memory_space<smem>>
    memref.store %squeeze3A_1452, %arg10[%swap3A_1454] : memref<336xi32, #tpu.memory_space<smem>>
    %slice3A_1456 = vector.extract_strided_slice %get3A_1415 {offsets = [8], sizes = [1], strides = [1]} : vector<16xi32> to vector<1xi32>
    %squeeze3A_1457 = vector.extract %slice3A_1456[0] : i32 from vector<1xi32>
    %swap3A_1458 = arith.constant 280 : i32
    %swap3A_1459 = arith.index_cast %swap3A_1458 : i32 to index
    %swap3A_1460 = memref.load %arg10[%swap3A_1459] : memref<336xi32, #tpu.memory_space<smem>>
    memref.store %squeeze3A_1457, %arg10[%swap3A_1459] : memref<336xi32, #tpu.memory_space<smem>>
    %slice3A_1461 = vector.extract_strided_slice %get3A_1415 {offsets = [9], sizes = [1], strides = [1]} : vector<16xi32> to vector<1xi32>
    %squeeze3A_1462 = vector.extract %slice3A_1461[0] : i32 from vector<1xi32>
    %swap3A_1463 = arith.constant 281 : i32
    %swap3A_1464 = arith.index_cast %swap3A_1463 : i32 to index
    %swap3A_1465 = memref.load %arg10[%swap3A_1464] : memref<336xi32, #tpu.memory_space<smem>>
    memref.store %squeeze3A_1462, %arg10[%swap3A_1464] : memref<336xi32, #tpu.memory_space<smem>>
    %slice3A_1466 = vector.extract_strided_slice %get3A_1415 {offsets = [10], sizes = [1], strides = [1]} : vector<16xi32> to vector<1xi32>
    %squeeze3A_1467 = vector.extract %slice3A_1466[0] : i32 from vector<1xi32>
    %swap3A_1468 = arith.constant 282 : i32
    %swap3A_1469 = arith.index_cast %swap3A_1468 : i32 to index
    %swap3A_1470 = memref.load %arg10[%swap3A_1469] : memref<336xi32, #tpu.memory_space<smem>>
    memref.store %squeeze3A_1467, %arg10[%swap3A_1469] : memref<336xi32, #tpu.memory_space<smem>>
    %slice3A_1471 = vector.extract_strided_slice %get3A_1415 {offsets = [11], sizes = [1], strides = [1]} : vector<16xi32> to vector<1xi32>
    %squeeze3A_1472 = vector.extract %slice3A_1471[0] : i32 from vector<1xi32>
    %swap3A_1473 = arith.constant 283 : i32
    %swap3A_1474 = arith.index_cast %swap3A_1473 : i32 to index
    %swap3A_1475 = memref.load %arg10[%swap3A_1474] : memref<336xi32, #tpu.memory_space<smem>>
    memref.store %squeeze3A_1472, %arg10[%swap3A_1474] : memref<336xi32, #tpu.memory_space<smem>>
    %slice3A_1476 = vector.extract_strided_slice %get3A_1415 {offsets = [12], sizes = [1], strides = [1]} : vector<16xi32> to vector<1xi32>
    %squeeze3A_1477 = vector.extract %slice3A_1476[0] : i32 from vector<1xi32>
    %swap3A_1478 = arith.constant 284 : i32
    %swap3A_1479 = arith.index_cast %swap3A_1478 : i32 to index
    %swap3A_1480 = memref.load %arg10[%swap3A_1479] : memref<336xi32, #tpu.memory_space<smem>>
    memref.store %squeeze3A_1477, %arg10[%swap3A_1479] : memref<336xi32, #tpu.memory_space<smem>>
    %slice3A_1481 = vector.extract_strided_slice %get3A_1415 {offsets = [13], sizes = [1], strides = [1]} : vector<16xi32> to vector<1xi32>
    %squeeze3A_1482 = vector.extract %slice3A_1481[0] : i32 from vector<1xi32>
    %swap3A_1483 = arith.constant 285 : i32
    %swap3A_1484 = arith.index_cast %swap3A_1483 : i32 to index
    %swap3A_1485 = memref.load %arg10[%swap3A_1484] : memref<336xi32, #tpu.memory_space<smem>>
    memref.store %squeeze3A_1482, %arg10[%swap3A_1484] : memref<336xi32, #tpu.memory_space<smem>>
    %slice3A_1486 = vector.extract_strided_slice %get3A_1415 {offsets = [14], sizes = [1], strides = [1]} : vector<16xi32> to vector<1xi32>
    %squeeze3A_1487 = vector.extract %slice3A_1486[0] : i32 from vector<1xi32>
    %swap3A_1488 = arith.constant 286 : i32
    %swap3A_1489 = arith.index_cast %swap3A_1488 : i32 to index
    %swap3A_1490 = memref.load %arg10[%swap3A_1489] : memref<336xi32, #tpu.memory_space<smem>>
    memref.store %squeeze3A_1487, %arg10[%swap3A_1489] : memref<336xi32, #tpu.memory_space<smem>>
    %slice3A_1491 = vector.extract_strided_slice %get3A_1415 {offsets = [15], sizes = [1], strides = [1]} : vector<16xi32> to vector<1xi32>
    %squeeze3A_1492 = vector.extract %slice3A_1491[0] : i32 from vector<1xi32>
    %swap3A_1493 = arith.constant 287 : i32
    %swap3A_1494 = arith.index_cast %swap3A_1493 : i32 to index
    %swap3A_1495 = memref.load %arg10[%swap3A_1494] : memref<336xi32, #tpu.memory_space<smem>>
    memref.store %squeeze3A_1492, %arg10[%swap3A_1494] : memref<336xi32, #tpu.memory_space<smem>>
    %get3A_1496 = arith.constant 288 : index
    %get3A_1497 = tpu.vector_load %arg6[%get3A_1496] {strides = array<i32>} : memref<336xi32, #tpu.memory_space<vmem>>, vector<16xi32>,
    %get3A_1498 = vector.shape_cast %get3A_1497 : vector<16xi32> to vector<16xi32>
    %slice3A_1499 = vector.extract_strided_slice %get3A_1498 {offsets = [0], sizes = [1], strides = [1]} : vector<16xi32> to vector<1xi32>
    %squeeze3A_1500 = vector.extract %slice3A_1499[0] : i32 from vector<1xi32>
    %swap3A_1501 = arith.constant 288 : i32
    %swap3A_1502 = arith.index_cast %swap3A_1501 : i32 to index
    %swap3A_1503 = memref.load %arg10[%swap3A_1502] : memref<336xi32, #tpu.memory_space<smem>>
    memref.store %squeeze3A_1500, %arg10[%swap3A_1502] : memref<336xi32, #tpu.memory_space<smem>>
    %slice3A_1504 = vector.extract_strided_slice %get3A_1498 {offsets = [1], sizes = [1], strides = [1]} : vector<16xi32> to vector<1xi32>
    %squeeze3A_1505 = vector.extract %slice3A_1504[0] : i32 from vector<1xi32>
    %swap3A_1506 = arith.constant 289 : i32
    %swap3A_1507 = arith.index_cast %swap3A_1506 : i32 to index
    %swap3A_1508 = memref.load %arg10[%swap3A_1507] : memref<336xi32, #tpu.memory_space<smem>>
    memref.store %squeeze3A_1505, %arg10[%swap3A_1507] : memref<336xi32, #tpu.memory_space<smem>>
    %slice3A_1509 = vector.extract_strided_slice %get3A_1498 {offsets = [2], sizes = [1], strides = [1]} : vector<16xi32> to vector<1xi32>
    %squeeze3A_1510 = vector.extract %slice3A_1509[0] : i32 from vector<1xi32>
    %swap3A_1511 = arith.constant 290 : i32
    %swap3A_1512 = arith.index_cast %swap3A_1511 : i32 to index
    %swap3A_1513 = memref.load %arg10[%swap3A_1512] : memref<336xi32, #tpu.memory_space<smem>>
    memref.store %squeeze3A_1510, %arg10[%swap3A_1512] : memref<336xi32, #tpu.memory_space<smem>>
    %slice3A_1514 = vector.extract_strided_slice %get3A_1498 {offsets = [3], sizes = [1], strides = [1]} : vector<16xi32> to vector<1xi32>
    %squeeze3A_1515 = vector.extract %slice3A_1514[0] : i32 from vector<1xi32>
    %swap3A_1516 = arith.constant 291 : i32
    %swap3A_1517 = arith.index_cast %swap3A_1516 : i32 to index
    %swap3A_1518 = memref.load %arg10[%swap3A_1517] : memref<336xi32, #tpu.memory_space<smem>>
    memref.store %squeeze3A_1515, %arg10[%swap3A_1517] : memref<336xi32, #tpu.memory_space<smem>>
    %slice3A_1519 = vector.extract_strided_slice %get3A_1498 {offsets = [4], sizes = [1], strides = [1]} : vector<16xi32> to vector<1xi32>
    %squeeze3A_1520 = vector.extract %slice3A_1519[0] : i32 from vector<1xi32>
    %swap3A_1521 = arith.constant 292 : i32
    %swap3A_1522 = arith.index_cast %swap3A_1521 : i32 to index
    %swap3A_1523 = memref.load %arg10[%swap3A_1522] : memref<336xi32, #tpu.memory_space<smem>>
    memref.store %squeeze3A_1520, %arg10[%swap3A_1522] : memref<336xi32, #tpu.memory_space<smem>>
    %slice3A_1524 = vector.extract_strided_slice %get3A_1498 {offsets = [5], sizes = [1], strides = [1]} : vector<16xi32> to vector<1xi32>
    %squeeze3A_1525 = vector.extract %slice3A_1524[0] : i32 from vector<1xi32>
    %swap3A_1526 = arith.constant 293 : i32
    %swap3A_1527 = arith.index_cast %swap3A_1526 : i32 to index
    %swap3A_1528 = memref.load %arg10[%swap3A_1527] : memref<336xi32, #tpu.memory_space<smem>>
    memref.store %squeeze3A_1525, %arg10[%swap3A_1527] : memref<336xi32, #tpu.memory_space<smem>>
    %slice3A_1529 = vector.extract_strided_slice %get3A_1498 {offsets = [6], sizes = [1], strides = [1]} : vector<16xi32> to vector<1xi32>
    %squeeze3A_1530 = vector.extract %slice3A_1529[0] : i32 from vector<1xi32>
    %swap3A_1531 = arith.constant 294 : i32
    %swap3A_1532 = arith.index_cast %swap3A_1531 : i32 to index
    %swap3A_1533 = memref.load %arg10[%swap3A_1532] : memref<336xi32, #tpu.memory_space<smem>>
    memref.store %squeeze3A_1530, %arg10[%swap3A_1532] : memref<336xi32, #tpu.memory_space<smem>>
    %slice3A_1534 = vector.extract_strided_slice %get3A_1498 {offsets = [7], sizes = [1], strides = [1]} : vector<16xi32> to vector<1xi32>
    %squeeze3A_1535 = vector.extract %slice3A_1534[0] : i32 from vector<1xi32>
    %swap3A_1536 = arith.constant 295 : i32
    %swap3A_1537 = arith.index_cast %swap3A_1536 : i32 to index
    %swap3A_1538 = memref.load %arg10[%swap3A_1537] : memref<336xi32, #tpu.memory_space<smem>>
    memref.store %squeeze3A_1535, %arg10[%swap3A_1537] : memref<336xi32, #tpu.memory_space<smem>>
    %slice3A_1539 = vector.extract_strided_slice %get3A_1498 {offsets = [8], sizes = [1], strides = [1]} : vector<16xi32> to vector<1xi32>
    %squeeze3A_1540 = vector.extract %slice3A_1539[0] : i32 from vector<1xi32>
    %swap3A_1541 = arith.constant 296 : i32
    %swap3A_1542 = arith.index_cast %swap3A_1541 : i32 to index
    %swap3A_1543 = memref.load %arg10[%swap3A_1542] : memref<336xi32, #tpu.memory_space<smem>>
    memref.store %squeeze3A_1540, %arg10[%swap3A_1542] : memref<336xi32, #tpu.memory_space<smem>>
    %slice3A_1544 = vector.extract_strided_slice %get3A_1498 {offsets = [9], sizes = [1], strides = [1]} : vector<16xi32> to vector<1xi32>
    %squeeze3A_1545 = vector.extract %slice3A_1544[0] : i32 from vector<1xi32>
    %swap3A_1546 = arith.constant 297 : i32
    %swap3A_1547 = arith.index_cast %swap3A_1546 : i32 to index
    %swap3A_1548 = memref.load %arg10[%swap3A_1547] : memref<336xi32, #tpu.memory_space<smem>>
    memref.store %squeeze3A_1545, %arg10[%swap3A_1547] : memref<336xi32, #tpu.memory_space<smem>>
    %slice3A_1549 = vector.extract_strided_slice %get3A_1498 {offsets = [10], sizes = [1], strides = [1]} : vector<16xi32> to vector<1xi32>
    %squeeze3A_1550 = vector.extract %slice3A_1549[0] : i32 from vector<1xi32>
    %swap3A_1551 = arith.constant 298 : i32
    %swap3A_1552 = arith.index_cast %swap3A_1551 : i32 to index
    %swap3A_1553 = memref.load %arg10[%swap3A_1552] : memref<336xi32, #tpu.memory_space<smem>>
    memref.store %squeeze3A_1550, %arg10[%swap3A_1552] : memref<336xi32, #tpu.memory_space<smem>>
    %slice3A_1554 = vector.extract_strided_slice %get3A_1498 {offsets = [11], sizes = [1], strides = [1]} : vector<16xi32> to vector<1xi32>
    %squeeze3A_1555 = vector.extract %slice3A_1554[0] : i32 from vector<1xi32>
    %swap3A_1556 = arith.constant 299 : i32
    %swap3A_1557 = arith.index_cast %swap3A_1556 : i32 to index
    %swap3A_1558 = memref.load %arg10[%swap3A_1557] : memref<336xi32, #tpu.memory_space<smem>>
    memref.store %squeeze3A_1555, %arg10[%swap3A_1557] : memref<336xi32, #tpu.memory_space<smem>>
    %slice3A_1559 = vector.extract_strided_slice %get3A_1498 {offsets = [12], sizes = [1], strides = [1]} : vector<16xi32> to vector<1xi32>
    %squeeze3A_1560 = vector.extract %slice3A_1559[0] : i32 from vector<1xi32>
    %swap3A_1561 = arith.constant 300 : i32
    %swap3A_1562 = arith.index_cast %swap3A_1561 : i32 to index
    %swap3A_1563 = memref.load %arg10[%swap3A_1562] : memref<336xi32, #tpu.memory_space<smem>>
    memref.store %squeeze3A_1560, %arg10[%swap3A_1562] : memref<336xi32, #tpu.memory_space<smem>>
    %slice3A_1564 = vector.extract_strided_slice %get3A_1498 {offsets = [13], sizes = [1], strides = [1]} : vector<16xi32> to vector<1xi32>
    %squeeze3A_1565 = vector.extract %slice3A_1564[0] : i32 from vector<1xi32>
    %swap3A_1566 = arith.constant 301 : i32
    %swap3A_1567 = arith.index_cast %swap3A_1566 : i32 to index
    %swap3A_1568 = memref.load %arg10[%swap3A_1567] : memref<336xi32, #tpu.memory_space<smem>>
    memref.store %squeeze3A_1565, %arg10[%swap3A_1567] : memref<336xi32, #tpu.memory_space<smem>>
    %slice3A_1569 = vector.extract_strided_slice %get3A_1498 {offsets = [14], sizes = [1], strides = [1]} : vector<16xi32> to vector<1xi32>
    %squeeze3A_1570 = vector.extract %slice3A_1569[0] : i32 from vector<1xi32>
    %swap3A_1571 = arith.constant 302 : i32
    %swap3A_1572 = arith.index_cast %swap3A_1571 : i32 to index
    %swap3A_1573 = memref.load %arg10[%swap3A_1572] : memref<336xi32, #tpu.memory_space<smem>>
    memref.store %squeeze3A_1570, %arg10[%swap3A_1572] : memref<336xi32, #tpu.memory_space<smem>>
    %slice3A_1574 = vector.extract_strided_slice %get3A_1498 {offsets = [15], sizes = [1], strides = [1]} : vector<16xi32> to vector<1xi32>
    %squeeze3A_1575 = vector.extract %slice3A_1574[0] : i32 from vector<1xi32>
    %swap3A_1576 = arith.constant 303 : i32
    %swap3A_1577 = arith.index_cast %swap3A_1576 : i32 to index
    %swap3A_1578 = memref.load %arg10[%swap3A_1577] : memref<336xi32, #tpu.memory_space<smem>>
    memref.store %squeeze3A_1575, %arg10[%swap3A_1577] : memref<336xi32, #tpu.memory_space<smem>>
    %get3A_1579 = arith.constant 304 : index
    %get3A_1580 = tpu.vector_load %arg6[%get3A_1579] {strides = array<i32>} : memref<336xi32, #tpu.memory_space<vmem>>, vector<16xi32>,
    %get3A_1581 = vector.shape_cast %get3A_1580 : vector<16xi32> to vector<16xi32>
    %slice3A_1582 = vector.extract_strided_slice %get3A_1581 {offsets = [0], sizes = [1], strides = [1]} : vector<16xi32> to vector<1xi32>
    %squeeze3A_1583 = vector.extract %slice3A_1582[0] : i32 from vector<1xi32>
    %swap3A_1584 = arith.constant 304 : i32
    %swap3A_1585 = arith.index_cast %swap3A_1584 : i32 to index
    %swap3A_1586 = memref.load %arg10[%swap3A_1585] : memref<336xi32, #tpu.memory_space<smem>>
    memref.store %squeeze3A_1583, %arg10[%swap3A_1585] : memref<336xi32, #tpu.memory_space<smem>>
    %slice3A_1587 = vector.extract_strided_slice %get3A_1581 {offsets = [1], sizes = [1], strides = [1]} : vector<16xi32> to vector<1xi32>
    %squeeze3A_1588 = vector.extract %slice3A_1587[0] : i32 from vector<1xi32>
    %swap3A_1589 = arith.constant 305 : i32
    %swap3A_1590 = arith.index_cast %swap3A_1589 : i32 to index
    %swap3A_1591 = memref.load %arg10[%swap3A_1590] : memref<336xi32, #tpu.memory_space<smem>>
    memref.store %squeeze3A_1588, %arg10[%swap3A_1590] : memref<336xi32, #tpu.memory_space<smem>>
    %slice3A_1592 = vector.extract_strided_slice %get3A_1581 {offsets = [2], sizes = [1], strides = [1]} : vector<16xi32> to vector<1xi32>
    %squeeze3A_1593 = vector.extract %slice3A_1592[0] : i32 from vector<1xi32>
    %swap3A_1594 = arith.constant 306 : i32
    %swap3A_1595 = arith.index_cast %swap3A_1594 : i32 to index
    %swap3A_1596 = memref.load %arg10[%swap3A_1595] : memref<336xi32, #tpu.memory_space<smem>>
    memref.store %squeeze3A_1593, %arg10[%swap3A_1595] : memref<336xi32, #tpu.memory_space<smem>>
    %slice3A_1597 = vector.extract_strided_slice %get3A_1581 {offsets = [3], sizes = [1], strides = [1]} : vector<16xi32> to vector<1xi32>
    %squeeze3A_1598 = vector.extract %slice3A_1597[0] : i32 from vector<1xi32>
    %swap3A_1599 = arith.constant 307 : i32
    %swap3A_1600 = arith.index_cast %swap3A_1599 : i32 to index
    %swap3A_1601 = memref.load %arg10[%swap3A_1600] : memref<336xi32, #tpu.memory_space<smem>>
    memref.store %squeeze3A_1598, %arg10[%swap3A_1600] : memref<336xi32, #tpu.memory_space<smem>>
    %slice3A_1602 = vector.extract_strided_slice %get3A_1581 {offsets = [4], sizes = [1], strides = [1]} : vector<16xi32> to vector<1xi32>
    %squeeze3A_1603 = vector.extract %slice3A_1602[0] : i32 from vector<1xi32>
    %swap3A_1604 = arith.constant 308 : i32
    %swap3A_1605 = arith.index_cast %swap3A_1604 : i32 to index
    %swap3A_1606 = memref.load %arg10[%swap3A_1605] : memref<336xi32, #tpu.memory_space<smem>>
    memref.store %squeeze3A_1603, %arg10[%swap3A_1605] : memref<336xi32, #tpu.memory_space<smem>>
    %slice3A_1607 = vector.extract_strided_slice %get3A_1581 {offsets = [5], sizes = [1], strides = [1]} : vector<16xi32> to vector<1xi32>
    %squeeze3A_1608 = vector.extract %slice3A_1607[0] : i32 from vector<1xi32>
    %swap3A_1609 = arith.constant 309 : i32
    %swap3A_1610 = arith.index_cast %swap3A_1609 : i32 to index
    %swap3A_1611 = memref.load %arg10[%swap3A_1610] : memref<336xi32, #tpu.memory_space<smem>>
    memref.store %squeeze3A_1608, %arg10[%swap3A_1610] : memref<336xi32, #tpu.memory_space<smem>>
    %slice3A_1612 = vector.extract_strided_slice %get3A_1581 {offsets = [6], sizes = [1], strides = [1]} : vector<16xi32> to vector<1xi32>
    %squeeze3A_1613 = vector.extract %slice3A_1612[0] : i32 from vector<1xi32>
    %swap3A_1614 = arith.constant 310 : i32
    %swap3A_1615 = arith.index_cast %swap3A_1614 : i32 to index
    %swap3A_1616 = memref.load %arg10[%swap3A_1615] : memref<336xi32, #tpu.memory_space<smem>>
    memref.store %squeeze3A_1613, %arg10[%swap3A_1615] : memref<336xi32, #tpu.memory_space<smem>>
    %slice3A_1617 = vector.extract_strided_slice %get3A_1581 {offsets = [7], sizes = [1], strides = [1]} : vector<16xi32> to vector<1xi32>
    %squeeze3A_1618 = vector.extract %slice3A_1617[0] : i32 from vector<1xi32>
    %swap3A_1619 = arith.constant 311 : i32
    %swap3A_1620 = arith.index_cast %swap3A_1619 : i32 to index
    %swap3A_1621 = memref.load %arg10[%swap3A_1620] : memref<336xi32, #tpu.memory_space<smem>>
    memref.store %squeeze3A_1618, %arg10[%swap3A_1620] : memref<336xi32, #tpu.memory_space<smem>>
    %slice3A_1622 = vector.extract_strided_slice %get3A_1581 {offsets = [8], sizes = [1], strides = [1]} : vector<16xi32> to vector<1xi32>
    %squeeze3A_1623 = vector.extract %slice3A_1622[0] : i32 from vector<1xi32>
    %swap3A_1624 = arith.constant 312 : i32
    %swap3A_1625 = arith.index_cast %swap3A_1624 : i32 to index
    %swap3A_1626 = memref.load %arg10[%swap3A_1625] : memref<336xi32, #tpu.memory_space<smem>>
    memref.store %squeeze3A_1623, %arg10[%swap3A_1625] : memref<336xi32, #tpu.memory_space<smem>>
    %slice3A_1627 = vector.extract_strided_slice %get3A_1581 {offsets = [9], sizes = [1], strides = [1]} : vector<16xi32> to vector<1xi32>
    %squeeze3A_1628 = vector.extract %slice3A_1627[0] : i32 from vector<1xi32>
    %swap3A_1629 = arith.constant 313 : i32
    %swap3A_1630 = arith.index_cast %swap3A_1629 : i32 to index
    %swap3A_1631 = memref.load %arg10[%swap3A_1630] : memref<336xi32, #tpu.memory_space<smem>>
    memref.store %squeeze3A_1628, %arg10[%swap3A_1630] : memref<336xi32, #tpu.memory_space<smem>>
    %slice3A_1632 = vector.extract_strided_slice %get3A_1581 {offsets = [10], sizes = [1], strides = [1]} : vector<16xi32> to vector<1xi32>
    %squeeze3A_1633 = vector.extract %slice3A_1632[0] : i32 from vector<1xi32>
    %swap3A_1634 = arith.constant 314 : i32
    %swap3A_1635 = arith.index_cast %swap3A_1634 : i32 to index
    %swap3A_1636 = memref.load %arg10[%swap3A_1635] : memref<336xi32, #tpu.memory_space<smem>>
    memref.store %squeeze3A_1633, %arg10[%swap3A_1635] : memref<336xi32, #tpu.memory_space<smem>>
    %slice3A_1637 = vector.extract_strided_slice %get3A_1581 {offsets = [11], sizes = [1], strides = [1]} : vector<16xi32> to vector<1xi32>
    %squeeze3A_1638 = vector.extract %slice3A_1637[0] : i32 from vector<1xi32>
    %swap3A_1639 = arith.constant 315 : i32
    %swap3A_1640 = arith.index_cast %swap3A_1639 : i32 to index
    %swap3A_1641 = memref.load %arg10[%swap3A_1640] : memref<336xi32, #tpu.memory_space<smem>>
    memref.store %squeeze3A_1638, %arg10[%swap3A_1640] : memref<336xi32, #tpu.memory_space<smem>>
    %slice3A_1642 = vector.extract_strided_slice %get3A_1581 {offsets = [12], sizes = [1], strides = [1]} : vector<16xi32> to vector<1xi32>
    %squeeze3A_1643 = vector.extract %slice3A_1642[0] : i32 from vector<1xi32>
    %swap3A_1644 = arith.constant 316 : i32
    %swap3A_1645 = arith.index_cast %swap3A_1644 : i32 to index
    %swap3A_1646 = memref.load %arg10[%swap3A_1645] : memref<336xi32, #tpu.memory_space<smem>>
    memref.store %squeeze3A_1643, %arg10[%swap3A_1645] : memref<336xi32, #tpu.memory_space<smem>>
    %slice3A_1647 = vector.extract_strided_slice %get3A_1581 {offsets = [13], sizes = [1], strides = [1]} : vector<16xi32> to vector<1xi32>
    %squeeze3A_1648 = vector.extract %slice3A_1647[0] : i32 from vector<1xi32>
    %swap3A_1649 = arith.constant 317 : i32
    %swap3A_1650 = arith.index_cast %swap3A_1649 : i32 to index
    %swap3A_1651 = memref.load %arg10[%swap3A_1650] : memref<336xi32, #tpu.memory_space<smem>>
    memref.store %squeeze3A_1648, %arg10[%swap3A_1650] : memref<336xi32, #tpu.memory_space<smem>>
    %slice3A_1652 = vector.extract_strided_slice %get3A_1581 {offsets = [14], sizes = [1], strides = [1]} : vector<16xi32> to vector<1xi32>
    %squeeze3A_1653 = vector.extract %slice3A_1652[0] : i32 from vector<1xi32>
    %swap3A_1654 = arith.constant 318 : i32
    %swap3A_1655 = arith.index_cast %swap3A_1654 : i32 to index
    %swap3A_1656 = memref.load %arg10[%swap3A_1655] : memref<336xi32, #tpu.memory_space<smem>>
    memref.store %squeeze3A_1653, %arg10[%swap3A_1655] : memref<336xi32, #tpu.memory_space<smem>>
    %slice3A_1657 = vector.extract_strided_slice %get3A_1581 {offsets = [15], sizes = [1], strides = [1]} : vector<16xi32> to vector<1xi32>
    %squeeze3A_1658 = vector.extract %slice3A_1657[0] : i32 from vector<1xi32>
    %swap3A_1659 = arith.constant 319 : i32
    %swap3A_1660 = arith.index_cast %swap3A_1659 : i32 to index
    %swap3A_1661 = memref.load %arg10[%swap3A_1660] : memref<336xi32, #tpu.memory_space<smem>>
    memref.store %squeeze3A_1658, %arg10[%swap3A_1660] : memref<336xi32, #tpu.memory_space<smem>>
    %get3A_1662 = arith.constant 320 : index
    %get3A_1663 = tpu.vector_load %arg6[%get3A_1662] {strides = array<i32>} : memref<336xi32, #tpu.memory_space<vmem>>, vector<16xi32>,
    %get3A_1664 = vector.shape_cast %get3A_1663 : vector<16xi32> to vector<16xi32>
    %slice3A_1665 = vector.extract_strided_slice %get3A_1664 {offsets = [0], sizes = [1], strides = [1]} : vector<16xi32> to vector<1xi32>
    %squeeze3A_1666 = vector.extract %slice3A_1665[0] : i32 from vector<1xi32>
    %swap3A_1667 = arith.constant 320 : i32
    %swap3A_1668 = arith.index_cast %swap3A_1667 : i32 to index
    %swap3A_1669 = memref.load %arg10[%swap3A_1668] : memref<336xi32, #tpu.memory_space<smem>>
    memref.store %squeeze3A_1666, %arg10[%swap3A_1668] : memref<336xi32, #tpu.memory_space<smem>>
    %slice3A_1670 = vector.extract_strided_slice %get3A_1664 {offsets = [1], sizes = [1], strides = [1]} : vector<16xi32> to vector<1xi32>
    %squeeze3A_1671 = vector.extract %slice3A_1670[0] : i32 from vector<1xi32>
    %swap3A_1672 = arith.constant 321 : i32
    %swap3A_1673 = arith.index_cast %swap3A_1672 : i32 to index
    %swap3A_1674 = memref.load %arg10[%swap3A_1673] : memref<336xi32, #tpu.memory_space<smem>>
    memref.store %squeeze3A_1671, %arg10[%swap3A_1673] : memref<336xi32, #tpu.memory_space<smem>>
    %slice3A_1675 = vector.extract_strided_slice %get3A_1664 {offsets = [2], sizes = [1], strides = [1]} : vector<16xi32> to vector<1xi32>
    %squeeze3A_1676 = vector.extract %slice3A_1675[0] : i32 from vector<1xi32>
    %swap3A_1677 = arith.constant 322 : i32
    %swap3A_1678 = arith.index_cast %swap3A_1677 : i32 to index
    %swap3A_1679 = memref.load %arg10[%swap3A_1678] : memref<336xi32, #tpu.memory_space<smem>>
    memref.store %squeeze3A_1676, %arg10[%swap3A_1678] : memref<336xi32, #tpu.memory_space<smem>>
    %slice3A_1680 = vector.extract_strided_slice %get3A_1664 {offsets = [3], sizes = [1], strides = [1]} : vector<16xi32> to vector<1xi32>
    %squeeze3A_1681 = vector.extract %slice3A_1680[0] : i32 from vector<1xi32>
    %swap3A_1682 = arith.constant 323 : i32
    %swap3A_1683 = arith.index_cast %swap3A_1682 : i32 to index
    %swap3A_1684 = memref.load %arg10[%swap3A_1683] : memref<336xi32, #tpu.memory_space<smem>>
    memref.store %squeeze3A_1681, %arg10[%swap3A_1683] : memref<336xi32, #tpu.memory_space<smem>>
    %slice3A_1685 = vector.extract_strided_slice %get3A_1664 {offsets = [4], sizes = [1], strides = [1]} : vector<16xi32> to vector<1xi32>
    %squeeze3A_1686 = vector.extract %slice3A_1685[0] : i32 from vector<1xi32>
    %swap3A_1687 = arith.constant 324 : i32
    %swap3A_1688 = arith.index_cast %swap3A_1687 : i32 to index
    %swap3A_1689 = memref.load %arg10[%swap3A_1688] : memref<336xi32, #tpu.memory_space<smem>>
    memref.store %squeeze3A_1686, %arg10[%swap3A_1688] : memref<336xi32, #tpu.memory_space<smem>>
    %slice3A_1690 = vector.extract_strided_slice %get3A_1664 {offsets = [5], sizes = [1], strides = [1]} : vector<16xi32> to vector<1xi32>
    %squeeze3A_1691 = vector.extract %slice3A_1690[0] : i32 from vector<1xi32>
    %swap3A_1692 = arith.constant 325 : i32
    %swap3A_1693 = arith.index_cast %swap3A_1692 : i32 to index
    %swap3A_1694 = memref.load %arg10[%swap3A_1693] : memref<336xi32, #tpu.memory_space<smem>>
    memref.store %squeeze3A_1691, %arg10[%swap3A_1693] : memref<336xi32, #tpu.memory_space<smem>>
    %slice3A_1695 = vector.extract_strided_slice %get3A_1664 {offsets = [6], sizes = [1], strides = [1]} : vector<16xi32> to vector<1xi32>
    %squeeze3A_1696 = vector.extract %slice3A_1695[0] : i32 from vector<1xi32>
    %swap3A_1697 = arith.constant 326 : i32
    %swap3A_1698 = arith.index_cast %swap3A_1697 : i32 to index
    %swap3A_1699 = memref.load %arg10[%swap3A_1698] : memref<336xi32, #tpu.memory_space<smem>>
    memref.store %squeeze3A_1696, %arg10[%swap3A_1698] : memref<336xi32, #tpu.memory_space<smem>>
    %slice3A_1700 = vector.extract_strided_slice %get3A_1664 {offsets = [7], sizes = [1], strides = [1]} : vector<16xi32> to vector<1xi32>
    %squeeze3A_1701 = vector.extract %slice3A_1700[0] : i32 from vector<1xi32>
    %swap3A_1702 = arith.constant 327 : i32
    %swap3A_1703 = arith.index_cast %swap3A_1702 : i32 to index
    %swap3A_1704 = memref.load %arg10[%swap3A_1703] : memref<336xi32, #tpu.memory_space<smem>>
    memref.store %squeeze3A_1701, %arg10[%swap3A_1703] : memref<336xi32, #tpu.memory_space<smem>>
    %slice3A_1705 = vector.extract_strided_slice %get3A_1664 {offsets = [8], sizes = [1], strides = [1]} : vector<16xi32> to vector<1xi32>
    %squeeze3A_1706 = vector.extract %slice3A_1705[0] : i32 from vector<1xi32>
    %swap3A_1707 = arith.constant 328 : i32
    %swap3A_1708 = arith.index_cast %swap3A_1707 : i32 to index
    %swap3A_1709 = memref.load %arg10[%swap3A_1708] : memref<336xi32, #tpu.memory_space<smem>>
    memref.store %squeeze3A_1706, %arg10[%swap3A_1708] : memref<336xi32, #tpu.memory_space<smem>>
    %slice3A_1710 = vector.extract_strided_slice %get3A_1664 {offsets = [9], sizes = [1], strides = [1]} : vector<16xi32> to vector<1xi32>
    %squeeze3A_1711 = vector.extract %slice3A_1710[0] : i32 from vector<1xi32>
    %swap3A_1712 = arith.constant 329 : i32
    %swap3A_1713 = arith.index_cast %swap3A_1712 : i32 to index
    %swap3A_1714 = memref.load %arg10[%swap3A_1713] : memref<336xi32, #tpu.memory_space<smem>>
    memref.store %squeeze3A_1711, %arg10[%swap3A_1713] : memref<336xi32, #tpu.memory_space<smem>>
    %slice3A_1715 = vector.extract_strided_slice %get3A_1664 {offsets = [10], sizes = [1], strides = [1]} : vector<16xi32> to vector<1xi32>
    %squeeze3A_1716 = vector.extract %slice3A_1715[0] : i32 from vector<1xi32>
    %swap3A_1717 = arith.constant 330 : i32
    %swap3A_1718 = arith.index_cast %swap3A_1717 : i32 to index
    %swap3A_1719 = memref.load %arg10[%swap3A_1718] : memref<336xi32, #tpu.memory_space<smem>>
    memref.store %squeeze3A_1716, %arg10[%swap3A_1718] : memref<336xi32, #tpu.memory_space<smem>>
    %slice3A_1720 = vector.extract_strided_slice %get3A_1664 {offsets = [11], sizes = [1], strides = [1]} : vector<16xi32> to vector<1xi32>
    %squeeze3A_1721 = vector.extract %slice3A_1720[0] : i32 from vector<1xi32>
    %swap3A_1722 = arith.constant 331 : i32
    %swap3A_1723 = arith.index_cast %swap3A_1722 : i32 to index
    %swap3A_1724 = memref.load %arg10[%swap3A_1723] : memref<336xi32, #tpu.memory_space<smem>>
    memref.store %squeeze3A_1721, %arg10[%swap3A_1723] : memref<336xi32, #tpu.memory_space<smem>>
    %slice3A_1725 = vector.extract_strided_slice %get3A_1664 {offsets = [12], sizes = [1], strides = [1]} : vector<16xi32> to vector<1xi32>
    %squeeze3A_1726 = vector.extract %slice3A_1725[0] : i32 from vector<1xi32>
    %swap3A_1727 = arith.constant 332 : i32
    %swap3A_1728 = arith.index_cast %swap3A_1727 : i32 to index
    %swap3A_1729 = memref.load %arg10[%swap3A_1728] : memref<336xi32, #tpu.memory_space<smem>>
    memref.store %squeeze3A_1726, %arg10[%swap3A_1728] : memref<336xi32, #tpu.memory_space<smem>>
    %slice3A_1730 = vector.extract_strided_slice %get3A_1664 {offsets = [13], sizes = [1], strides = [1]} : vector<16xi32> to vector<1xi32>
    %squeeze3A_1731 = vector.extract %slice3A_1730[0] : i32 from vector<1xi32>
    %swap3A_1732 = arith.constant 333 : i32
    %swap3A_1733 = arith.index_cast %swap3A_1732 : i32 to index
    %swap3A_1734 = memref.load %arg10[%swap3A_1733] : memref<336xi32, #tpu.memory_space<smem>>
    memref.store %squeeze3A_1731, %arg10[%swap3A_1733] : memref<336xi32, #tpu.memory_space<smem>>
    %slice3A_1735 = vector.extract_strided_slice %get3A_1664 {offsets = [14], sizes = [1], strides = [1]} : vector<16xi32> to vector<1xi32>
    %squeeze3A_1736 = vector.extract %slice3A_1735[0] : i32 from vector<1xi32>
    %swap3A_1737 = arith.constant 334 : i32
    %swap3A_1738 = arith.index_cast %swap3A_1737 : i32 to index
    %swap3A_1739 = memref.load %arg10[%swap3A_1738] : memref<336xi32, #tpu.memory_space<smem>>
    memref.store %squeeze3A_1736, %arg10[%swap3A_1738] : memref<336xi32, #tpu.memory_space<smem>>
    %slice3A_1740 = vector.extract_strided_slice %get3A_1664 {offsets = [15], sizes = [1], strides = [1]} : vector<16xi32> to vector<1xi32>
    %squeeze3A_1741 = vector.extract %slice3A_1740[0] : i32 from vector<1xi32>
    %swap3A_1742 = arith.constant 335 : i32
    %swap3A_1743 = arith.index_cast %swap3A_1742 : i32 to index
    %swap3A_1744 = memref.load %arg10[%swap3A_1743] : memref<336xi32, #tpu.memory_space<smem>>
    memref.store %squeeze3A_1741, %arg10[%swap3A_1743] : memref<336xi32, #tpu.memory_space<smem>>
    %mul3A_1745 = arith.constant 640 : i32
    %mul3A_1746 = arith.muli %arg1, %mul3A_1745 : i32
    %mul3A_1747 = arith.constant 640 : i32
    %mul3A_1748 = arith.muli %arg1, %mul3A_1747 : i32
    "tpu.region"() ({
      %run_scoped3A = tpu.sem_alloc : memref<!tpu.dma_semaphore, #tpu.memory_space<semaphore_mem>>
      %dma_start3A_1867 = arith.constant 0 : i32
      %dma_start3A_1868 = tpu.memref_slice %arg11[%mul3A_1748, %dma_start3A_1867] : memref<10240x128xf32, #tpu.memory_space<vmem_shared>> -> memref<640x128xf32, #tpu.memory_space<vmem_shared>>
      %dma_start3A_1869 = arith.constant 0 : i32
      %dma_start3A_1870 = tpu.memref_slice %arg2[%mul3A_1746, %dma_start3A_1869] : memref<10240x128xf32, #tpu.memory_space<hbm>> -> memref<640x128xf32, #tpu.memory_space<hbm>>
      tpu.enqueue_dma source(%dma_start3A_1870 : memref<640x128xf32, #tpu.memory_space<hbm>>) target(%dma_start3A_1868 : memref<640x128xf32, #tpu.memory_space<vmem_shared>>) target_semaphore(%run_scoped3A : memref<!tpu.dma_semaphore, #tpu.memory_space<semaphore_mem>>)
      %dma_wait3A_1871 = arith.constant 0 : i32
      %dma_wait3A_1872 = tpu.memref_slice %arg11[%mul3A_1748, %dma_wait3A_1871] : memref<10240x128xf32, #tpu.memory_space<vmem_shared>> -> memref<640x128xf32, #tpu.memory_space<vmem_shared>>
      %dma_wait3A_1873 = arith.constant 0 : i32
      %dma_wait3A_1874 = tpu.memref_slice %arg2[%mul3A_1746, %dma_wait3A_1873] : memref<10240x128xf32, #tpu.memory_space<hbm>> -> memref<640x128xf32, #tpu.memory_space<hbm>>
      tpu.wait_dma2 semaphore(%run_scoped3A : memref<!tpu.dma_semaphore, #tpu.memory_space<semaphore_mem>>) src(%dma_wait3A_1874 : memref<640x128xf32, #tpu.memory_space<hbm>>) dst(%dma_wait3A_1872 : memref<640x128xf32, #tpu.memory_space<vmem_shared>>)
      tpu.yield
    }) : () -> ()
    %barrier3A = arith.constant 0 : index
    tpu.barrier barrier_id(%barrier3A)
    %get3A_1749 = arith.constant 0 : i32
    %get3A_1750 = arith.index_cast %get3A_1749 : i32 to index
    %get3A_1751 = memref.load %arg10[%get3A_1750] : memref<336xi32, #tpu.memory_space<smem>>
    %jit3A = arith.constant 16 : i32
    %div3A = arith.divsi %get3A_1751, %jit3A : i32
    %sign3A = arith.constant 0 : i32
    %sign3A_1752 = arith.cmpi sgt, %get3A_1751, %sign3A : i32
    %sign3A_1753 = arith.extui %sign3A_1752 : i1 to i32
    %sign3A_1754 = arith.constant 0 : i32
    %sign3A_1755 = arith.cmpi slt, %get3A_1751, %sign3A_1754 : i32
    %sign3A_1756 = arith.extui %sign3A_1755 : i1 to i32
    %sign3A_1757 = arith.subi %sign3A_1753, %sign3A_1756 : i32
    %sign3A_1758 = arith.constant 0 : i32
    %sign3A_1759 = arith.cmpi sgt, %jit3A, %sign3A_1758 : i32
    %sign3A_1760 = arith.extui %sign3A_1759 : i1 to i32
    %sign3A_1761 = arith.constant 0 : i32
    %sign3A_1762 = arith.cmpi slt, %jit3A, %sign3A_1761 : i32
    %sign3A_1763 = arith.extui %sign3A_1762 : i1 to i32
    %sign3A_1764 = arith.subi %sign3A_1760, %sign3A_1763 : i32
    %ne3A = arith.cmpi ne, %sign3A_1757, %sign3A_1764 : i32
    %rem3A = arith.remsi %get3A_1751, %jit3A : i32
    %ne3A_1765 = arith.constant 0 : i32
    %ne3A_1766 = arith.cmpi ne, %rem3A, %ne3A_1765 : i32
    %and3A = arith.andi %ne3A, %ne3A_1766 : i1
    %sub3A = arith.constant 1 : i32
    %sub3A_1767 = arith.subi %div3A, %sub3A : i32
    %select_n3A = arith.select %and3A, %sub3A_1767, %div3A : i32
    %mul3A_1768 = arith.constant 16 : i32
    %mul3A_1769 = arith.muli %select_n3A, %mul3A_1768 : i32
    %add3A_1770 = arith.constant 0 : i32
    %add3A_1771 = arith.addi %mul3A_1769, %add3A_1770 : i32
    %dma_start3A = arith.constant 0 : i32
    %dma_start3A_1772 = arith.constant 0 : i32
    %dma_start3A_1773 = tpu.memref_slice %arg7[%dma_start3A, %dma_start3A_1772] : memref<2x128xi32, #tpu.memory_space<vmem>> -> memref<1x128xi32, #tpu.memory_space<vmem>>
    %dma_start3A_1774 = tpu.memref_squeeze %dma_start3A_1773 : memref<1x128xi32, #tpu.memory_space<vmem>> -> memref<128xi32, #tpu.memory_space<vmem>>
    %dma_start3A_1775 = tpu.memref_slice %arg4[%add3A_1771] : memref<320512xi32, #tpu.memory_space<hbm>> -> memref<128xi32, #tpu.memory_space<hbm>>
    %dma_start3A_1776 = arith.constant 0 : i32
    %dma_start3A_1777 = tpu.memref_slice %arg7[%dma_start3A, %dma_start3A_1776] : memref<2x128xi32, #tpu.memory_space<vmem>> -> memref<1x128xi32, #tpu.memory_space<vmem>>
    %dma_start3A_1778 = tpu.memref_squeeze %dma_start3A_1777 : memref<1x128xi32, #tpu.memory_space<vmem>> -> memref<128xi32, #tpu.memory_space<vmem>>
    %dma_start3A_1779 = tpu.memref_slice %arg4[%add3A_1771] : memref<320512xi32, #tpu.memory_space<hbm>> -> memref<128xi32, #tpu.memory_space<hbm>>
    tpu.enqueue_dma source(%dma_start3A_1779 : memref<128xi32, #tpu.memory_space<hbm>>) target(%dma_start3A_1778 : memref<128xi32, #tpu.memory_space<vmem>>) target_semaphore(%arg13 : memref<!tpu.dma_semaphore, #tpu.memory_space<semaphore_mem>>)
    %dma_wait3A = arith.constant 0 : i32
    %dma_wait3A_1780 = arith.constant 0 : i32
    %dma_wait3A_1781 = tpu.memref_slice %arg7[%dma_wait3A, %dma_wait3A_1780] : memref<2x128xi32, #tpu.memory_space<vmem>> -> memref<1x128xi32, #tpu.memory_space<vmem>>
    %dma_wait3A_1782 = tpu.memref_squeeze %dma_wait3A_1781 : memref<1x128xi32, #tpu.memory_space<vmem>> -> memref<128xi32, #tpu.memory_space<vmem>>
    %dma_wait3A_1783 = tpu.memref_slice %arg4[%mul3A_1769] : memref<320512xi32, #tpu.memory_space<hbm>> -> memref<128xi32, #tpu.memory_space<hbm>>
    %dma_wait3A_1784 = arith.constant 0 : i32
    %dma_wait3A_1785 = tpu.memref_slice %arg7[%dma_wait3A, %dma_wait3A_1784] : memref<2x128xi32, #tpu.memory_space<vmem>> -> memref<1x128xi32, #tpu.memory_space<vmem>>
    %dma_wait3A_1786 = tpu.memref_squeeze %dma_wait3A_1785 : memref<1x128xi32, #tpu.memory_space<vmem>> -> memref<128xi32, #tpu.memory_space<vmem>>
    %dma_wait3A_1787 = tpu.memref_slice %arg4[%mul3A_1769] : memref<320512xi32, #tpu.memory_space<hbm>> -> memref<128xi32, #tpu.memory_space<hbm>>
    tpu.wait_dma2 semaphore(%arg13 : memref<!tpu.dma_semaphore, #tpu.memory_space<semaphore_mem>>) src(%dma_wait3A_1787 : memref<128xi32, #tpu.memory_space<hbm>>) dst(%dma_wait3A_1786 : memref<128xi32, #tpu.memory_space<vmem>>)
    %dma_start3A_1788 = arith.constant 0 : i32
    %dma_start3A_1789 = arith.constant 0 : i32
    %dma_start3A_1790 = arith.constant 0 : i32
    %dma_start3A_1791 = arith.constant 0 : i32
    %dma_start3A_1792 = tpu.memref_slice %arg8[%dma_start3A_1789, %dma_start3A_1790, %dma_start3A_1791] : memref<2x128x128xf32, #tpu.memory_space<vmem>> -> memref<1x128x128xf32, #tpu.memory_space<vmem>>
    %dma_start3A_1793 = tpu.memref_squeeze %dma_start3A_1792 : memref<1x128x128xf32, #tpu.memory_space<vmem>> -> memref<128x128xf32, #tpu.memory_space<vmem>>
    %dma_start3A_1794 = arith.constant 0 : i32
    %dma_start3A_1795 = tpu.memref_slice %arg7[%dma_start3A_1788, %dma_start3A_1794] : memref<2x128xi32, #tpu.memory_space<vmem>> -> memref<1x128xi32, #tpu.memory_space<vmem>>
    %dma_start3A_1796 = tpu.memref_squeeze %dma_start3A_1795 : memref<1x128xi32, #tpu.memory_space<vmem>> -> memref<128xi32, #tpu.memory_space<vmem>>
    %dma_start3A_1797 = arith.constant 0 : i32
    %dma_start3A_1798 = arith.constant 0 : i32
    %dma_start3A_1799 = tpu.memref_slice %arg11[%dma_start3A_1797, %dma_start3A_1798] : memref<10240x128xf32, #tpu.memory_space<vmem_shared>> -> memref<10240x128xf32, #tpu.memory_space<vmem_shared>>
    tpu.enqueue_indirect_dma source(%dma_start3A_1799 : memref<10240x128xf32, #tpu.memory_space<vmem_shared>>) target(%dma_start3A_1793 : memref<128x128xf32, #tpu.memory_space<vmem>>) offsets(%dma_start3A_1796 : memref<128xi32, #tpu.memory_space<vmem>>) semaphore(%arg12 : memref<!tpu.dma_semaphore, #tpu.memory_space<semaphore_mem>>)
    %add3A_1800 = arith.constant 128 : i32
    %add3A_1801 = arith.addi %mul3A_1769, %add3A_1800 : i32
    %dma_start3A_1802 = arith.constant 1 : i32
    %dma_start3A_1803 = arith.constant 0 : i32
    %dma_start3A_1804 = tpu.memref_slice %arg7[%dma_start3A_1802, %dma_start3A_1803] : memref<2x128xi32, #tpu.memory_space<vmem>> -> memref<1x128xi32, #tpu.memory_space<vmem>>
    %dma_start3A_1805 = tpu.memref_squeeze %dma_start3A_1804 : memref<1x128xi32, #tpu.memory_space<vmem>> -> memref<128xi32, #tpu.memory_space<vmem>>
    %dma_start3A_1806 = tpu.memref_slice %arg4[%add3A_1801] : memref<320512xi32, #tpu.memory_space<hbm>> -> memref<128xi32, #tpu.memory_space<hbm>>
    %dma_start3A_1807 = arith.constant 0 : i32
    %dma_start3A_1808 = tpu.memref_slice %arg7[%dma_start3A_1802, %dma_start3A_1807] : memref<2x128xi32, #tpu.memory_space<vmem>> -> memref<1x128xi32, #tpu.memory_space<vmem>>
    %dma_start3A_1809 = tpu.memref_squeeze %dma_start3A_1808 : memref<1x128xi32, #tpu.memory_space<vmem>> -> memref<128xi32, #tpu.memory_space<vmem>>
    %dma_start3A_1810 = tpu.memref_slice %arg4[%add3A_1801] : memref<320512xi32, #tpu.memory_space<hbm>> -> memref<128xi32, #tpu.memory_space<hbm>>
    tpu.enqueue_dma source(%dma_start3A_1810 : memref<128xi32, #tpu.memory_space<hbm>>) target(%dma_start3A_1809 : memref<128xi32, #tpu.memory_space<vmem>>) target_semaphore(%arg13 : memref<!tpu.dma_semaphore, #tpu.memory_space<semaphore_mem>>)
    %scan3A = arith.constant -1 : i32
    %scan3A_1811 = arith.constant 0 : i32
    %scan3A_1812 = arith.constant 320 : i32
    %scan3A_1813 = arith.addi %scan3A_1811, %scan3A_1812 : i32
    %scan3A_1814 = arith.constant 1 : i32
    %scan3A_1815 = scf.for %scan3A_1867 = %scan3A_1811 to %scan3A_1813 step %scan3A_1814 iter_args(%scan3A_1868 = %scan3A) -> (i32)  : i32 {
      %get3A_1869 = arith.index_cast %scan3A_1867 : i32 to index
      %get3A_1870 = memref.load %arg10[%get3A_1869] : memref<336xi32, #tpu.memory_space<smem>>
      %add3A_1871 = arith.constant 1 : i32
      %add3A_1872 = arith.addi %scan3A_1867, %add3A_1871 : i32
      %get3A_1873 = arith.index_cast %add3A_1872 : i32 to index
      %get3A_1874 = memref.load %arg10[%get3A_1873] : memref<336xi32, #tpu.memory_space<smem>>
      %sub3A_1875 = arith.subi %get3A_1870, %mul3A_1769 : i32
      %jit3A_1876 = arith.constant 128 : i32
      %div3A_1877 = arith.divsi %sub3A_1875, %jit3A_1876 : i32
      %sign3A_1878 = arith.constant 0 : i32
      %sign3A_1879 = arith.cmpi sgt, %sub3A_1875, %sign3A_1878 : i32
      %sign3A_1880 = arith.extui %sign3A_1879 : i1 to i32
      %sign3A_1881 = arith.constant 0 : i32
      %sign3A_1882 = arith.cmpi slt, %sub3A_1875, %sign3A_1881 : i32
      %sign3A_1883 = arith.extui %sign3A_1882 : i1 to i32
      %sign3A_1884 = arith.subi %sign3A_1880, %sign3A_1883 : i32
      %sign3A_1885 = arith.constant 0 : i32
      %sign3A_1886 = arith.cmpi sgt, %jit3A_1876, %sign3A_1885 : i32
      %sign3A_1887 = arith.extui %sign3A_1886 : i1 to i32
      %sign3A_1888 = arith.constant 0 : i32
      %sign3A_1889 = arith.cmpi slt, %jit3A_1876, %sign3A_1888 : i32
      %sign3A_1890 = arith.extui %sign3A_1889 : i1 to i32
      %sign3A_1891 = arith.subi %sign3A_1887, %sign3A_1890 : i32
      %ne3A_1892 = arith.cmpi ne, %sign3A_1884, %sign3A_1891 : i32
      %rem3A_1893 = arith.remsi %sub3A_1875, %jit3A_1876 : i32
      %ne3A_1894 = arith.constant 0 : i32
      %ne3A_1895 = arith.cmpi ne, %rem3A_1893, %ne3A_1894 : i32
      %and3A_1896 = arith.andi %ne3A_1892, %ne3A_1895 : i1
      %sub3A_1897 = arith.constant 1 : i32
      %sub3A_1898 = arith.subi %div3A_1877, %sub3A_1897 : i32
      %select_n3A_1899 = arith.select %and3A_1896, %sub3A_1898, %div3A_1877 : i32
      %gt3A = arith.cmpi sgt, %get3A_1874, %get3A_1870 : i32
      %sub3A_1900 = arith.subi %get3A_1874, %mul3A_1769 : i32
      %add3A_1901 = arith.constant 127 : i32
      %add3A_1902 = arith.addi %sub3A_1900, %add3A_1901 : i32
      %jit3A_1903 = arith.constant 128 : i32
      %div3A_1904 = arith.divsi %add3A_1902, %jit3A_1903 : i32
      %sign3A_1905 = arith.constant 0 : i32
      %sign3A_1906 = arith.cmpi sgt, %add3A_1902, %sign3A_1905 : i32
      %sign3A_1907 = arith.extui %sign3A_1906 : i1 to i32
      %sign3A_1908 = arith.constant 0 : i32
      %sign3A_1909 = arith.cmpi slt, %add3A_1902, %sign3A_1908 : i32
      %sign3A_1910 = arith.extui %sign3A_1909 : i1 to i32
      %sign3A_1911 = arith.subi %sign3A_1907, %sign3A_1910 : i32
      %sign3A_1912 = arith.constant 0 : i32
      %sign3A_1913 = arith.cmpi sgt, %jit3A_1903, %sign3A_1912 : i32
      %sign3A_1914 = arith.extui %sign3A_1913 : i1 to i32
      %sign3A_1915 = arith.constant 0 : i32
      %sign3A_1916 = arith.cmpi slt, %jit3A_1903, %sign3A_1915 : i32
      %sign3A_1917 = arith.extui %sign3A_1916 : i1 to i32
      %sign3A_1918 = arith.subi %sign3A_1914, %sign3A_1917 : i32
      %ne3A_1919 = arith.cmpi ne, %sign3A_1911, %sign3A_1918 : i32
      %rem3A_1920 = arith.remsi %add3A_1902, %jit3A_1903 : i32
      %ne3A_1921 = arith.constant 0 : i32
      %ne3A_1922 = arith.cmpi ne, %rem3A_1920, %ne3A_1921 : i32
      %and3A_1923 = arith.andi %ne3A_1919, %ne3A_1922 : i1
      %sub3A_1924 = arith.constant 1 : i32
      %sub3A_1925 = arith.subi %div3A_1904, %sub3A_1924 : i32
      %select_n3A_1926 = arith.select %and3A_1923, %sub3A_1925, %div3A_1904 : i32
      %select_n3A_1927 = arith.select %gt3A, %select_n3A_1926, %select_n3A_1899 : i32
      %while3A = arith.subi %select_n3A_1927, %select_n3A_1899 : i32
      %while3A_1928 = arith.addi %select_n3A_1899, %while3A : i32
      %while3A_1929 = arith.constant 1 : i32
      %while3A_1930 = arith.divsi %while3A, %while3A_1929 : i32
      %while3A_1931 = arith.muli %while3A_1930, %while3A_1929 : i32
      %while3A_1932 = arith.addi %select_n3A_1899, %while3A_1931 : i32
      %while3A_1933 = arith.constant 1 : i32
      %while3A_1934:9 = scf.for %while3A_2044 = %select_n3A_1899 to %while3A_1932 step %while3A_1933 iter_args(%while3A_2045 = %scan3A_1868, %while3A_2046 = %broadcast_in_dim3A_0, %while3A_2047 = %broadcast_in_dim3A_0, %while3A_2048 = %broadcast_in_dim3A_0, %while3A_2049 = %broadcast_in_dim3A_0, %while3A_2050 = %broadcast_in_dim3A_0, %while3A_2051 = %broadcast_in_dim3A_0, %while3A_2052 = %broadcast_in_dim3A_0, %while3A_2053 = %broadcast_in_dim3A_0) -> (i32, vector<16xf32>, vector<16xf32>, vector<16xf32>, vector<16xf32>, vector<16xf32>, vector<16xf32>, vector<16xf32>, vector<16xf32>)  : i32 {
        %and3A_2054 = arith.constant 1 : i32
        %and3A_2055 = arith.andi %while3A_2044, %and3A_2054 : i32
        %sub3A_2056 = arith.constant 1 : i32
        %sub3A_2057 = arith.subi %sub3A_2056, %and3A_2055 : i32
        %ne3A_2058 = arith.cmpi ne, %while3A_2044, %while3A_2045 : i32
        %convert_element_type3A_2059 = arith.extui %ne3A_2058 : i1 to i32
        %cond3A_2060 = arith.constant 0 : i32
        %cond3A_2061 = arith.cmpi ne, %convert_element_type3A_2059, %cond3A_2060 : i32
        scf.if %cond3A_2061 {
          %dma_wait3A_2079 = arith.constant 0 : i32
          %dma_wait3A_2080 = arith.constant 0 : i32
          %dma_wait3A_2081 = tpu.memref_slice %arg8[%and3A_2055, %dma_wait3A_2079, %dma_wait3A_2080] : memref<2x128x128xf32, #tpu.memory_space<vmem>> -> memref<1x128x128xf32, #tpu.memory_space<vmem>>
          %dma_wait3A_2082 = tpu.memref_squeeze %dma_wait3A_2081 : memref<1x128x128xf32, #tpu.memory_space<vmem>> -> memref<128x128xf32, #tpu.memory_space<vmem>>
          %dma_wait3A_2083 = arith.constant 0 : i32
          %dma_wait3A_2084 = tpu.memref_slice %arg7[%and3A_2055, %dma_wait3A_2083] : memref<2x128xi32, #tpu.memory_space<vmem>> -> memref<1x128xi32, #tpu.memory_space<vmem>>
          %dma_wait3A_2085 = tpu.memref_squeeze %dma_wait3A_2084 : memref<1x128xi32, #tpu.memory_space<vmem>> -> memref<128xi32, #tpu.memory_space<vmem>>
          %dma_wait3A_2086 = arith.constant 0 : i32
          %dma_wait3A_2087 = arith.constant 0 : i32
          %dma_wait3A_2088 = tpu.memref_slice %arg11[%dma_wait3A_2086, %dma_wait3A_2087] : memref<10240x128xf32, #tpu.memory_space<vmem_shared>> -> memref<10240x128xf32, #tpu.memory_space<vmem_shared>>
          tpu.wait_indirect_dma semaphore(%arg12 : memref<!tpu.dma_semaphore, #tpu.memory_space<semaphore_mem>>) src(%dma_wait3A_2088 : memref<10240x128xf32, #tpu.memory_space<vmem_shared>>) dst(%dma_wait3A_2082 : memref<128x128xf32, #tpu.memory_space<vmem>>)
          %dma_wait3A_2089 = arith.constant 0 : i32
          %dma_wait3A_2090 = tpu.memref_slice %arg7[%sub3A_2057, %dma_wait3A_2089] : memref<2x128xi32, #tpu.memory_space<vmem>> -> memref<1x128xi32, #tpu.memory_space<vmem>>
          %dma_wait3A_2091 = tpu.memref_squeeze %dma_wait3A_2090 : memref<1x128xi32, #tpu.memory_space<vmem>> -> memref<128xi32, #tpu.memory_space<vmem>>
          %dma_wait3A_2092 = tpu.memref_slice %arg4[%mul3A_1769] : memref<320512xi32, #tpu.memory_space<hbm>> -> memref<128xi32, #tpu.memory_space<hbm>>
          %dma_wait3A_2093 = arith.constant 0 : i32
          %dma_wait3A_2094 = tpu.memref_slice %arg7[%sub3A_2057, %dma_wait3A_2093] : memref<2x128xi32, #tpu.memory_space<vmem>> -> memref<1x128xi32, #tpu.memory_space<vmem>>
          %dma_wait3A_2095 = tpu.memref_squeeze %dma_wait3A_2094 : memref<1x128xi32, #tpu.memory_space<vmem>> -> memref<128xi32, #tpu.memory_space<vmem>>
          %dma_wait3A_2096 = tpu.memref_slice %arg4[%mul3A_1769] : memref<320512xi32, #tpu.memory_space<hbm>> -> memref<128xi32, #tpu.memory_space<hbm>>
          tpu.wait_dma2 semaphore(%arg13 : memref<!tpu.dma_semaphore, #tpu.memory_space<semaphore_mem>>) src(%dma_wait3A_2096 : memref<128xi32, #tpu.memory_space<hbm>>) dst(%dma_wait3A_2095 : memref<128xi32, #tpu.memory_space<vmem>>)
          %dma_start3A_2097 = arith.constant 0 : i32
          %dma_start3A_2098 = arith.constant 0 : i32
          %dma_start3A_2099 = tpu.memref_slice %arg8[%sub3A_2057, %dma_start3A_2097, %dma_start3A_2098] : memref<2x128x128xf32, #tpu.memory_space<vmem>> -> memref<1x128x128xf32, #tpu.memory_space<vmem>>
          %dma_start3A_2100 = tpu.memref_squeeze %dma_start3A_2099 : memref<1x128x128xf32, #tpu.memory_space<vmem>> -> memref<128x128xf32, #tpu.memory_space<vmem>>
          %dma_start3A_2101 = arith.constant 0 : i32
          %dma_start3A_2102 = tpu.memref_slice %arg7[%sub3A_2057, %dma_start3A_2101] : memref<2x128xi32, #tpu.memory_space<vmem>> -> memref<1x128xi32, #tpu.memory_space<vmem>>
          %dma_start3A_2103 = tpu.memref_squeeze %dma_start3A_2102 : memref<1x128xi32, #tpu.memory_space<vmem>> -> memref<128xi32, #tpu.memory_space<vmem>>
          %dma_start3A_2104 = arith.constant 0 : i32
          %dma_start3A_2105 = arith.constant 0 : i32
          %dma_start3A_2106 = tpu.memref_slice %arg11[%dma_start3A_2104, %dma_start3A_2105] : memref<10240x128xf32, #tpu.memory_space<vmem_shared>> -> memref<10240x128xf32, #tpu.memory_space<vmem_shared>>
          tpu.enqueue_indirect_dma source(%dma_start3A_2106 : memref<10240x128xf32, #tpu.memory_space<vmem_shared>>) target(%dma_start3A_2100 : memref<128x128xf32, #tpu.memory_space<vmem>>) offsets(%dma_start3A_2103 : memref<128xi32, #tpu.memory_space<vmem>>) semaphore(%arg12 : memref<!tpu.dma_semaphore, #tpu.memory_space<semaphore_mem>>)
          %add3A_2107 = arith.constant 2 : i32
          %add3A_2108 = arith.addi %while3A_2044, %add3A_2107 : i32
          %mul3A_2109 = arith.constant 128 : i32
          %mul3A_2110 = arith.muli %add3A_2108, %mul3A_2109 : i32
          %add3A_2111 = arith.addi %mul3A_1769, %mul3A_2110 : i32
          %dma_start3A_2112 = arith.constant 0 : i32
          %dma_start3A_2113 = tpu.memref_slice %arg7[%and3A_2055, %dma_start3A_2112] : memref<2x128xi32, #tpu.memory_space<vmem>> -> memref<1x128xi32, #tpu.memory_space<vmem>>
          %dma_start3A_2114 = tpu.memref_squeeze %dma_start3A_2113 : memref<1x128xi32, #tpu.memory_space<vmem>> -> memref<128xi32, #tpu.memory_space<vmem>>
          %dma_start3A_2115 = tpu.memref_slice %arg4[%add3A_2111] : memref<320512xi32, #tpu.memory_space<hbm>> -> memref<128xi32, #tpu.memory_space<hbm>>
          %dma_start3A_2116 = arith.constant 0 : i32
          %dma_start3A_2117 = tpu.memref_slice %arg7[%and3A_2055, %dma_start3A_2116] : memref<2x128xi32, #tpu.memory_space<vmem>> -> memref<1x128xi32, #tpu.memory_space<vmem>>
          %dma_start3A_2118 = tpu.memref_squeeze %dma_start3A_2117 : memref<1x128xi32, #tpu.memory_space<vmem>> -> memref<128xi32, #tpu.memory_space<vmem>>
          %dma_start3A_2119 = tpu.memref_slice %arg4[%add3A_2111] : memref<320512xi32, #tpu.memory_space<hbm>> -> memref<128xi32, #tpu.memory_space<hbm>>
          tpu.enqueue_dma source(%dma_start3A_2119 : memref<128xi32, #tpu.memory_space<hbm>>) target(%dma_start3A_2118 : memref<128xi32, #tpu.memory_space<vmem>>) target_semaphore(%arg13 : memref<!tpu.dma_semaphore, #tpu.memory_space<semaphore_mem>>)
        } else {
        }
        %mul3A_2062 = arith.constant 128 : i32
        %mul3A_2063 = arith.muli %while3A_2044, %mul3A_2062 : i32
        %add3A_2064 = arith.addi %mul3A_1769, %mul3A_2063 : i32
        %sub3A_2065 = arith.subi %get3A_1870, %add3A_2064 : i32
        %max3A = arith.constant 0 : i32
        %max3A_2066 = arith.maxsi %sub3A_2065, %max3A : i32
        %sub3A_2067 = arith.subi %get3A_1874, %add3A_2064 : i32
        %min3A = arith.constant 128 : i32
        %min3A_2068 = arith.minsi %sub3A_2067, %min3A : i32
        %while3A_2069 = arith.subi %min3A_2068, %max3A_2066 : i32
        %while3A_2070 = arith.addi %max3A_2066, %while3A_2069 : i32
        %while3A_2071 = arith.constant 1 : i32
        %while3A_2072 = arith.divsi %while3A_2069, %while3A_2071 : i32
        %while3A_2073 = arith.muli %while3A_2072, %while3A_2071 : i32
        %while3A_2074 = arith.addi %max3A_2066, %while3A_2073 : i32
        %while3A_2075 = arith.constant 1 : i32
        %while3A_2076:8 = scf.for %while3A_2079 = %max3A_2066 to %while3A_2074 step %while3A_2075 iter_args(%while3A_2080 = %while3A_2046, %while3A_2081 = %while3A_2047, %while3A_2082 = %while3A_2048, %while3A_2083 = %while3A_2049, %while3A_2084 = %while3A_2050, %while3A_2085 = %while3A_2051, %while3A_2086 = %while3A_2052, %while3A_2087 = %while3A_2053) -> (vector<16xf32>, vector<16xf32>, vector<16xf32>, vector<16xf32>, vector<16xf32>, vector<16xf32>, vector<16xf32>, vector<16xf32>)  : i32 {
          %get3A_2088 = arith.index_cast %and3A_2055 : i32 to index
          %get3A_2089 = arith.index_cast %while3A_2079 : i32 to index
          %get3A_2090 = arith.constant 0 : index
          %get3A_2091 = tpu.vector_load %arg8[%get3A_2088, %get3A_2089, %get3A_2090] {strides = array<i32>} : memref<2x128x128xf32, #tpu.memory_space<vmem>>, vector<1x1x16xf32>,
          %get3A_2092 = vector.shape_cast %get3A_2091 : vector<1x1x16xf32> to vector<16xf32>
          %max3A_2093 = arith.maximumf %while3A_2080, %get3A_2092 : vector<16xf32>
          %get3A_2094 = arith.index_cast %and3A_2055 : i32 to index
          %get3A_2095 = arith.index_cast %while3A_2079 : i32 to index
          %get3A_2096 = arith.constant 16 : index
          %get3A_2097 = tpu.vector_load %arg8[%get3A_2094, %get3A_2095, %get3A_2096] {strides = array<i32>} : memref<2x128x128xf32, #tpu.memory_space<vmem>>, vector<1x1x16xf32>,
          %get3A_2098 = vector.shape_cast %get3A_2097 : vector<1x1x16xf32> to vector<16xf32>
          %max3A_2099 = arith.maximumf %while3A_2081, %get3A_2098 : vector<16xf32>
          %get3A_2100 = arith.index_cast %and3A_2055 : i32 to index
          %get3A_2101 = arith.index_cast %while3A_2079 : i32 to index
          %get3A_2102 = arith.constant 32 : index
          %get3A_2103 = tpu.vector_load %arg8[%get3A_2100, %get3A_2101, %get3A_2102] {strides = array<i32>} : memref<2x128x128xf32, #tpu.memory_space<vmem>>, vector<1x1x16xf32>,
          %get3A_2104 = vector.shape_cast %get3A_2103 : vector<1x1x16xf32> to vector<16xf32>
          %max3A_2105 = arith.maximumf %while3A_2082, %get3A_2104 : vector<16xf32>
          %get3A_2106 = arith.index_cast %and3A_2055 : i32 to index
          %get3A_2107 = arith.index_cast %while3A_2079 : i32 to index
          %get3A_2108 = arith.constant 48 : index
          %get3A_2109 = tpu.vector_load %arg8[%get3A_2106, %get3A_2107, %get3A_2108] {strides = array<i32>} : memref<2x128x128xf32, #tpu.memory_space<vmem>>, vector<1x1x16xf32>,
          %get3A_2110 = vector.shape_cast %get3A_2109 : vector<1x1x16xf32> to vector<16xf32>
          %max3A_2111 = arith.maximumf %while3A_2083, %get3A_2110 : vector<16xf32>
          %get3A_2112 = arith.index_cast %and3A_2055 : i32 to index
          %get3A_2113 = arith.index_cast %while3A_2079 : i32 to index
          %get3A_2114 = arith.constant 64 : index
          %get3A_2115 = tpu.vector_load %arg8[%get3A_2112, %get3A_2113, %get3A_2114] {strides = array<i32>} : memref<2x128x128xf32, #tpu.memory_space<vmem>>, vector<1x1x16xf32>,
          %get3A_2116 = vector.shape_cast %get3A_2115 : vector<1x1x16xf32> to vector<16xf32>
          %max3A_2117 = arith.maximumf %while3A_2084, %get3A_2116 : vector<16xf32>
          %get3A_2118 = arith.index_cast %and3A_2055 : i32 to index
          %get3A_2119 = arith.index_cast %while3A_2079 : i32 to index
          %get3A_2120 = arith.constant 80 : index
          %get3A_2121 = tpu.vector_load %arg8[%get3A_2118, %get3A_2119, %get3A_2120] {strides = array<i32>} : memref<2x128x128xf32, #tpu.memory_space<vmem>>, vector<1x1x16xf32>,
          %get3A_2122 = vector.shape_cast %get3A_2121 : vector<1x1x16xf32> to vector<16xf32>
          %max3A_2123 = arith.maximumf %while3A_2085, %get3A_2122 : vector<16xf32>
          %get3A_2124 = arith.index_cast %and3A_2055 : i32 to index
          %get3A_2125 = arith.index_cast %while3A_2079 : i32 to index
          %get3A_2126 = arith.constant 96 : index
          %get3A_2127 = tpu.vector_load %arg8[%get3A_2124, %get3A_2125, %get3A_2126] {strides = array<i32>} : memref<2x128x128xf32, #tpu.memory_space<vmem>>, vector<1x1x16xf32>,
          %get3A_2128 = vector.shape_cast %get3A_2127 : vector<1x1x16xf32> to vector<16xf32>
          %max3A_2129 = arith.maximumf %while3A_2086, %get3A_2128 : vector<16xf32>
          %get3A_2130 = arith.index_cast %and3A_2055 : i32 to index
          %get3A_2131 = arith.index_cast %while3A_2079 : i32 to index
          %get3A_2132 = arith.constant 112 : index
          %get3A_2133 = tpu.vector_load %arg8[%get3A_2130, %get3A_2131, %get3A_2132] {strides = array<i32>} : memref<2x128x128xf32, #tpu.memory_space<vmem>>, vector<1x1x16xf32>,
          %get3A_2134 = vector.shape_cast %get3A_2133 : vector<1x1x16xf32> to vector<16xf32>
          %max3A_2135 = arith.maximumf %while3A_2087, %get3A_2134 : vector<16xf32>
          scf.yield %max3A_2093, %max3A_2099, %max3A_2105, %max3A_2111, %max3A_2117, %max3A_2123, %max3A_2129, %max3A_2135 : vector<16xf32>, vector<16xf32>, vector<16xf32>, vector<16xf32>, vector<16xf32>, vector<16xf32>, vector<16xf32>, vector<16xf32>
        }
        %while3A_2077 = arith.constant 1 : i32
        %while3A_2078:8 = scf.for %while3A_2079 = %while3A_2074 to %while3A_2070 step %while3A_2077 iter_args(%while3A_2080 = %while3A_2076#0, %while3A_2081 = %while3A_2076#1, %while3A_2082 = %while3A_2076#2, %while3A_2083 = %while3A_2076#3, %while3A_2084 = %while3A_2076#4, %while3A_2085 = %while3A_2076#5, %while3A_2086 = %while3A_2076#6, %while3A_2087 = %while3A_2076#7) -> (vector<16xf32>, vector<16xf32>, vector<16xf32>, vector<16xf32>, vector<16xf32>, vector<16xf32>, vector<16xf32>, vector<16xf32>)  : i32 {
          %get3A_2088 = arith.index_cast %and3A_2055 : i32 to index
          %get3A_2089 = arith.index_cast %while3A_2079 : i32 to index
          %get3A_2090 = arith.constant 0 : index
          %get3A_2091 = tpu.vector_load %arg8[%get3A_2088, %get3A_2089, %get3A_2090] {strides = array<i32>} : memref<2x128x128xf32, #tpu.memory_space<vmem>>, vector<1x1x16xf32>,
          %get3A_2092 = vector.shape_cast %get3A_2091 : vector<1x1x16xf32> to vector<16xf32>
          %max3A_2093 = arith.maximumf %while3A_2080, %get3A_2092 : vector<16xf32>
          %get3A_2094 = arith.index_cast %and3A_2055 : i32 to index
          %get3A_2095 = arith.index_cast %while3A_2079 : i32 to index
          %get3A_2096 = arith.constant 16 : index
          %get3A_2097 = tpu.vector_load %arg8[%get3A_2094, %get3A_2095, %get3A_2096] {strides = array<i32>} : memref<2x128x128xf32, #tpu.memory_space<vmem>>, vector<1x1x16xf32>,
          %get3A_2098 = vector.shape_cast %get3A_2097 : vector<1x1x16xf32> to vector<16xf32>
          %max3A_2099 = arith.maximumf %while3A_2081, %get3A_2098 : vector<16xf32>
          %get3A_2100 = arith.index_cast %and3A_2055 : i32 to index
          %get3A_2101 = arith.index_cast %while3A_2079 : i32 to index
          %get3A_2102 = arith.constant 32 : index
          %get3A_2103 = tpu.vector_load %arg8[%get3A_2100, %get3A_2101, %get3A_2102] {strides = array<i32>} : memref<2x128x128xf32, #tpu.memory_space<vmem>>, vector<1x1x16xf32>,
          %get3A_2104 = vector.shape_cast %get3A_2103 : vector<1x1x16xf32> to vector<16xf32>
          %max3A_2105 = arith.maximumf %while3A_2082, %get3A_2104 : vector<16xf32>
          %get3A_2106 = arith.index_cast %and3A_2055 : i32 to index
          %get3A_2107 = arith.index_cast %while3A_2079 : i32 to index
          %get3A_2108 = arith.constant 48 : index
          %get3A_2109 = tpu.vector_load %arg8[%get3A_2106, %get3A_2107, %get3A_2108] {strides = array<i32>} : memref<2x128x128xf32, #tpu.memory_space<vmem>>, vector<1x1x16xf32>,
          %get3A_2110 = vector.shape_cast %get3A_2109 : vector<1x1x16xf32> to vector<16xf32>
          %max3A_2111 = arith.maximumf %while3A_2083, %get3A_2110 : vector<16xf32>
          %get3A_2112 = arith.index_cast %and3A_2055 : i32 to index
          %get3A_2113 = arith.index_cast %while3A_2079 : i32 to index
          %get3A_2114 = arith.constant 64 : index
          %get3A_2115 = tpu.vector_load %arg8[%get3A_2112, %get3A_2113, %get3A_2114] {strides = array<i32>} : memref<2x128x128xf32, #tpu.memory_space<vmem>>, vector<1x1x16xf32>,
          %get3A_2116 = vector.shape_cast %get3A_2115 : vector<1x1x16xf32> to vector<16xf32>
          %max3A_2117 = arith.maximumf %while3A_2084, %get3A_2116 : vector<16xf32>
          %get3A_2118 = arith.index_cast %and3A_2055 : i32 to index
          %get3A_2119 = arith.index_cast %while3A_2079 : i32 to index
          %get3A_2120 = arith.constant 80 : index
          %get3A_2121 = tpu.vector_load %arg8[%get3A_2118, %get3A_2119, %get3A_2120] {strides = array<i32>} : memref<2x128x128xf32, #tpu.memory_space<vmem>>, vector<1x1x16xf32>,
          %get3A_2122 = vector.shape_cast %get3A_2121 : vector<1x1x16xf32> to vector<16xf32>
          %max3A_2123 = arith.maximumf %while3A_2085, %get3A_2122 : vector<16xf32>
          %get3A_2124 = arith.index_cast %and3A_2055 : i32 to index
          %get3A_2125 = arith.index_cast %while3A_2079 : i32 to index
          %get3A_2126 = arith.constant 96 : index
          %get3A_2127 = tpu.vector_load %arg8[%get3A_2124, %get3A_2125, %get3A_2126] {strides = array<i32>} : memref<2x128x128xf32, #tpu.memory_space<vmem>>, vector<1x1x16xf32>,
          %get3A_2128 = vector.shape_cast %get3A_2127 : vector<1x1x16xf32> to vector<16xf32>
          %max3A_2129 = arith.maximumf %while3A_2086, %get3A_2128 : vector<16xf32>
          %get3A_2130 = arith.index_cast %and3A_2055 : i32 to index
          %get3A_2131 = arith.index_cast %while3A_2079 : i32 to index
          %get3A_2132 = arith.constant 112 : index
          %get3A_2133 = tpu.vector_load %arg8[%get3A_2130, %get3A_2131, %get3A_2132] {strides = array<i32>} : memref<2x128x128xf32, #tpu.memory_space<vmem>>, vector<1x1x16xf32>,
          %get3A_2134 = vector.shape_cast %get3A_2133 : vector<1x1x16xf32> to vector<16xf32>
          %max3A_2135 = arith.maximumf %while3A_2087, %get3A_2134 : vector<16xf32>
          scf.yield %max3A_2093, %max3A_2099, %max3A_2105, %max3A_2111, %max3A_2117, %max3A_2123, %max3A_2129, %max3A_2135 : vector<16xf32>, vector<16xf32>, vector<16xf32>, vector<16xf32>, vector<16xf32>, vector<16xf32>, vector<16xf32>, vector<16xf32>
        }
        scf.yield %while3A_2044, %while3A_2078#0, %while3A_2078#1, %while3A_2078#2, %while3A_2078#3, %while3A_2078#4, %while3A_2078#5, %while3A_2078#6, %while3A_2078#7 : i32, vector<16xf32>, vector<16xf32>, vector<16xf32>, vector<16xf32>, vector<16xf32>, vector<16xf32>, vector<16xf32>, vector<16xf32>
      }
      %while3A_1935 = arith.constant 1 : i32
      %while3A_1936:9 = scf.for %while3A_2044 = %while3A_1932 to %while3A_1928 step %while3A_1935 iter_args(%while3A_2045 = %while3A_1934#0, %while3A_2046 = %while3A_1934#1, %while3A_2047 = %while3A_1934#2, %while3A_2048 = %while3A_1934#3, %while3A_2049 = %while3A_1934#4, %while3A_2050 = %while3A_1934#5, %while3A_2051 = %while3A_1934#6, %while3A_2052 = %while3A_1934#7, %while3A_2053 = %while3A_1934#8) -> (i32, vector<16xf32>, vector<16xf32>, vector<16xf32>, vector<16xf32>, vector<16xf32>, vector<16xf32>, vector<16xf32>, vector<16xf32>)  : i32 {
        %and3A_2054 = arith.constant 1 : i32
        %and3A_2055 = arith.andi %while3A_2044, %and3A_2054 : i32
        %sub3A_2056 = arith.constant 1 : i32
        %sub3A_2057 = arith.subi %sub3A_2056, %and3A_2055 : i32
        %ne3A_2058 = arith.cmpi ne, %while3A_2044, %while3A_2045 : i32
        %convert_element_type3A_2059 = arith.extui %ne3A_2058 : i1 to i32
        %cond3A_2060 = arith.constant 0 : i32
        %cond3A_2061 = arith.cmpi ne, %convert_element_type3A_2059, %cond3A_2060 : i32
        scf.if %cond3A_2061 {
          %dma_wait3A_2079 = arith.constant 0 : i32
          %dma_wait3A_2080 = arith.constant 0 : i32
          %dma_wait3A_2081 = tpu.memref_slice %arg8[%and3A_2055, %dma_wait3A_2079, %dma_wait3A_2080] : memref<2x128x128xf32, #tpu.memory_space<vmem>> -> memref<1x128x128xf32, #tpu.memory_space<vmem>>
          %dma_wait3A_2082 = tpu.memref_squeeze %dma_wait3A_2081 : memref<1x128x128xf32, #tpu.memory_space<vmem>> -> memref<128x128xf32, #tpu.memory_space<vmem>>
          %dma_wait3A_2083 = arith.constant 0 : i32
          %dma_wait3A_2084 = tpu.memref_slice %arg7[%and3A_2055, %dma_wait3A_2083] : memref<2x128xi32, #tpu.memory_space<vmem>> -> memref<1x128xi32, #tpu.memory_space<vmem>>
          %dma_wait3A_2085 = tpu.memref_squeeze %dma_wait3A_2084 : memref<1x128xi32, #tpu.memory_space<vmem>> -> memref<128xi32, #tpu.memory_space<vmem>>
          %dma_wait3A_2086 = arith.constant 0 : i32
          %dma_wait3A_2087 = arith.constant 0 : i32
          %dma_wait3A_2088 = tpu.memref_slice %arg11[%dma_wait3A_2086, %dma_wait3A_2087] : memref<10240x128xf32, #tpu.memory_space<vmem_shared>> -> memref<10240x128xf32, #tpu.memory_space<vmem_shared>>
          tpu.wait_indirect_dma semaphore(%arg12 : memref<!tpu.dma_semaphore, #tpu.memory_space<semaphore_mem>>) src(%dma_wait3A_2088 : memref<10240x128xf32, #tpu.memory_space<vmem_shared>>) dst(%dma_wait3A_2082 : memref<128x128xf32, #tpu.memory_space<vmem>>)
          %dma_wait3A_2089 = arith.constant 0 : i32
          %dma_wait3A_2090 = tpu.memref_slice %arg7[%sub3A_2057, %dma_wait3A_2089] : memref<2x128xi32, #tpu.memory_space<vmem>> -> memref<1x128xi32, #tpu.memory_space<vmem>>
          %dma_wait3A_2091 = tpu.memref_squeeze %dma_wait3A_2090 : memref<1x128xi32, #tpu.memory_space<vmem>> -> memref<128xi32, #tpu.memory_space<vmem>>
          %dma_wait3A_2092 = tpu.memref_slice %arg4[%mul3A_1769] : memref<320512xi32, #tpu.memory_space<hbm>> -> memref<128xi32, #tpu.memory_space<hbm>>
          %dma_wait3A_2093 = arith.constant 0 : i32
          %dma_wait3A_2094 = tpu.memref_slice %arg7[%sub3A_2057, %dma_wait3A_2093] : memref<2x128xi32, #tpu.memory_space<vmem>> -> memref<1x128xi32, #tpu.memory_space<vmem>>
          %dma_wait3A_2095 = tpu.memref_squeeze %dma_wait3A_2094 : memref<1x128xi32, #tpu.memory_space<vmem>> -> memref<128xi32, #tpu.memory_space<vmem>>
          %dma_wait3A_2096 = tpu.memref_slice %arg4[%mul3A_1769] : memref<320512xi32, #tpu.memory_space<hbm>> -> memref<128xi32, #tpu.memory_space<hbm>>
          tpu.wait_dma2 semaphore(%arg13 : memref<!tpu.dma_semaphore, #tpu.memory_space<semaphore_mem>>) src(%dma_wait3A_2096 : memref<128xi32, #tpu.memory_space<hbm>>) dst(%dma_wait3A_2095 : memref<128xi32, #tpu.memory_space<vmem>>)
          %dma_start3A_2097 = arith.constant 0 : i32
          %dma_start3A_2098 = arith.constant 0 : i32
          %dma_start3A_2099 = tpu.memref_slice %arg8[%sub3A_2057, %dma_start3A_2097, %dma_start3A_2098] : memref<2x128x128xf32, #tpu.memory_space<vmem>> -> memref<1x128x128xf32, #tpu.memory_space<vmem>>
          %dma_start3A_2100 = tpu.memref_squeeze %dma_start3A_2099 : memref<1x128x128xf32, #tpu.memory_space<vmem>> -> memref<128x128xf32, #tpu.memory_space<vmem>>
          %dma_start3A_2101 = arith.constant 0 : i32
          %dma_start3A_2102 = tpu.memref_slice %arg7[%sub3A_2057, %dma_start3A_2101] : memref<2x128xi32, #tpu.memory_space<vmem>> -> memref<1x128xi32, #tpu.memory_space<vmem>>
          %dma_start3A_2103 = tpu.memref_squeeze %dma_start3A_2102 : memref<1x128xi32, #tpu.memory_space<vmem>> -> memref<128xi32, #tpu.memory_space<vmem>>
          %dma_start3A_2104 = arith.constant 0 : i32
          %dma_start3A_2105 = arith.constant 0 : i32
          %dma_start3A_2106 = tpu.memref_slice %arg11[%dma_start3A_2104, %dma_start3A_2105] : memref<10240x128xf32, #tpu.memory_space<vmem_shared>> -> memref<10240x128xf32, #tpu.memory_space<vmem_shared>>
          tpu.enqueue_indirect_dma source(%dma_start3A_2106 : memref<10240x128xf32, #tpu.memory_space<vmem_shared>>) target(%dma_start3A_2100 : memref<128x128xf32, #tpu.memory_space<vmem>>) offsets(%dma_start3A_2103 : memref<128xi32, #tpu.memory_space<vmem>>) semaphore(%arg12 : memref<!tpu.dma_semaphore, #tpu.memory_space<semaphore_mem>>)
          %add3A_2107 = arith.constant 2 : i32
          %add3A_2108 = arith.addi %while3A_2044, %add3A_2107 : i32
          %mul3A_2109 = arith.constant 128 : i32
          %mul3A_2110 = arith.muli %add3A_2108, %mul3A_2109 : i32
          %add3A_2111 = arith.addi %mul3A_1769, %mul3A_2110 : i32
          %dma_start3A_2112 = arith.constant 0 : i32
          %dma_start3A_2113 = tpu.memref_slice %arg7[%and3A_2055, %dma_start3A_2112] : memref<2x128xi32, #tpu.memory_space<vmem>> -> memref<1x128xi32, #tpu.memory_space<vmem>>
          %dma_start3A_2114 = tpu.memref_squeeze %dma_start3A_2113 : memref<1x128xi32, #tpu.memory_space<vmem>> -> memref<128xi32, #tpu.memory_space<vmem>>
          %dma_start3A_2115 = tpu.memref_slice %arg4[%add3A_2111] : memref<320512xi32, #tpu.memory_space<hbm>> -> memref<128xi32, #tpu.memory_space<hbm>>
          %dma_start3A_2116 = arith.constant 0 : i32
          %dma_start3A_2117 = tpu.memref_slice %arg7[%and3A_2055, %dma_start3A_2116] : memref<2x128xi32, #tpu.memory_space<vmem>> -> memref<1x128xi32, #tpu.memory_space<vmem>>
          %dma_start3A_2118 = tpu.memref_squeeze %dma_start3A_2117 : memref<1x128xi32, #tpu.memory_space<vmem>> -> memref<128xi32, #tpu.memory_space<vmem>>
          %dma_start3A_2119 = tpu.memref_slice %arg4[%add3A_2111] : memref<320512xi32, #tpu.memory_space<hbm>> -> memref<128xi32, #tpu.memory_space<hbm>>
          tpu.enqueue_dma source(%dma_start3A_2119 : memref<128xi32, #tpu.memory_space<hbm>>) target(%dma_start3A_2118 : memref<128xi32, #tpu.memory_space<vmem>>) target_semaphore(%arg13 : memref<!tpu.dma_semaphore, #tpu.memory_space<semaphore_mem>>)
        } else {
        }
        %mul3A_2062 = arith.constant 128 : i32
        %mul3A_2063 = arith.muli %while3A_2044, %mul3A_2062 : i32
        %add3A_2064 = arith.addi %mul3A_1769, %mul3A_2063 : i32
        %sub3A_2065 = arith.subi %get3A_1870, %add3A_2064 : i32
        %max3A = arith.constant 0 : i32
        %max3A_2066 = arith.maxsi %sub3A_2065, %max3A : i32
        %sub3A_2067 = arith.subi %get3A_1874, %add3A_2064 : i32
        %min3A = arith.constant 128 : i32
        %min3A_2068 = arith.minsi %sub3A_2067, %min3A : i32
        %while3A_2069 = arith.subi %min3A_2068, %max3A_2066 : i32
        %while3A_2070 = arith.addi %max3A_2066, %while3A_2069 : i32
        %while3A_2071 = arith.constant 1 : i32
        %while3A_2072 = arith.divsi %while3A_2069, %while3A_2071 : i32
        %while3A_2073 = arith.muli %while3A_2072, %while3A_2071 : i32
        %while3A_2074 = arith.addi %max3A_2066, %while3A_2073 : i32
        %while3A_2075 = arith.constant 1 : i32
        %while3A_2076:8 = scf.for %while3A_2079 = %max3A_2066 to %while3A_2074 step %while3A_2075 iter_args(%while3A_2080 = %while3A_2046, %while3A_2081 = %while3A_2047, %while3A_2082 = %while3A_2048, %while3A_2083 = %while3A_2049, %while3A_2084 = %while3A_2050, %while3A_2085 = %while3A_2051, %while3A_2086 = %while3A_2052, %while3A_2087 = %while3A_2053) -> (vector<16xf32>, vector<16xf32>, vector<16xf32>, vector<16xf32>, vector<16xf32>, vector<16xf32>, vector<16xf32>, vector<16xf32>)  : i32 {
          %get3A_2088 = arith.index_cast %and3A_2055 : i32 to index
          %get3A_2089 = arith.index_cast %while3A_2079 : i32 to index
          %get3A_2090 = arith.constant 0 : index
          %get3A_2091 = tpu.vector_load %arg8[%get3A_2088, %get3A_2089, %get3A_2090] {strides = array<i32>} : memref<2x128x128xf32, #tpu.memory_space<vmem>>, vector<1x1x16xf32>,
          %get3A_2092 = vector.shape_cast %get3A_2091 : vector<1x1x16xf32> to vector<16xf32>
          %max3A_2093 = arith.maximumf %while3A_2080, %get3A_2092 : vector<16xf32>
          %get3A_2094 = arith.index_cast %and3A_2055 : i32 to index
          %get3A_2095 = arith.index_cast %while3A_2079 : i32 to index
          %get3A_2096 = arith.constant 16 : index
          %get3A_2097 = tpu.vector_load %arg8[%get3A_2094, %get3A_2095, %get3A_2096] {strides = array<i32>} : memref<2x128x128xf32, #tpu.memory_space<vmem>>, vector<1x1x16xf32>,
          %get3A_2098 = vector.shape_cast %get3A_2097 : vector<1x1x16xf32> to vector<16xf32>
          %max3A_2099 = arith.maximumf %while3A_2081, %get3A_2098 : vector<16xf32>
          %get3A_2100 = arith.index_cast %and3A_2055 : i32 to index
          %get3A_2101 = arith.index_cast %while3A_2079 : i32 to index
          %get3A_2102 = arith.constant 32 : index
          %get3A_2103 = tpu.vector_load %arg8[%get3A_2100, %get3A_2101, %get3A_2102] {strides = array<i32>} : memref<2x128x128xf32, #tpu.memory_space<vmem>>, vector<1x1x16xf32>,
          %get3A_2104 = vector.shape_cast %get3A_2103 : vector<1x1x16xf32> to vector<16xf32>
          %max3A_2105 = arith.maximumf %while3A_2082, %get3A_2104 : vector<16xf32>
          %get3A_2106 = arith.index_cast %and3A_2055 : i32 to index
          %get3A_2107 = arith.index_cast %while3A_2079 : i32 to index
          %get3A_2108 = arith.constant 48 : index
          %get3A_2109 = tpu.vector_load %arg8[%get3A_2106, %get3A_2107, %get3A_2108] {strides = array<i32>} : memref<2x128x128xf32, #tpu.memory_space<vmem>>, vector<1x1x16xf32>,
          %get3A_2110 = vector.shape_cast %get3A_2109 : vector<1x1x16xf32> to vector<16xf32>
          %max3A_2111 = arith.maximumf %while3A_2083, %get3A_2110 : vector<16xf32>
          %get3A_2112 = arith.index_cast %and3A_2055 : i32 to index
          %get3A_2113 = arith.index_cast %while3A_2079 : i32 to index
          %get3A_2114 = arith.constant 64 : index
          %get3A_2115 = tpu.vector_load %arg8[%get3A_2112, %get3A_2113, %get3A_2114] {strides = array<i32>} : memref<2x128x128xf32, #tpu.memory_space<vmem>>, vector<1x1x16xf32>,
          %get3A_2116 = vector.shape_cast %get3A_2115 : vector<1x1x16xf32> to vector<16xf32>
          %max3A_2117 = arith.maximumf %while3A_2084, %get3A_2116 : vector<16xf32>
          %get3A_2118 = arith.index_cast %and3A_2055 : i32 to index
          %get3A_2119 = arith.index_cast %while3A_2079 : i32 to index
          %get3A_2120 = arith.constant 80 : index
          %get3A_2121 = tpu.vector_load %arg8[%get3A_2118, %get3A_2119, %get3A_2120] {strides = array<i32>} : memref<2x128x128xf32, #tpu.memory_space<vmem>>, vector<1x1x16xf32>,
          %get3A_2122 = vector.shape_cast %get3A_2121 : vector<1x1x16xf32> to vector<16xf32>
          %max3A_2123 = arith.maximumf %while3A_2085, %get3A_2122 : vector<16xf32>
          %get3A_2124 = arith.index_cast %and3A_2055 : i32 to index
          %get3A_2125 = arith.index_cast %while3A_2079 : i32 to index
          %get3A_2126 = arith.constant 96 : index
          %get3A_2127 = tpu.vector_load %arg8[%get3A_2124, %get3A_2125, %get3A_2126] {strides = array<i32>} : memref<2x128x128xf32, #tpu.memory_space<vmem>>, vector<1x1x16xf32>,
          %get3A_2128 = vector.shape_cast %get3A_2127 : vector<1x1x16xf32> to vector<16xf32>
          %max3A_2129 = arith.maximumf %while3A_2086, %get3A_2128 : vector<16xf32>
          %get3A_2130 = arith.index_cast %and3A_2055 : i32 to index
          %get3A_2131 = arith.index_cast %while3A_2079 : i32 to index
          %get3A_2132 = arith.constant 112 : index
          %get3A_2133 = tpu.vector_load %arg8[%get3A_2130, %get3A_2131, %get3A_2132] {strides = array<i32>} : memref<2x128x128xf32, #tpu.memory_space<vmem>>, vector<1x1x16xf32>,
          %get3A_2134 = vector.shape_cast %get3A_2133 : vector<1x1x16xf32> to vector<16xf32>
          %max3A_2135 = arith.maximumf %while3A_2087, %get3A_2134 : vector<16xf32>
          scf.yield %max3A_2093, %max3A_2099, %max3A_2105, %max3A_2111, %max3A_2117, %max3A_2123, %max3A_2129, %max3A_2135 : vector<16xf32>, vector<16xf32>, vector<16xf32>, vector<16xf32>, vector<16xf32>, vector<16xf32>, vector<16xf32>, vector<16xf32>
        }
        %while3A_2077 = arith.constant 1 : i32
        %while3A_2078:8 = scf.for %while3A_2079 = %while3A_2074 to %while3A_2070 step %while3A_2077 iter_args(%while3A_2080 = %while3A_2076#0, %while3A_2081 = %while3A_2076#1, %while3A_2082 = %while3A_2076#2, %while3A_2083 = %while3A_2076#3, %while3A_2084 = %while3A_2076#4, %while3A_2085 = %while3A_2076#5, %while3A_2086 = %while3A_2076#6, %while3A_2087 = %while3A_2076#7) -> (vector<16xf32>, vector<16xf32>, vector<16xf32>, vector<16xf32>, vector<16xf32>, vector<16xf32>, vector<16xf32>, vector<16xf32>)  : i32 {
          %get3A_2088 = arith.index_cast %and3A_2055 : i32 to index
          %get3A_2089 = arith.index_cast %while3A_2079 : i32 to index
          %get3A_2090 = arith.constant 0 : index
          %get3A_2091 = tpu.vector_load %arg8[%get3A_2088, %get3A_2089, %get3A_2090] {strides = array<i32>} : memref<2x128x128xf32, #tpu.memory_space<vmem>>, vector<1x1x16xf32>,
          %get3A_2092 = vector.shape_cast %get3A_2091 : vector<1x1x16xf32> to vector<16xf32>
          %max3A_2093 = arith.maximumf %while3A_2080, %get3A_2092 : vector<16xf32>
          %get3A_2094 = arith.index_cast %and3A_2055 : i32 to index
          %get3A_2095 = arith.index_cast %while3A_2079 : i32 to index
          %get3A_2096 = arith.constant 16 : index
          %get3A_2097 = tpu.vector_load %arg8[%get3A_2094, %get3A_2095, %get3A_2096] {strides = array<i32>} : memref<2x128x128xf32, #tpu.memory_space<vmem>>, vector<1x1x16xf32>,
          %get3A_2098 = vector.shape_cast %get3A_2097 : vector<1x1x16xf32> to vector<16xf32>
          %max3A_2099 = arith.maximumf %while3A_2081, %get3A_2098 : vector<16xf32>
          %get3A_2100 = arith.index_cast %and3A_2055 : i32 to index
          %get3A_2101 = arith.index_cast %while3A_2079 : i32 to index
          %get3A_2102 = arith.constant 32 : index
          %get3A_2103 = tpu.vector_load %arg8[%get3A_2100, %get3A_2101, %get3A_2102] {strides = array<i32>} : memref<2x128x128xf32, #tpu.memory_space<vmem>>, vector<1x1x16xf32>,
          %get3A_2104 = vector.shape_cast %get3A_2103 : vector<1x1x16xf32> to vector<16xf32>
          %max3A_2105 = arith.maximumf %while3A_2082, %get3A_2104 : vector<16xf32>
          %get3A_2106 = arith.index_cast %and3A_2055 : i32 to index
          %get3A_2107 = arith.index_cast %while3A_2079 : i32 to index
          %get3A_2108 = arith.constant 48 : index
          %get3A_2109 = tpu.vector_load %arg8[%get3A_2106, %get3A_2107, %get3A_2108] {strides = array<i32>} : memref<2x128x128xf32, #tpu.memory_space<vmem>>, vector<1x1x16xf32>,
          %get3A_2110 = vector.shape_cast %get3A_2109 : vector<1x1x16xf32> to vector<16xf32>
          %max3A_2111 = arith.maximumf %while3A_2083, %get3A_2110 : vector<16xf32>
          %get3A_2112 = arith.index_cast %and3A_2055 : i32 to index
          %get3A_2113 = arith.index_cast %while3A_2079 : i32 to index
          %get3A_2114 = arith.constant 64 : index
          %get3A_2115 = tpu.vector_load %arg8[%get3A_2112, %get3A_2113, %get3A_2114] {strides = array<i32>} : memref<2x128x128xf32, #tpu.memory_space<vmem>>, vector<1x1x16xf32>,
          %get3A_2116 = vector.shape_cast %get3A_2115 : vector<1x1x16xf32> to vector<16xf32>
          %max3A_2117 = arith.maximumf %while3A_2084, %get3A_2116 : vector<16xf32>
          %get3A_2118 = arith.index_cast %and3A_2055 : i32 to index
          %get3A_2119 = arith.index_cast %while3A_2079 : i32 to index
          %get3A_2120 = arith.constant 80 : index
          %get3A_2121 = tpu.vector_load %arg8[%get3A_2118, %get3A_2119, %get3A_2120] {strides = array<i32>} : memref<2x128x128xf32, #tpu.memory_space<vmem>>, vector<1x1x16xf32>,
          %get3A_2122 = vector.shape_cast %get3A_2121 : vector<1x1x16xf32> to vector<16xf32>
          %max3A_2123 = arith.maximumf %while3A_2085, %get3A_2122 : vector<16xf32>
          %get3A_2124 = arith.index_cast %and3A_2055 : i32 to index
          %get3A_2125 = arith.index_cast %while3A_2079 : i32 to index
          %get3A_2126 = arith.constant 96 : index
          %get3A_2127 = tpu.vector_load %arg8[%get3A_2124, %get3A_2125, %get3A_2126] {strides = array<i32>} : memref<2x128x128xf32, #tpu.memory_space<vmem>>, vector<1x1x16xf32>,
          %get3A_2128 = vector.shape_cast %get3A_2127 : vector<1x1x16xf32> to vector<16xf32>
          %max3A_2129 = arith.maximumf %while3A_2086, %get3A_2128 : vector<16xf32>
          %get3A_2130 = arith.index_cast %and3A_2055 : i32 to index
          %get3A_2131 = arith.index_cast %while3A_2079 : i32 to index
          %get3A_2132 = arith.constant 112 : index
          %get3A_2133 = tpu.vector_load %arg8[%get3A_2130, %get3A_2131, %get3A_2132] {strides = array<i32>} : memref<2x128x128xf32, #tpu.memory_space<vmem>>, vector<1x1x16xf32>,
          %get3A_2134 = vector.shape_cast %get3A_2133 : vector<1x1x16xf32> to vector<16xf32>
          %max3A_2135 = arith.maximumf %while3A_2087, %get3A_2134 : vector<16xf32>
          scf.yield %max3A_2093, %max3A_2099, %max3A_2105, %max3A_2111, %max3A_2117, %max3A_2123, %max3A_2129, %max3A_2135 : vector<16xf32>, vector<16xf32>, vector<16xf32>, vector<16xf32>, vector<16xf32>, vector<16xf32>, vector<16xf32>, vector<16xf32>
        }
        scf.yield %while3A_2044, %while3A_2078#0, %while3A_2078#1, %while3A_2078#2, %while3A_2078#3, %while3A_2078#4, %while3A_2078#5, %while3A_2078#6, %while3A_2078#7 : i32, vector<16xf32>, vector<16xf32>, vector<16xf32>, vector<16xf32>, vector<16xf32>, vector<16xf32>, vector<16xf32>, vector<16xf32>
      }
      %jit3A_1937 = arith.constant 8 : i32
      %div3A_1938 = arith.divsi %scan3A_1867, %jit3A_1937 : i32
      %sign3A_1939 = arith.constant 0 : i32
      %sign3A_1940 = arith.cmpi sgt, %scan3A_1867, %sign3A_1939 : i32
      %sign3A_1941 = arith.extui %sign3A_1940 : i1 to i32
      %sign3A_1942 = arith.constant 0 : i32
      %sign3A_1943 = arith.cmpi slt, %scan3A_1867, %sign3A_1942 : i32
      %sign3A_1944 = arith.extui %sign3A_1943 : i1 to i32
      %sign3A_1945 = arith.subi %sign3A_1941, %sign3A_1944 : i32
      %sign3A_1946 = arith.constant 0 : i32
      %sign3A_1947 = arith.cmpi sgt, %jit3A_1937, %sign3A_1946 : i32
      %sign3A_1948 = arith.extui %sign3A_1947 : i1 to i32
      %sign3A_1949 = arith.constant 0 : i32
      %sign3A_1950 = arith.cmpi slt, %jit3A_1937, %sign3A_1949 : i32
      %sign3A_1951 = arith.extui %sign3A_1950 : i1 to i32
      %sign3A_1952 = arith.subi %sign3A_1948, %sign3A_1951 : i32
      %ne3A_1953 = arith.cmpi ne, %sign3A_1945, %sign3A_1952 : i32
      %rem3A_1954 = arith.remsi %scan3A_1867, %jit3A_1937 : i32
      %ne3A_1955 = arith.constant 0 : i32
      %ne3A_1956 = arith.cmpi ne, %rem3A_1954, %ne3A_1955 : i32
      %and3A_1957 = arith.andi %ne3A_1953, %ne3A_1956 : i1
      %sub3A_1958 = arith.constant 1 : i32
      %sub3A_1959 = arith.subi %div3A_1938, %sub3A_1958 : i32
      %select_n3A_1960 = arith.select %and3A_1957, %sub3A_1959, %div3A_1938 : i32
      %and3A_1961 = arith.constant 1 : i32
      %and3A_1962 = arith.andi %select_n3A_1960, %and3A_1961 : i32
      %jit3A_1963 = arith.constant 8 : i32
      %eq3A = arith.constant 0 : i32
      %eq3A_1964 = arith.cmpi eq, %jit3A_1963, %eq3A : i32
      %jit3A_1965 = arith.constant 1 : i32
      %select_n3A_1966 = arith.select %eq3A_1964, %jit3A_1965, %jit3A_1963 : i32
      %rem3A_1967 = arith.remsi %scan3A_1867, %select_n3A_1966 : i32
      %ne3A_1968 = arith.constant 0 : i32
      %ne3A_1969 = arith.cmpi ne, %rem3A_1967, %ne3A_1968 : i32
      %lt3A = arith.constant 0 : i32
      %lt3A_1970 = arith.cmpi slt, %rem3A_1967, %lt3A : i32
      %lt3A_1971 = arith.constant 0 : i32
      %lt3A_1972 = arith.cmpi slt, %select_n3A_1966, %lt3A_1971 : i32
      %ne3A_1973 = arith.xori %lt3A_1970, %lt3A_1972 : i1
      %and3A_1974 = arith.andi %ne3A_1973, %ne3A_1969 : i1
      %add3A_1975 = arith.addi %rem3A_1967, %select_n3A_1966 : i32
      %select_n3A_1976 = arith.select %and3A_1974, %add3A_1975, %rem3A_1967 : i32
      %gt3A_1977 = arith.cmpf ogt, %while3A_1936#1, %broadcast_in_dim3A_0 : vector<16xf32>
      %select_n3A_1978 = arith.select %gt3A_1977, %while3A_1936#1, %broadcast_in_dim3A_2 : vector<16xi1>, vector<16xf32>
      %swap3A_1979 = arith.index_cast %and3A_1962 : i32 to index
      %swap3A_1980 = arith.index_cast %select_n3A_1976 : i32 to index
      %swap3A_1981 = arith.constant 0 : index
      %swap3A_1982 = tpu.vector_load %arg9[%swap3A_1979, %swap3A_1980, %swap3A_1981] {strides = array<i32>} : memref<2x8x128xf32, #tpu.memory_space<vmem>>, vector<1x1x16xf32>,
      %swap3A_1983 = vector.shape_cast %swap3A_1982 : vector<1x1x16xf32> to vector<16xf32>
      %swap3A_1984 = vector.shape_cast %select_n3A_1978 : vector<16xf32> to vector<1x1x16xf32>
      tpu.vector_store %arg9[%swap3A_1979, %swap3A_1980, %swap3A_1981], %swap3A_1984 {strides = array<i32>} : memref<2x8x128xf32, #tpu.memory_space<vmem>>, vector<1x1x16xf32>,
      %gt3A_1985 = arith.cmpf ogt, %while3A_1936#2, %broadcast_in_dim3A_0 : vector<16xf32>
      %select_n3A_1986 = arith.select %gt3A_1985, %while3A_1936#2, %broadcast_in_dim3A_2 : vector<16xi1>, vector<16xf32>
      %swap3A_1987 = arith.index_cast %and3A_1962 : i32 to index
      %swap3A_1988 = arith.index_cast %select_n3A_1976 : i32 to index
      %swap3A_1989 = arith.constant 16 : index
      %swap3A_1990 = tpu.vector_load %arg9[%swap3A_1987, %swap3A_1988, %swap3A_1989] {strides = array<i32>} : memref<2x8x128xf32, #tpu.memory_space<vmem>>, vector<1x1x16xf32>,
      %swap3A_1991 = vector.shape_cast %swap3A_1990 : vector<1x1x16xf32> to vector<16xf32>
      %swap3A_1992 = vector.shape_cast %select_n3A_1986 : vector<16xf32> to vector<1x1x16xf32>
      tpu.vector_store %arg9[%swap3A_1987, %swap3A_1988, %swap3A_1989], %swap3A_1992 {strides = array<i32>} : memref<2x8x128xf32, #tpu.memory_space<vmem>>, vector<1x1x16xf32>,
      %gt3A_1993 = arith.cmpf ogt, %while3A_1936#3, %broadcast_in_dim3A_0 : vector<16xf32>
      %select_n3A_1994 = arith.select %gt3A_1993, %while3A_1936#3, %broadcast_in_dim3A_2 : vector<16xi1>, vector<16xf32>
      %swap3A_1995 = arith.index_cast %and3A_1962 : i32 to index
      %swap3A_1996 = arith.index_cast %select_n3A_1976 : i32 to index
      %swap3A_1997 = arith.constant 32 : index
      %swap3A_1998 = tpu.vector_load %arg9[%swap3A_1995, %swap3A_1996, %swap3A_1997] {strides = array<i32>} : memref<2x8x128xf32, #tpu.memory_space<vmem>>, vector<1x1x16xf32>,
      %swap3A_1999 = vector.shape_cast %swap3A_1998 : vector<1x1x16xf32> to vector<16xf32>
      %swap3A_2000 = vector.shape_cast %select_n3A_1994 : vector<16xf32> to vector<1x1x16xf32>
      tpu.vector_store %arg9[%swap3A_1995, %swap3A_1996, %swap3A_1997], %swap3A_2000 {strides = array<i32>} : memref<2x8x128xf32, #tpu.memory_space<vmem>>, vector<1x1x16xf32>,
      %gt3A_2001 = arith.cmpf ogt, %while3A_1936#4, %broadcast_in_dim3A_0 : vector<16xf32>
      %select_n3A_2002 = arith.select %gt3A_2001, %while3A_1936#4, %broadcast_in_dim3A_2 : vector<16xi1>, vector<16xf32>
      %swap3A_2003 = arith.index_cast %and3A_1962 : i32 to index
      %swap3A_2004 = arith.index_cast %select_n3A_1976 : i32 to index
      %swap3A_2005 = arith.constant 48 : index
      %swap3A_2006 = tpu.vector_load %arg9[%swap3A_2003, %swap3A_2004, %swap3A_2005] {strides = array<i32>} : memref<2x8x128xf32, #tpu.memory_space<vmem>>, vector<1x1x16xf32>,
      %swap3A_2007 = vector.shape_cast %swap3A_2006 : vector<1x1x16xf32> to vector<16xf32>
      %swap3A_2008 = vector.shape_cast %select_n3A_2002 : vector<16xf32> to vector<1x1x16xf32>
      tpu.vector_store %arg9[%swap3A_2003, %swap3A_2004, %swap3A_2005], %swap3A_2008 {strides = array<i32>} : memref<2x8x128xf32, #tpu.memory_space<vmem>>, vector<1x1x16xf32>,
      %gt3A_2009 = arith.cmpf ogt, %while3A_1936#5, %broadcast_in_dim3A_0 : vector<16xf32>
      %select_n3A_2010 = arith.select %gt3A_2009, %while3A_1936#5, %broadcast_in_dim3A_2 : vector<16xi1>, vector<16xf32>
      %swap3A_2011 = arith.index_cast %and3A_1962 : i32 to index
      %swap3A_2012 = arith.index_cast %select_n3A_1976 : i32 to index
      %swap3A_2013 = arith.constant 64 : index
      %swap3A_2014 = tpu.vector_load %arg9[%swap3A_2011, %swap3A_2012, %swap3A_2013] {strides = array<i32>} : memref<2x8x128xf32, #tpu.memory_space<vmem>>, vector<1x1x16xf32>,
      %swap3A_2015 = vector.shape_cast %swap3A_2014 : vector<1x1x16xf32> to vector<16xf32>
      %swap3A_2016 = vector.shape_cast %select_n3A_2010 : vector<16xf32> to vector<1x1x16xf32>
      tpu.vector_store %arg9[%swap3A_2011, %swap3A_2012, %swap3A_2013], %swap3A_2016 {strides = array<i32>} : memref<2x8x128xf32, #tpu.memory_space<vmem>>, vector<1x1x16xf32>,
      %gt3A_2017 = arith.cmpf ogt, %while3A_1936#6, %broadcast_in_dim3A_0 : vector<16xf32>
      %select_n3A_2018 = arith.select %gt3A_2017, %while3A_1936#6, %broadcast_in_dim3A_2 : vector<16xi1>, vector<16xf32>
      %swap3A_2019 = arith.index_cast %and3A_1962 : i32 to index
      %swap3A_2020 = arith.index_cast %select_n3A_1976 : i32 to index
      %swap3A_2021 = arith.constant 80 : index
      %swap3A_2022 = tpu.vector_load %arg9[%swap3A_2019, %swap3A_2020, %swap3A_2021] {strides = array<i32>} : memref<2x8x128xf32, #tpu.memory_space<vmem>>, vector<1x1x16xf32>,
      %swap3A_2023 = vector.shape_cast %swap3A_2022 : vector<1x1x16xf32> to vector<16xf32>
      %swap3A_2024 = vector.shape_cast %select_n3A_2018 : vector<16xf32> to vector<1x1x16xf32>
      tpu.vector_store %arg9[%swap3A_2019, %swap3A_2020, %swap3A_2021], %swap3A_2024 {strides = array<i32>} : memref<2x8x128xf32, #tpu.memory_space<vmem>>, vector<1x1x16xf32>,
      %gt3A_2025 = arith.cmpf ogt, %while3A_1936#7, %broadcast_in_dim3A_0 : vector<16xf32>
      %select_n3A_2026 = arith.select %gt3A_2025, %while3A_1936#7, %broadcast_in_dim3A_2 : vector<16xi1>, vector<16xf32>
      %swap3A_2027 = arith.index_cast %and3A_1962 : i32 to index
      %swap3A_2028 = arith.index_cast %select_n3A_1976 : i32 to index
      %swap3A_2029 = arith.constant 96 : index
      %swap3A_2030 = tpu.vector_load %arg9[%swap3A_2027, %swap3A_2028, %swap3A_2029] {strides = array<i32>} : memref<2x8x128xf32, #tpu.memory_space<vmem>>, vector<1x1x16xf32>,
      %swap3A_2031 = vector.shape_cast %swap3A_2030 : vector<1x1x16xf32> to vector<16xf32>
      %swap3A_2032 = vector.shape_cast %select_n3A_2026 : vector<16xf32> to vector<1x1x16xf32>
      tpu.vector_store %arg9[%swap3A_2027, %swap3A_2028, %swap3A_2029], %swap3A_2032 {strides = array<i32>} : memref<2x8x128xf32, #tpu.memory_space<vmem>>, vector<1x1x16xf32>,
      %gt3A_2033 = arith.cmpf ogt, %while3A_1936#8, %broadcast_in_dim3A_0 : vector<16xf32>
      %select_n3A_2034 = arith.select %gt3A_2033, %while3A_1936#8, %broadcast_in_dim3A_2 : vector<16xi1>, vector<16xf32>
      %swap3A_2035 = arith.index_cast %and3A_1962 : i32 to index
      %swap3A_2036 = arith.index_cast %select_n3A_1976 : i32 to index
      %swap3A_2037 = arith.constant 112 : index
      %swap3A_2038 = tpu.vector_load %arg9[%swap3A_2035, %swap3A_2036, %swap3A_2037] {strides = array<i32>} : memref<2x8x128xf32, #tpu.memory_space<vmem>>, vector<1x1x16xf32>,
      %swap3A_2039 = vector.shape_cast %swap3A_2038 : vector<1x1x16xf32> to vector<16xf32>
      %swap3A_2040 = vector.shape_cast %select_n3A_2034 : vector<16xf32> to vector<1x1x16xf32>
      tpu.vector_store %arg9[%swap3A_2035, %swap3A_2036, %swap3A_2037], %swap3A_2040 {strides = array<i32>} : memref<2x8x128xf32, #tpu.memory_space<vmem>>, vector<1x1x16xf32>,
      %eq3A_2041 = arith.constant 7 : i32
      %eq3A_2042 = arith.cmpi eq, %select_n3A_1976, %eq3A_2041 : i32
      %convert_element_type3A = arith.extui %eq3A_2042 : i1 to i32
      %cond3A = arith.constant 0 : i32
      %cond3A_2043 = arith.cmpi ne, %convert_element_type3A, %cond3A : i32
      scf.if %cond3A_2043 {
        %jit3A_2044 = arith.constant 8 : i32
        %div3A_2045 = arith.divsi %scan3A_1867, %jit3A_2044 : i32
        %sign3A_2046 = arith.constant 0 : i32
        %sign3A_2047 = arith.cmpi sgt, %scan3A_1867, %sign3A_2046 : i32
        %sign3A_2048 = arith.extui %sign3A_2047 : i1 to i32
        %sign3A_2049 = arith.constant 0 : i32
        %sign3A_2050 = arith.cmpi slt, %scan3A_1867, %sign3A_2049 : i32
        %sign3A_2051 = arith.extui %sign3A_2050 : i1 to i32
        %sign3A_2052 = arith.subi %sign3A_2048, %sign3A_2051 : i32
        %sign3A_2053 = arith.constant 0 : i32
        %sign3A_2054 = arith.cmpi sgt, %jit3A_2044, %sign3A_2053 : i32
        %sign3A_2055 = arith.extui %sign3A_2054 : i1 to i32
        %sign3A_2056 = arith.constant 0 : i32
        %sign3A_2057 = arith.cmpi slt, %jit3A_2044, %sign3A_2056 : i32
        %sign3A_2058 = arith.extui %sign3A_2057 : i1 to i32
        %sign3A_2059 = arith.subi %sign3A_2055, %sign3A_2058 : i32
        %ne3A_2060 = arith.cmpi ne, %sign3A_2052, %sign3A_2059 : i32
        %rem3A_2061 = arith.remsi %scan3A_1867, %jit3A_2044 : i32
        %ne3A_2062 = arith.constant 0 : i32
        %ne3A_2063 = arith.cmpi ne, %rem3A_2061, %ne3A_2062 : i32
        %and3A_2064 = arith.andi %ne3A_2060, %ne3A_2063 : i1
        %sub3A_2065 = arith.constant 1 : i32
        %sub3A_2066 = arith.subi %div3A_2045, %sub3A_2065 : i32
        %select_n3A_2067 = arith.select %and3A_2064, %sub3A_2066, %div3A_2045 : i32
        %ge3A = arith.constant 2 : i32
        %ge3A_2068 = arith.cmpi sge, %select_n3A_2067, %ge3A : i32
        %convert_element_type3A_2069 = arith.extui %ge3A_2068 : i1 to i32
        %cond3A_2070 = arith.constant 0 : i32
        %cond3A_2071 = arith.cmpi ne, %convert_element_type3A_2069, %cond3A_2070 : i32
        scf.if %cond3A_2071 {
          %dma_wait3A_2087 = arith.constant 0 : i32
          %dma_wait3A_2088 = arith.constant 0 : i32
          %dma_wait3A_2089 = arith.constant 0 : i32
          %dma_wait3A_2090 = tpu.memref_slice %arg9[%dma_wait3A_2087, %dma_wait3A_2088, %dma_wait3A_2089] : memref<2x8x128xf32, #tpu.memory_space<vmem>> -> memref<1x8x128xf32, #tpu.memory_space<vmem>>
          %dma_wait3A_2091 = tpu.memref_squeeze %dma_wait3A_2090 : memref<1x8x128xf32, #tpu.memory_space<vmem>> -> memref<8x128xf32, #tpu.memory_space<vmem>>
          %dma_wait3A_2092 = arith.constant 0 : i32
          %dma_wait3A_2093 = tpu.memref_slice %arg5[%mul3A_5, %dma_wait3A_2092] : memref<10240x128xf32, #tpu.memory_space<hbm>> -> memref<8x128xf32, #tpu.memory_space<hbm>>
          %dma_wait3A_2094 = arith.constant 0 : i32
          %dma_wait3A_2095 = tpu.memref_slice %arg5[%mul3A_5, %dma_wait3A_2094] : memref<10240x128xf32, #tpu.memory_space<hbm>> -> memref<8x128xf32, #tpu.memory_space<hbm>>
          %dma_wait3A_2096 = arith.constant 0 : i32
          %dma_wait3A_2097 = arith.constant 0 : i32
          %dma_wait3A_2098 = tpu.memref_slice %arg9[%dma_wait3A_2087, %dma_wait3A_2096, %dma_wait3A_2097] : memref<2x8x128xf32, #tpu.memory_space<vmem>> -> memref<1x8x128xf32, #tpu.memory_space<vmem>>
          %dma_wait3A_2099 = tpu.memref_squeeze %dma_wait3A_2098 : memref<1x8x128xf32, #tpu.memory_space<vmem>> -> memref<8x128xf32, #tpu.memory_space<vmem>>
          tpu.wait_dma2 semaphore(%arg14 : memref<!tpu.dma_semaphore, #tpu.memory_space<semaphore_mem>>) src(%dma_wait3A_2099 : memref<8x128xf32, #tpu.memory_space<vmem>>) dst(%dma_wait3A_2095 : memref<8x128xf32, #tpu.memory_space<hbm>>)
        } else {
        }
        %mul3A_2072 = arith.constant 8 : i32
        %mul3A_2073 = arith.muli %select_n3A_2067, %mul3A_2072 : i32
        %add3A_2074 = arith.addi %mul3A_5, %mul3A_2073 : i32
        %dma_start3A_2075 = arith.constant 0 : i32
        %dma_start3A_2076 = arith.constant 0 : i32
        %dma_start3A_2077 = tpu.memref_slice %arg9[%and3A_1962, %dma_start3A_2075, %dma_start3A_2076] : memref<2x8x128xf32, #tpu.memory_space<vmem>> -> memref<1x8x128xf32, #tpu.memory_space<vmem>>
        %dma_start3A_2078 = tpu.memref_squeeze %dma_start3A_2077 : memref<1x8x128xf32, #tpu.memory_space<vmem>> -> memref<8x128xf32, #tpu.memory_space<vmem>>
        %dma_start3A_2079 = arith.constant 0 : i32
        %dma_start3A_2080 = tpu.memref_slice %arg5[%add3A_2074, %dma_start3A_2079] : memref<10240x128xf32, #tpu.memory_space<hbm>> -> memref<8x128xf32, #tpu.memory_space<hbm>>
        %dma_start3A_2081 = arith.constant 0 : i32
        %dma_start3A_2082 = tpu.memref_slice %arg5[%add3A_2074, %dma_start3A_2081] : memref<10240x128xf32, #tpu.memory_space<hbm>> -> memref<8x128xf32, #tpu.memory_space<hbm>>
        %dma_start3A_2083 = arith.constant 0 : i32
        %dma_start3A_2084 = arith.constant 0 : i32
        %dma_start3A_2085 = tpu.memref_slice %arg9[%and3A_1962, %dma_start3A_2083, %dma_start3A_2084] : memref<2x8x128xf32, #tpu.memory_space<vmem>> -> memref<1x8x128xf32, #tpu.memory_space<vmem>>
        %dma_start3A_2086 = tpu.memref_squeeze %dma_start3A_2085 : memref<1x8x128xf32, #tpu.memory_space<vmem>> -> memref<8x128xf32, #tpu.memory_space<vmem>>
        tpu.enqueue_dma source(%dma_start3A_2086 : memref<8x128xf32, #tpu.memory_space<vmem>>) target(%dma_start3A_2082 : memref<8x128xf32, #tpu.memory_space<hbm>>) target_semaphore(%arg14 : memref<!tpu.dma_semaphore, #tpu.memory_space<semaphore_mem>>)
      } else {
      }
      scf.yield %while3A_1936#0 : i32
    }
    %scan3A_1816 = arith.constant 320 : i32
    %add3A_1817 = arith.constant 1 : i32
    %add3A_1818 = arith.addi %scan3A_1815, %add3A_1817 : i32
    %and3A_1819 = arith.constant 1 : i32
    %and3A_1820 = arith.andi %add3A_1818, %and3A_1819 : i32
    %dma_wait3A_1821 = arith.constant 0 : i32
    %dma_wait3A_1822 = arith.constant 0 : i32
    %dma_wait3A_1823 = tpu.memref_slice %arg8[%and3A_1820, %dma_wait3A_1821, %dma_wait3A_1822] : memref<2x128x128xf32, #tpu.memory_space<vmem>> -> memref<1x128x128xf32, #tpu.memory_space<vmem>>
    %dma_wait3A_1824 = tpu.memref_squeeze %dma_wait3A_1823 : memref<1x128x128xf32, #tpu.memory_space<vmem>> -> memref<128x128xf32, #tpu.memory_space<vmem>>
    %dma_wait3A_1825 = arith.constant 0 : i32
    %dma_wait3A_1826 = tpu.memref_slice %arg7[%and3A_1820, %dma_wait3A_1825] : memref<2x128xi32, #tpu.memory_space<vmem>> -> memref<1x128xi32, #tpu.memory_space<vmem>>
    %dma_wait3A_1827 = tpu.memref_squeeze %dma_wait3A_1826 : memref<1x128xi32, #tpu.memory_space<vmem>> -> memref<128xi32, #tpu.memory_space<vmem>>
    %dma_wait3A_1828 = arith.constant 0 : i32
    %dma_wait3A_1829 = arith.constant 0 : i32
    %dma_wait3A_1830 = tpu.memref_slice %arg11[%dma_wait3A_1828, %dma_wait3A_1829] : memref<10240x128xf32, #tpu.memory_space<vmem_shared>> -> memref<10240x128xf32, #tpu.memory_space<vmem_shared>>
    tpu.wait_indirect_dma semaphore(%arg12 : memref<!tpu.dma_semaphore, #tpu.memory_space<semaphore_mem>>) src(%dma_wait3A_1830 : memref<10240x128xf32, #tpu.memory_space<vmem_shared>>) dst(%dma_wait3A_1824 : memref<128x128xf32, #tpu.memory_space<vmem>>)
    %sub3A_1831 = arith.constant 1 : i32
    %sub3A_1832 = arith.subi %sub3A_1831, %and3A_1820 : i32
    %dma_wait3A_1833 = arith.constant 0 : i32
    %dma_wait3A_1834 = tpu.memref_slice %arg7[%sub3A_1832, %dma_wait3A_1833] : memref<2x128xi32, #tpu.memory_space<vmem>> -> memref<1x128xi32, #tpu.memory_space<vmem>>
    %dma_wait3A_1835 = tpu.memref_squeeze %dma_wait3A_1834 : memref<1x128xi32, #tpu.memory_space<vmem>> -> memref<128xi32, #tpu.memory_space<vmem>>
    %dma_wait3A_1836 = tpu.memref_slice %arg4[%mul3A_1769] : memref<320512xi32, #tpu.memory_space<hbm>> -> memref<128xi32, #tpu.memory_space<hbm>>
    %dma_wait3A_1837 = arith.constant 0 : i32
    %dma_wait3A_1838 = tpu.memref_slice %arg7[%sub3A_1832, %dma_wait3A_1837] : memref<2x128xi32, #tpu.memory_space<vmem>> -> memref<1x128xi32, #tpu.memory_space<vmem>>
    %dma_wait3A_1839 = tpu.memref_squeeze %dma_wait3A_1838 : memref<1x128xi32, #tpu.memory_space<vmem>> -> memref<128xi32, #tpu.memory_space<vmem>>
    %dma_wait3A_1840 = tpu.memref_slice %arg4[%mul3A_1769] : memref<320512xi32, #tpu.memory_space<hbm>> -> memref<128xi32, #tpu.memory_space<hbm>>
    tpu.wait_dma2 semaphore(%arg13 : memref<!tpu.dma_semaphore, #tpu.memory_space<semaphore_mem>>) src(%dma_wait3A_1840 : memref<128xi32, #tpu.memory_space<hbm>>) dst(%dma_wait3A_1839 : memref<128xi32, #tpu.memory_space<vmem>>)
    %dma_wait3A_1841 = arith.constant 0 : i32
    %dma_wait3A_1842 = arith.constant 0 : i32
    %dma_wait3A_1843 = arith.constant 0 : i32
    %dma_wait3A_1844 = tpu.memref_slice %arg9[%dma_wait3A_1841, %dma_wait3A_1842, %dma_wait3A_1843] : memref<2x8x128xf32, #tpu.memory_space<vmem>> -> memref<1x8x128xf32, #tpu.memory_space<vmem>>
    %dma_wait3A_1845 = tpu.memref_squeeze %dma_wait3A_1844 : memref<1x8x128xf32, #tpu.memory_space<vmem>> -> memref<8x128xf32, #tpu.memory_space<vmem>>
    %dma_wait3A_1846 = arith.constant 0 : i32
    %dma_wait3A_1847 = tpu.memref_slice %arg5[%mul3A_5, %dma_wait3A_1846] : memref<10240x128xf32, #tpu.memory_space<hbm>> -> memref<8x128xf32, #tpu.memory_space<hbm>>
    %dma_wait3A_1848 = arith.constant 0 : i32
    %dma_wait3A_1849 = tpu.memref_slice %arg5[%mul3A_5, %dma_wait3A_1848] : memref<10240x128xf32, #tpu.memory_space<hbm>> -> memref<8x128xf32, #tpu.memory_space<hbm>>
    %dma_wait3A_1850 = arith.constant 0 : i32
    %dma_wait3A_1851 = arith.constant 0 : i32
    %dma_wait3A_1852 = tpu.memref_slice %arg9[%dma_wait3A_1841, %dma_wait3A_1850, %dma_wait3A_1851] : memref<2x8x128xf32, #tpu.memory_space<vmem>> -> memref<1x8x128xf32, #tpu.memory_space<vmem>>
    %dma_wait3A_1853 = tpu.memref_squeeze %dma_wait3A_1852 : memref<1x8x128xf32, #tpu.memory_space<vmem>> -> memref<8x128xf32, #tpu.memory_space<vmem>>
    tpu.wait_dma2 semaphore(%arg14 : memref<!tpu.dma_semaphore, #tpu.memory_space<semaphore_mem>>) src(%dma_wait3A_1853 : memref<8x128xf32, #tpu.memory_space<vmem>>) dst(%dma_wait3A_1849 : memref<8x128xf32, #tpu.memory_space<hbm>>)
    %dma_wait3A_1854 = arith.constant 0 : i32
    %dma_wait3A_1855 = arith.constant 0 : i32
    %dma_wait3A_1856 = arith.constant 0 : i32
    %dma_wait3A_1857 = tpu.memref_slice %arg9[%dma_wait3A_1854, %dma_wait3A_1855, %dma_wait3A_1856] : memref<2x8x128xf32, #tpu.memory_space<vmem>> -> memref<1x8x128xf32, #tpu.memory_space<vmem>>
    %dma_wait3A_1858 = tpu.memref_squeeze %dma_wait3A_1857 : memref<1x8x128xf32, #tpu.memory_space<vmem>> -> memref<8x128xf32, #tpu.memory_space<vmem>>
    %dma_wait3A_1859 = arith.constant 0 : i32
    %dma_wait3A_1860 = tpu.memref_slice %arg5[%mul3A_5, %dma_wait3A_1859] : memref<10240x128xf32, #tpu.memory_space<hbm>> -> memref<8x128xf32, #tpu.memory_space<hbm>>
    %dma_wait3A_1861 = arith.constant 0 : i32
    %dma_wait3A_1862 = tpu.memref_slice %arg5[%mul3A_5, %dma_wait3A_1861] : memref<10240x128xf32, #tpu.memory_space<hbm>> -> memref<8x128xf32, #tpu.memory_space<hbm>>
    %dma_wait3A_1863 = arith.constant 0 : i32
    %dma_wait3A_1864 = arith.constant 0 : i32
    %dma_wait3A_1865 = tpu.memref_slice %arg9[%dma_wait3A_1854, %dma_wait3A_1863, %dma_wait3A_1864] : memref<2x8x128xf32, #tpu.memory_space<vmem>> -> memref<1x8x128xf32, #tpu.memory_space<vmem>>
    %dma_wait3A_1866 = tpu.memref_squeeze %dma_wait3A_1865 : memref<1x8x128xf32, #tpu.memory_space<vmem>> -> memref<8x128xf32, #tpu.memory_space<vmem>>
    tpu.wait_dma2 semaphore(%arg14 : memref<!tpu.dma_semaphore, #tpu.memory_space<semaphore_mem>>) src(%dma_wait3A_1866 : memref<8x128xf32, #tpu.memory_space<vmem>>) dst(%dma_wait3A_1862 : memref<8x128xf32, #tpu.memory_space<hbm>>)
    return
  }
}

</mosaic_0001>

<sc_bundles>
// kernel: _launch.3.cloned.1.call-start
scs
__scs_entry_jumppad:
0x0: {  	(pc) =	sbr.rel $0x88, $3  }
0x1: {  	(tag) =	ssettag $0x0;
	lr =	simm.s32 $0x1  }
0x2: {  	[smem:$0x3F9E] =	sst lr;
	_ =	strace $0xD0000000  }
0x3: {  	_ = 	snop  }
0x4: {  	_ = 	snop  }
0x5: {  	_ = 	snop  }
0x6: {  	_ = 	snop  }
0x7: {  	_ = 	snop  }
__scs_overlays_trampoline_lowered:
0x8: {  	[smem:$0x3FAD] =	sst s0  }
0x9: {  	[smem:$0x3FAE] =	sst s1  }
0xa: {  	[smem:$0x3FAF] =	sst s2  }
0xb: {  	[smem:$0x3FB0] =	sst s3  }
0xc: {  	[smem:$0x3FB1] =	sst s4  }
0xd: {  	[smem:$0x3FB2] =	sst s5  }
0xe: {  	[smem:$0x3FB3] =	sst s6  }
0xf: {  	[smem:$0x3FB4] =	sst s7  }
0x10: {  	[smem:$0x3FB5] =	sst s8  }
0x11: {  	[smem:$0x3FB6] =	sst s9;
	s0 =	simm.s32 @!p0 $0x0  }
0x12: {  	s1 =	sld [smem:$0x3F9C];
	s0 =	simm.s32 @p0 $0x1  }
0x13: {  	[smem:$0x3FB7] =	sst s0;
	s0 =	simm.s32 @!p1 $0x0  }
0x14: {  	s2 =	sld [smem:$0x3F9B];
	s0 =	simm.s32 @p1 $0x1  }
0x15: {  	[smem:$0x3FB8] =	sst s0;
	s0 =	simm.s32 @!p2 $0x0  }
0x16: {  	s3 =	sld [smem:$0x3FDB];
	s0 =	simm.s32 @p2 $0x1  }
0x17: {  	s4 =	simm.s32 $0x1BF5;
	[smem:$0x3FBA] =	sst s0  }
0x18: {  	s0 =	sld [smem:$0x3F9D];
	_ =	swait.ge [sflag:s4], $0x0  }
0x19: {  	s7 =	sld [smem:$0x3F9E]  }
0x1a: {  	s8 =	sadd.s32 $0xFFFFE003, lr  }
0x1b: {  	s9 =	sadd.s32 $0xFFFFFEF7, lr;
	s5 =	simm.s32 $0xFFFFFFFF;
	p2 =	slt.u32 s8, $0xFFFFF086  }
0x1c: {  	p1 =	slt.u32 s9, $0xF7A;
	s5 =	simm.s32 @!p2 $0x0  }
0x1d: {  	s5 =	simm.s32 @p1 $0x1;
	p0 =	seq.s32 s7, s2  }
0x1e: {  	s7 =	smul.u32 @!p0 $0xF7A, s2;
	p2 =	seq.s32 @!p0 s5, $0x0  }
0x1f: {  	s9 =	smul.u32 $0xF7A, s1;
	s8 =	simm.s32 @!p0 $0x1BF5;
	p2 =	por !p2, p0  }
0x20: {  	[sflag:s8] =	ssyncset.s32 @!p0 $0xFFFFF086;
	s6 =	sadd.s32 @!p0 s3, s7;
	s7 =	simm.s32 @!p0 $0x108  }
0x21: {  	s3 =	sadd.s32 s3, s9;
	s6 =	sadd.s32 @!p0 $0x88, s6;
	s7 =	simm.s32 @p2 $0x1082  }
0x22: {  	[simem:s7], [sflag:s8] =	dma.local @!p0 [hbm:s6], $0xF7A  }
0x23: {  	s9 =	sor.u32 $0xD0000000, s2;
	s6 =	simm.s32 $0x108;
	_ =	swait.ge @!p0 [sflag:s8], $0x0  }
0x24: {  	s3 =	sadd.s32 $0x88, s3;
	s6 =	simm.s32 @!p1 $0x1082;
	[sflag:s4] =	ssyncset.s32 $0xFFFFF086  }
0x25: {  	[simem:s6], [sflag:s4] =	dma.local [hbm:s3], $0xF7A  }
0x26: {  	[smem:$0x3F9E] =	sst s1;
	(tag) =	ssettag s2;
	_ =	strace s9  }
0x27: {  	s1 =	sld [smem:$0x3FAE]  }
0x28: {  	s2 =	sld [smem:$0x3FAF]  }
0x29: {  	s4 =	sld [smem:$0x3FB1]  }
0x2a: {  	p0 =	seq.s32 s5, $0x0;
	s5 =	sld [smem:$0x3FB2]  }
0x2b: {  	s6 =	sld [smem:$0x3FB3]  }
0x2c: {  	s7 =	sld [smem:$0x3FB4]  }
0x2d: {  	s3 =	simm.s32 $0x108;
	s8 =	sld [smem:$0x3FB5]  }
0x2e: {  	s3 =	simm.s32 @!p0 $0x1082;
	s9 =	sld [smem:$0x3FB6]  }
0x2f: {  	lr =	sadd.s32 s0, s3;
	s0 =	sld [smem:$0x3FAD]  }
0x30: {  	s3 =	sld [smem:$0x3FB0]  }
0x31: {  	[smem:$0x3FB9] =	sst s10  }
0x32: {  	s10 =	sld [smem:$0x3FB7];
	_ =	sdelay $0x3  }
0x33: {  	p0 =	seq.s32 s10, $0x1;
	s10 =	sld [smem:$0x3FB9];
	_ =	sdelay $0x3  }
0x34: {  	[smem:$0x3FB9] =	sst s10  }
0x35: {  	s10 =	sld [smem:$0x3FB8];
	_ =	sdelay $0x3  }
0x36: {  	p1 =	seq.s32 s10, $0x1;
	s10 =	sld [smem:$0x3FB9];
	_ =	sdelay $0x3  }
0x37: {  	[smem:$0x3FB9] =	sst s10  }
0x38: {  	s10 =	sld [smem:$0x3FBA]  }
0x39: {  	_ = 	snop;
	(pc) =	sbr.ind lr, $3  }
0x3a: {  	_ = 	snop  }
0x3b: {  	_ = 	snop  }
0x3c: {  	p2 =	seq.s32 s10, $0x1;
	s10 =	sld [smem:$0x3FB9]  }
0x3d: {  	_ =	shalt  }
0x3e: {  	_ =	shalt  }
0x3f: {  	_ =	shalt  }
0x40: {  	_ =	shalt  }
0x41: {  	_ =	shalt  }
0x42: {  	_ =	shalt  }
0x43: {  	_ =	shalt  }
0x44: {  	_ =	shalt  }
0x45: {  	_ =	shalt  }
0x46: {  	_ =	shalt  }
0x47: {  	_ =	shalt  }
0x48: {  	_ =	shalt  }
0x49: {  	_ =	shalt  }
0x4a: {  	_ =	shalt  }
0x4b: {  	_ =	shalt  }
0x4c: {  	_ =	shalt  }
0x4d: {  	_ =	shalt  }
0x4e: {  	_ =	shalt  }
0x4f: {  	_ =	shalt  }
0x50: {  	_ =	shalt  }
0x51: {  	_ =	shalt  }
0x52: {  	_ =	shalt  }
0x53: {  	_ =	shalt  }
0x54: {  	_ =	shalt  }
0x55: {  	_ =	shalt  }
0x56: {  	_ =	shalt  }
0x57: {  	_ =	shalt  }
0x58: {  	_ =	shalt  }
0x59: {  	_ =	shalt  }
0x5a: {  	_ =	shalt  }
0x5b: {  	_ =	shalt  }
0x5c: {  	_ =	shalt  }
0x5d: {  	_ =	shalt  }
0x5e: {  	_ =	shalt  }
0x5f: {  	_ =	shalt  }
0x60: {  	_ =	shalt  }
0x61: {  	_ =	shalt  }
0x62: {  	_ =	shalt  }
0x63: {  	_ =	shalt  }
0x64: {  	_ =	shalt  }
0x65: {  	_ =	shalt  }
0x66: {  	_ =	shalt  }
0x67: {  	_ =	shalt  }
0x68: {  	_ =	shalt  }
0x69: {  	_ =	shalt  }
0x6a: {  	_ =	shalt  }
0x6b: {  	_ =	shalt  }
0x6c: {  	_ =	shalt  }
0x6d: {  	_ =	shalt  }
0x6e: {  	_ =	shalt  }
0x6f: {  	_ =	shalt  }
0x70: {  	_ =	shalt  }
0x71: {  	_ =	shalt  }
0x72: {  	_ =	shalt  }
0x73: {  	_ =	shalt  }
0x74: {  	_ =	shalt  }
0x75: {  	_ =	shalt  }
0x76: {  	_ =	shalt  }
0x77: {  	_ =	shalt  }
0x78: {  	_ =	shalt  }
0x79: {  	_ =	shalt  }
0x7a: {  	_ =	shalt  }
0x7b: {  	_ =	shalt  }
0x7c: {  	_ =	shalt  }
0x7d: {  	_ =	shalt  }
0x7e: {  	_ =	shalt  }
0x7f: {  	_ =	shalt  }
0x80: {  	_ =	shalt  }
0x81: {  	_ =	shalt  }
0x82: {  	_ =	shalt  }
0x83: {  	_ =	shalt  }
0x84: {  	_ =	shalt  }
0x85: {  	_ =	shalt  }
0x86: {  	_ =	shalt  }
0x87: {  	_ =	shalt  }
.Lfunc_end0:
.L_simem_size_0:
called_computation_lowered:
.L_overlay_start_0:
0x88: {  	s2 =	sld [smem:$0x3FD9]  }
0x89: {  	s3 =	sld [smem:$0x3FFE];
	_ =	sdelay $0x1  }
0x8a: {  	s1 =	srdreg.scid  }
0x8b: {  	s0 =	sand.u32 $0x1, s1  }
0x8c: {  	s18 =	sshll.u32 s0, $0xA;
	s2 =	sadd.s32 s3, s2  }
0x8d: {  	s2 =	sadd.s32 s2, s18  }
0x8e: {  	[smem:$0x3FC5] =	sst s2  }
0x8f: {  	_ = 	snop  }
0x90: {  	s2 =	sld [smem:$0x3FC9]  }
0x91: {  	s19 =	sld [smem:$0x3FC8]  }
0x92: {  	s4 =	sld [smem:$0x3FC7]  }
0x93: {  	s5 =	sld [smem:$0x3FD0];
	(tm) =	ssettm $0x1  }
0x94: {  	s6 =	sld [smem:$0x3FFB];
	_ =	sdelay $0x3  }
0x95: {  	_ =	strace s6  }
0x96: {  	s6 =	sld [smem:$0x3FFC];
	_ =	sdelay $0x3  }
0x97: {  	_ =	strace s6  }
0x98: {  	s6 =	sld [smem:$0x3FFD];
	_ =	sdelay $0x3  }
0x99: {  	_ =	strace s6  }
0x9a: {  	_ =	strace $0x8FFFFFFF  }
0x9b: {  	s20 =	sld [smem:$0x3FDB];
	_ =	sdelay $0x1  }
0x9c: {  	s7 =	simm.s32 $_scs_section_size  }
0x9d: {  	s8 =	simm.s32 $_size__tile_overlayer_lowered;
	s9 =	simm.s32 $_tile_overlayer_lowered  }
0x9e: {  	s23 =	simm.s32 $0x1BFF;
	s22 =	sshll.u32 s9, $0x1;
	s6 =	sadd.s32 s7, s20  }
0x9f: {  	s10 =	simm.s32 $0x0;
	s21 =	sshll.u32 s8, $0x1;
	s8 =	sadd.s32 s22, s6  }
0xa0: {  	[timem:s10], [sflag:s23] =	dma.local [hbm:s8], s21  }
0xa1: {  	_ =	swait.ge [sflag:s23], s21  }
0xa2: {  	s7 =	ssub.s32 $0x0, s21;
	[sflag:s23] =	ssyncset.done $0x0  }
0xa3: {  	[sflag:s23] =	ssyncadd.s32 s7;
	_ =	sdelay $0x1  }
0xa4: {  	s24 =	simm.s32 $0x1B8B  }
0xa5: {  	_ =	swait.ge [sflag:s24], $0x1  }
0xa6: {  	[sflag:s24] =	ssyncset.done $0x0  }
0xa7: {  	s25 =	simm.s32 $0x1B8E;
	[sflag:s24] =	ssyncadd.s32 $0xFFFFFFFF  }
0xa8: {  	s26 =	simm.s32 $execute0_lowered;
	[smem:$0x3FD2] =	sst s25  }
0xa9: {  	s7 =	sshll.u32 s26, $0x1;
	_ =	strace $0x80000046;
	[dreg:$0x1] =	wrdreg $0xFFFFFFFF  }
0xaa: {  	s28 =	simm.s32 $_size_execute0_lowered;
	s6 =	sadd.s32 s6, s7;
	[dreg:$0x0] =	wrdreg $0x0  }
0xab: {  	s7 =	sshll.u32 s28, $0x1;
	[dreg:$0x2] =	wrdreg s6  }
0xac: {  	[dreg:$0x3] =	wrdreg s7  }
0xad: {  	[dreg:$0x4] =	wrdreg $0xC0  }
0xae: {  	_ =	task [dreg:s10], $0x5FFFF  }
0xaf: {  	[dreg:$0x1] =	wrdreg $0xFFFFFFFF  }
0xb0: {  	[dreg:$0x0] =	wrdreg $0x60  }
0xb1: {  	[dreg:$0x2] =	wrdreg s2  }
0xb2: {  	[dreg:$0x3] =	wrdreg s19  }
0xb3: {  	[dreg:$0x4] =	wrdreg s4  }
0xb4: {  	[dreg:$0x5] =	wrdreg s5  }
0xb5: {  	[dreg:$0x6] =	wrdreg $0x8A800  }
0xb6: {  	[dreg:$0x7] =	wrdreg $0x9  }
0xb7: {  	_ =	task.clear_ibuf [dreg:s10], $0x8FFFF;
	_ =	strace $0x90000046  }
0xb8: {  	s29 =	simm.s32 $0x9;
	_ =	strace $0x80000048  }
0xb9: {  	_ =	swait.ge [sflag:s29], $0x1  }
0xba: {  	[sflag:s29] =	ssyncadd.s32 $0xFFFFFFFF  }
0xbb: {  	_ =	strace $0x90000048  }
0xbc: {  	_ =	sfence  }
0xbd: {  	s30 =	sld [smem:$0x0];
	_ =	sdelay $0x2  }
0xbe: {  	s31 =	sshll.u32 s1, $0xD;
	s1 =	sshrl.u32 s1, $0x2  }
0xbf: {  	s3 =	sand.u32 $0x4000, s31;
	s1 =	sadd.s32 s1, s30  }
0xc0: {  	s0 =	sor.u32 s3, s0;
	s1 =	sshll.u32 s1, $0x11  }
0xc1: {  	s0 =	sor.u32 s1, s0  }
0xc2: {  	s0 =	sadd.s32 $0x8F2B, s0  }
0xc3: {  	[sflag:s0] =	ssyncadd.remote.s32 $0x1  }
0xc4: {  	_ =	sfence.sel $0xFFFF  }
0xc5: {  	[dreg:$0x0] =	wrdreg $0xFFFFFFFF;
	(pc) =	sbr.abs _section_cstart, $3  }
0xc6: {  	[dreg:$0x1] =	wrdreg $0xFFFFFFFF  }
0xc7: {  	_ =	task.clear_ibuf [dreg:s10], $0x2FFFF;
	_ =	strace $0x9FFFFFFF  }
0xc8: {  	(tm) =	ssettm $0x7FFFFFFF  }
0xc9: {  	_ =	shalt  }
tec
execute0_lowered:
.L_overlay_start_1:
0x0: {  	(tag) =	ssettag $0x1  }
0x1: {  	s0 =	rddreg [dreg:$0x0]  }
0x2: {  	s2 =	rddreg [dreg:$0x1]  }
0x3: {  	s1 =	rddreg [dreg:$0x2];
	s4 =	srdreg.scid  }
0x4: {  	s11 =	stileid.u32;
	s3 =	rddreg [dreg:$0x3]  }
0x5: {  	s13 =	simm.s32 $0x1;
	s14 =	simm.s32 $0x180;
	s15 =	simm.s32 $0x2  }
0x6: {  	s17 =	simm.s32 $0x280;
	s18 =	simm.s32 $0x200;
	s19 =	simm.s32 $0x3  }
0x7: {  	s20 =	simm.s32 $0x0;
	s7 =	sand.u32 $0x1, s4;
	s8 =	smul.u32 $0x50000, s11  }
0x8: {  	s5 =	sshll.u32 s11, $0x1;
	s4 =	rddreg [dreg:$0x4];
	s10 =	smul.u32 $0x2800, s11  }
0x9: {  	s31 =	sshll.u32 s11, $0x6;
	s6 =	sor.u32 s7, s5;
	s5 =	simm.s32 $0x0  }
.Ltmp0:
0xa: {  	s7 =	ssub.s32 $0x2, s7;
	s11 =	sor.u32 $0x1C04, s31;
	(pc) =	sbr.rel .LBB2_1-.Ltmp0, $4  }
0xb: {  	s6 =	smul.u32 $0x28, s6;
	[smem:$0x7FF] =	sst s5;
	s9 =	sshrl.u32 s7, $0x1  }
0xc: {  	s30 =	sshrl.u32 s8, $0x2;
	s8 =	sadd.s32 s0, s10;
	s10 =	simm.s32 $0x4  }
0xd: {  	s9 =	ssub.s32 s7, s9;
	s7 =	sadd.s32 s2, s6;
	s2 =	sadd.s32 s30, s4  }
0xe: {  	_ =	strace $0x80000047;
	s9 =	smax.u32 s9, $0x1;
	s12 =	sshrl.u32 s2, $0x3  }
.LBB2_11:
0xf: {  	_ =	swait.ge [sflag:s13], $0x4000  }
0x10: {  	[sflag:s13] =	ssyncset.done $0x0  }
0x11: {  	[sflag:s13] =	ssyncadd.s32 $0xFFFFC000  }
0x12: {  	_ =	swait.ge [sflag:s15], $0x80  }
0x13: {  	[sflag:s15] =	ssyncset.done $0x0  }
0x14: {  	s20 =	sadd.s32 $0x1, s20;
	[sflag:s15] =	ssyncadd.s32 $0xFFFFFF80  }
0x15: {  	p0 =	sne.s32 s20, s9;
	_ =	swait.ge [sflag:s19], $0x400  }
.Ltmp1:
0x16: {  	[sflag:s19] =	ssyncset.done $0x0;
	(pc) =	sbr.rel @!p0 .LBB2_12-.Ltmp1, $4  }
0x17: {  	[sflag:s19] =	ssyncadd.s32 $0xFFFFFC00  }
0x18: {  	_ =	swait.ge [sflag:s19], $0x400  }
0x19: {  	[sflag:s19] =	ssyncset.done $0x0  }
0x1a: {  	[sflag:s19] =	ssyncadd.s32 $0xFFFFFC00  }
.LBB2_1:
0x1b: {  	[tilespmem:s5], [sflag:$0x4] =	stream.linear.gather [hbm4b:s7+s5], $0x150, $0x38;
	[tilespmem:$0x1CA80] =	vst v63  }
0x1c: {  	_ =	swait.ge [sflag:s10], $0x150  }
0x1d: {  	[sflag:s10] =	ssyncset.done $0x0  }
0x1e: {  	[sflag:s10] =	ssyncadd.s32 $0xFFFFFEB0  }
0x1f: {  	v0 =	vld [tilespmem:$0x0];
	_ =	sdelay $0x4  }
0x20: {  	(v2sf) =	vpush v0, $0x0  }
0x21: {  	(v2sf) =	vpush v0, $0x1  }
0x22: {  	(v2sf) =	vpush v0, $0x2  }
0x23: {  	(v2sf) =	vpush v0, $0x3  }
0x24: {  	(v2sf) =	vpush v0, $0x4  }
0x25: {  	(v2sf) =	vpush v0, $0x5  }
0x26: {  	(v2sf) =	vpush v0, $0x6  }
0x27: {  	(v2sf) =	vpush v0, $0x7  }
0x28: {  	(v2sf) =	vpush v0, $0x8  }
0x29: {  	(v2sf) =	vpush v0, $0x9  }
0x2a: {  	(v2sf) =	vpush v0, $0xA  }
0x2b: {  	(v2sf) =	vpush v0, $0xB;
	_ =	sdelay $0x3  }
0x2c: {  	s0 =	spop (v2sf)  }
0x2d: {  	[smem:$0x0] =	sst s0;
	s21 =	spop (v2sf)  }
0x2e: {  	[smem:$0x1] =	sst s21;
	s22 =	spop (v2sf)  }
0x2f: {  	[smem:$0x2] =	sst s22;
	s23 =	spop (v2sf)  }
0x30: {  	[smem:$0x3] =	sst s23;
	s24 =	spop (v2sf)  }
0x31: {  	[smem:$0x4] =	sst s24;
	s25 =	spop (v2sf)  }
0x32: {  	[smem:$0x5] =	sst s25;
	s26 =	spop (v2sf)  }
0x33: {  	[smem:$0x6] =	sst s26;
	s29 =	spop (v2sf)  }
0x34: {  	[smem:$0x7] =	sst s29;
	s30 =	spop (v2sf)  }
0x35: {  	[smem:$0x8] =	sst s30;
	s31 =	spop (v2sf)  }
0x36: {  	[smem:$0x9] =	sst s31;
	s2 =	spop (v2sf)  }
0x37: {  	[smem:$0xA] =	sst s2;
	s16 =	spop (v2sf)  }
0x38: {  	[smem:$0xB] =	sst s16  }
0x39: {  	(v2sf) =	vpush v0, $0xC  }
0x3a: {  	v1 =	vld [tilespmem:$0x10];
	_ =	sdelay $0x1  }
0x3b: {  	(v2sf) =	vpush v0, $0xD  }
0x3c: {  	(v2sf) =	vpush v0, $0xE  }
0x3d: {  	(v2sf) =	vpush v0, $0xF  }
0x3e: {  	(v2sf) =	vpush v1, $0x0  }
0x3f: {  	(v2sf) =	vpush v1, $0x1  }
0x40: {  	(v2sf) =	vpush v1, $0x2  }
0x41: {  	(v2sf) =	vpush v1, $0x3  }
0x42: {  	(v2sf) =	vpush v1, $0x4  }
0x43: {  	(v2sf) =	vpush v1, $0x5  }
0x44: {  	(v2sf) =	vpush v1, $0x6  }
0x45: {  	(v2sf) =	vpush v1, $0x7  }
0x46: {  	(v2sf) =	vpush v1, $0x8  }
0x47: {  	(v2sf) =	vpush v1, $0x9  }
0x48: {  	(v2sf) =	vpush v1, $0xA  }
0x49: {  	v45 =	vld [tilespmem:$0x20];
	s21 =	spop (v2sf);
	(v2sf) =	vpush v1, $0xB  }
0x4a: {  	[smem:$0xC] =	sst s21;
	s22 =	spop (v2sf);
	(v2sf) =	vpush v1, $0xC  }
0x4b: {  	[smem:$0xD] =	sst s22;
	s23 =	spop (v2sf);
	(v2sf) =	vpush v1, $0xD  }
0x4c: {  	[smem:$0xE] =	sst s23;
	s24 =	spop (v2sf);
	(v2sf) =	vpush v1, $0xE  }
0x4d: {  	[smem:$0xF] =	sst s24;
	s25 =	spop (v2sf);
	(v2sf) =	vpush v1, $0xF  }
0x4e: {  	[smem:$0x10] =	sst s25;
	s26 =	spop (v2sf);
	(v2sf) =	vpush v45, $0x0  }
0x4f: {  	[smem:$0x11] =	sst s26;
	s29 =	spop (v2sf);
	(v2sf) =	vpush v45, $0x1  }
0x50: {  	[smem:$0x12] =	sst s29;
	s30 =	spop (v2sf);
	(v2sf) =	vpush v45, $0x2  }
0x51: {  	[smem:$0x13] =	sst s30;
	s31 =	spop (v2sf);
	(v2sf) =	vpush v45, $0x3  }
0x52: {  	[smem:$0x14] =	sst s31;
	s2 =	spop (v2sf);
	(v2sf) =	vpush v45, $0x4  }
0x53: {  	[smem:$0x15] =	sst s2;
	s16 =	spop (v2sf);
	(v2sf) =	vpush v45, $0x5  }
0x54: {  	[smem:$0x16] =	sst s16;
	s21 =	spop (v2sf);
	(v2sf) =	vpush v45, $0x6  }
0x55: {  	[smem:$0x17] =	sst s21;
	s22 =	spop (v2sf);
	(v2sf) =	vpush v45, $0x7  }
0x56: {  	[smem:$0x18] =	sst s22;
	s23 =	spop (v2sf);
	(v2sf) =	vpush v45, $0x8  }
0x57: {  	[smem:$0x19] =	sst s23;
	s24 =	spop (v2sf);
	(v2sf) =	vpush v45, $0x9  }
0x58: {  	[smem:$0x1A] =	sst s24;
	s25 =	spop (v2sf);
	(v2sf) =	vpush v45, $0xA  }
0x59: {  	v46 =	vld [tilespmem:$0x30];
	[smem:$0x1B] =	sst s25;
	s26 =	spop (v2sf);
	(v2sf) =	vpush v45, $0xB  }
0x5a: {  	[smem:$0x1C] =	sst s26;
	s29 =	spop (v2sf);
	(v2sf) =	vpush v45, $0xC  }
0x5b: {  	[smem:$0x1D] =	sst s29;
	s30 =	spop (v2sf);
	(v2sf) =	vpush v45, $0xD  }
0x5c: {  	[smem:$0x1E] =	sst s30;
	s31 =	spop (v2sf);
	(v2sf) =	vpush v45, $0xE  }
0x5d: {  	[smem:$0x1F] =	sst s31;
	s2 =	spop (v2sf);
	(v2sf) =	vpush v45, $0xF  }
0x5e: {  	[smem:$0x20] =	sst s2;
	s16 =	spop (v2sf);
	(v2sf) =	vpush v46, $0x0  }
0x5f: {  	[smem:$0x21] =	sst s16;
	s21 =	spop (v2sf);
	(v2sf) =	vpush v46, $0x1  }
0x60: {  	[smem:$0x22] =	sst s21;
	s22 =	spop (v2sf);
	(v2sf) =	vpush v46, $0x2  }
0x61: {  	[smem:$0x23] =	sst s22;
	s23 =	spop (v2sf);
	(v2sf) =	vpush v46, $0x3  }
0x62: {  	[smem:$0x24] =	sst s23;
	s24 =	spop (v2sf);
	(v2sf) =	vpush v46, $0x4  }
0x63: {  	[smem:$0x25] =	sst s24;
	s25 =	spop (v2sf);
	(v2sf) =	vpush v46, $0x5  }
0x64: {  	[smem:$0x26] =	sst s25;
	s26 =	spop (v2sf);
	(v2sf) =	vpush v46, $0x6  }
0x65: {  	[smem:$0x27] =	sst s26;
	s29 =	spop (v2sf);
	(v2sf) =	vpush v46, $0x7  }
0x66: {  	[smem:$0x28] =	sst s29;
	s30 =	spop (v2sf);
	(v2sf) =	vpush v46, $0x8  }
0x67: {  	[smem:$0x29] =	sst s30;
	s31 =	spop (v2sf);
	(v2sf) =	vpush v46, $0x9  }
0x68: {  	[smem:$0x2A] =	sst s31;
	s2 =	spop (v2sf);
	(v2sf) =	vpush v46, $0xA  }
0x69: {  	v47 =	vld [tilespmem:$0x40];
	[smem:$0x2B] =	sst s2;
	s16 =	spop (v2sf);
	(v2sf) =	vpush v46, $0xB  }
0x6a: {  	[smem:$0x2C] =	sst s16;
	s21 =	spop (v2sf);
	(v2sf) =	vpush v46, $0xC  }
0x6b: {  	[smem:$0x2D] =	sst s21;
	s22 =	spop (v2sf);
	(v2sf) =	vpush v46, $0xD  }
0x6c: {  	[smem:$0x2E] =	sst s22;
	s23 =	spop (v2sf);
	(v2sf) =	vpush v46, $0xE  }
0x6d: {  	[smem:$0x2F] =	sst s23;
	s24 =	spop (v2sf);
	(v2sf) =	vpush v46, $0xF  }
0x6e: {  	[smem:$0x30] =	sst s24;
	s25 =	spop (v2sf);
	(v2sf) =	vpush v47, $0x0  }
0x6f: {  	[smem:$0x31] =	sst s25;
	s26 =	spop (v2sf);
	(v2sf) =	vpush v47, $0x1  }
0x70: {  	[smem:$0x32] =	sst s26;
	s29 =	spop (v2sf);
	(v2sf) =	vpush v47, $0x2  }
0x71: {  	[smem:$0x33] =	sst s29;
	s30 =	spop (v2sf);
	(v2sf) =	vpush v47, $0x3  }
0x72: {  	[smem:$0x34] =	sst s30;
	s31 =	spop (v2sf);
	(v2sf) =	vpush v47, $0x4  }
0x73: {  	[smem:$0x35] =	sst s31;
	s2 =	spop (v2sf);
	(v2sf) =	vpush v47, $0x5  }
0x74: {  	[smem:$0x36] =	sst s2;
	s16 =	spop (v2sf);
	(v2sf) =	vpush v47, $0x6  }
0x75: {  	[smem:$0x37] =	sst s16;
	s21 =	spop (v2sf);
	(v2sf) =	vpush v47, $0x7  }
0x76: {  	[smem:$0x38] =	sst s21;
	s22 =	spop (v2sf);
	(v2sf) =	vpush v47, $0x8  }
0x77: {  	[smem:$0x39] =	sst s22;
	s23 =	spop (v2sf);
	(v2sf) =	vpush v47, $0x9  }
0x78: {  	[smem:$0x3A] =	sst s23;
	s24 =	spop (v2sf);
	(v2sf) =	vpush v47, $0xA  }
0x79: {  	v48 =	vld [tilespmem:$0x50];
	[smem:$0x3B] =	sst s24;
	s25 =	spop (v2sf);
	(v2sf) =	vpush v47, $0xB  }
0x7a: {  	[smem:$0x3C] =	sst s25;
	s26 =	spop (v2sf);
	(v2sf) =	vpush v47, $0xC  }
0x7b: {  	[smem:$0x3D] =	sst s26;
	s29 =	spop (v2sf);
	(v2sf) =	vpush v47, $0xD  }
0x7c: {  	[smem:$0x3E] =	sst s29;
	s30 =	spop (v2sf);
	(v2sf) =	vpush v47, $0xE  }
0x7d: {  	[smem:$0x3F] =	sst s30;
	s31 =	spop (v2sf);
	(v2sf) =	vpush v47, $0xF  }
0x7e: {  	[smem:$0x40] =	sst s31;
	s2 =	spop (v2sf);
	(v2sf) =	vpush v48, $0x0  }
0x7f: {  	[smem:$0x41] =	sst s2;
	s16 =	spop (v2sf);
	(v2sf) =	vpush v48, $0x1  }
0x80: {  	[smem:$0x42] =	sst s16;
	s21 =	spop (v2sf);
	(v2sf) =	vpush v48, $0x2  }
0x81: {  	[smem:$0x43] =	sst s21;
	s22 =	spop (v2sf);
	(v2sf) =	vpush v48, $0x3  }
0x82: {  	[smem:$0x44] =	sst s22;
	s23 =	spop (v2sf);
	(v2sf) =	vpush v48, $0x4  }
0x83: {  	[smem:$0x45] =	sst s23;
	s24 =	spop (v2sf);
	(v2sf) =	vpush v48, $0x5  }
0x84: {  	[smem:$0x46] =	sst s24;
	s25 =	spop (v2sf);
	(v2sf) =	vpush v48, $0x6  }
0x85: {  	[smem:$0x47] =	sst s25;
	s26 =	spop (v2sf);
	(v2sf) =	vpush v48, $0x7  }
0x86: {  	[smem:$0x48] =	sst s26;
	s29 =	spop (v2sf);
	(v2sf) =	vpush v48, $0x8  }
0x87: {  	[smem:$0x49] =	sst s29;
	s30 =	spop (v2sf);
	(v2sf) =	vpush v48, $0x9  }
0x88: {  	[smem:$0x4A] =	sst s30;
	s31 =	spop (v2sf);
	(v2sf) =	vpush v48, $0xA  }
0x89: {  	v49 =	vld [tilespmem:$0x60];
	[smem:$0x4B] =	sst s31;
	s2 =	spop (v2sf);
	(v2sf) =	vpush v48, $0xB  }
0x8a: {  	[smem:$0x4C] =	sst s2;
	s16 =	spop (v2sf);
	(v2sf) =	vpush v48, $0xC  }
0x8b: {  	[smem:$0x4D] =	sst s16;
	s21 =	spop (v2sf);
	(v2sf) =	vpush v48, $0xD  }
0x8c: {  	[smem:$0x4E] =	sst s21;
	s22 =	spop (v2sf);
	(v2sf) =	vpush v48, $0xE  }
0x8d: {  	[smem:$0x4F] =	sst s22;
	s23 =	spop (v2sf);
	(v2sf) =	vpush v48, $0xF  }
0x8e: {  	[smem:$0x50] =	sst s23;
	s24 =	spop (v2sf);
	(v2sf) =	vpush v49, $0x0  }
0x8f: {  	[smem:$0x51] =	sst s24;
	s25 =	spop (v2sf);
	(v2sf) =	vpush v49, $0x1  }
0x90: {  	[smem:$0x52] =	sst s25;
	s26 =	spop (v2sf);
	(v2sf) =	vpush v49, $0x2  }
0x91: {  	[smem:$0x53] =	sst s26;
	s29 =	spop (v2sf);
	(v2sf) =	vpush v49, $0x3  }
0x92: {  	[smem:$0x54] =	sst s29;
	s30 =	spop (v2sf);
	(v2sf) =	vpush v49, $0x4  }
0x93: {  	[smem:$0x55] =	sst s30;
	s31 =	spop (v2sf);
	(v2sf) =	vpush v49, $0x5  }
0x94: {  	[smem:$0x56] =	sst s31;
	s2 =	spop (v2sf);
	(v2sf) =	vpush v49, $0x6  }
0x95: {  	[smem:$0x57] =	sst s2;
	s16 =	spop (v2sf);
	(v2sf) =	vpush v49, $0x7  }
0x96: {  	[smem:$0x58] =	sst s16;
	s21 =	spop (v2sf);
	(v2sf) =	vpush v49, $0x8  }
0x97: {  	[smem:$0x59] =	sst s21;
	s22 =	spop (v2sf);
	(v2sf) =	vpush v49, $0x9  }
0x98: {  	[smem:$0x5A] =	sst s22;
	s23 =	spop (v2sf);
	(v2sf) =	vpush v49, $0xA  }
0x99: {  	v50 =	vld [tilespmem:$0x70];
	[smem:$0x5B] =	sst s23;
	s24 =	spop (v2sf);
	(v2sf) =	vpush v49, $0xB  }
0x9a: {  	[smem:$0x5C] =	sst s24;
	s25 =	spop (v2sf);
	(v2sf) =	vpush v49, $0xC  }
0x9b: {  	[smem:$0x5D] =	sst s25;
	s26 =	spop (v2sf);
	(v2sf) =	vpush v49, $0xD  }
0x9c: {  	[smem:$0x5E] =	sst s26;
	s29 =	spop (v2sf);
	(v2sf) =	vpush v49, $0xE  }
0x9d: {  	[smem:$0x5F] =	sst s29;
	s30 =	spop (v2sf);
	(v2sf) =	vpush v49, $0xF  }
0x9e: {  	[smem:$0x60] =	sst s30;
	s31 =	spop (v2sf);
	(v2sf) =	vpush v50, $0x0  }
0x9f: {  	[smem:$0x61] =	sst s31;
	s2 =	spop (v2sf);
	(v2sf) =	vpush v50, $0x1  }
0xa0: {  	[smem:$0x62] =	sst s2;
	s16 =	spop (v2sf);
	(v2sf) =	vpush v50, $0x2  }
0xa1: {  	[smem:$0x63] =	sst s16;
	s21 =	spop (v2sf);
	(v2sf) =	vpush v50, $0x3  }
0xa2: {  	[smem:$0x64] =	sst s21;
	s22 =	spop (v2sf);
	(v2sf) =	vpush v50, $0x4  }
0xa3: {  	[smem:$0x65] =	sst s22;
	s23 =	spop (v2sf);
	(v2sf) =	vpush v50, $0x5  }
0xa4: {  	[smem:$0x66] =	sst s23;
	s24 =	spop (v2sf);
	(v2sf) =	vpush v50, $0x6  }
0xa5: {  	[smem:$0x67] =	sst s24;
	s25 =	spop (v2sf);
	(v2sf) =	vpush v50, $0x7  }
0xa6: {  	[smem:$0x68] =	sst s25;
	s26 =	spop (v2sf);
	(v2sf) =	vpush v50, $0x8  }
0xa7: {  	[smem:$0x69] =	sst s26;
	s29 =	spop (v2sf);
	(v2sf) =	vpush v50, $0x9  }
0xa8: {  	[smem:$0x6A] =	sst s29;
	s30 =	spop (v2sf);
	(v2sf) =	vpush v50, $0xA  }
0xa9: {  	v51 =	vld [tilespmem:$0x80];
	[smem:$0x6B] =	sst s30;
	s31 =	spop (v2sf);
	(v2sf) =	vpush v50, $0xB  }
0xaa: {  	[smem:$0x6C] =	sst s31;
	s2 =	spop (v2sf);
	(v2sf) =	vpush v50, $0xC  }
0xab: {  	[smem:$0x6D] =	sst s2;
	s16 =	spop (v2sf);
	(v2sf) =	vpush v50, $0xD  }
0xac: {  	[smem:$0x6E] =	sst s16;
	s21 =	spop (v2sf);
	(v2sf) =	vpush v50, $0xE  }
0xad: {  	[smem:$0x6F] =	sst s21;
	s22 =	spop (v2sf);
	(v2sf) =	vpush v50, $0xF  }
0xae: {  	[smem:$0x70] =	sst s22;
	s23 =	spop (v2sf);
	(v2sf) =	vpush v51, $0x0  }
0xaf: {  	[smem:$0x71] =	sst s23;
	s24 =	spop (v2sf);
	(v2sf) =	vpush v51, $0x1  }
0xb0: {  	[smem:$0x72] =	sst s24;
	s25 =	spop (v2sf);
	(v2sf) =	vpush v51, $0x2  }
0xb1: {  	[smem:$0x73] =	sst s25;
	s26 =	spop (v2sf);
	(v2sf) =	vpush v51, $0x3  }
0xb2: {  	[smem:$0x74] =	sst s26;
	s29 =	spop (v2sf);
	(v2sf) =	vpush v51, $0x4  }
0xb3: {  	[smem:$0x75] =	sst s29;
	s30 =	spop (v2sf);
	(v2sf) =	vpush v51, $0x5  }
0xb4: {  	[smem:$0x76] =	sst s30;
	s31 =	spop (v2sf);
	(v2sf) =	vpush v51, $0x6  }
0xb5: {  	[smem:$0x77] =	sst s31;
	s2 =	spop (v2sf);
	(v2sf) =	vpush v51, $0x7  }
0xb6: {  	[smem:$0x78] =	sst s2;
	s16 =	spop (v2sf);
	(v2sf) =	vpush v51, $0x8  }
0xb7: {  	[smem:$0x79] =	sst s16;
	s21 =	spop (v2sf);
	(v2sf) =	vpush v51, $0x9  }
0xb8: {  	[smem:$0x7A] =	sst s21;
	s22 =	spop (v2sf);
	(v2sf) =	vpush v51, $0xA  }
0xb9: {  	v52 =	vld [tilespmem:$0x90];
	[smem:$0x7B] =	sst s22;
	s23 =	spop (v2sf);
	(v2sf) =	vpush v51, $0xB  }
0xba: {  	[smem:$0x7C] =	sst s23;
	s24 =	spop (v2sf);
	(v2sf) =	vpush v51, $0xC  }
0xbb: {  	[smem:$0x7D] =	sst s24;
	s25 =	spop (v2sf);
	(v2sf) =	vpush v51, $0xD  }
0xbc: {  	[smem:$0x7E] =	sst s25;
	s26 =	spop (v2sf);
	(v2sf) =	vpush v51, $0xE  }
0xbd: {  	[smem:$0x7F] =	sst s26;
	s29 =	spop (v2sf);
	(v2sf) =	vpush v51, $0xF  }
0xbe: {  	[smem:$0x80] =	sst s29;
	s30 =	spop (v2sf);
	(v2sf) =	vpush v52, $0x0  }
0xbf: {  	[smem:$0x81] =	sst s30;
	s31 =	spop (v2sf);
	(v2sf) =	vpush v52, $0x1  }
0xc0: {  	[smem:$0x82] =	sst s31;
	s2 =	spop (v2sf);
	(v2sf) =	vpush v52, $0x2  }
0xc1: {  	[smem:$0x83] =	sst s2;
	s16 =	spop (v2sf);
	(v2sf) =	vpush v52, $0x3  }
0xc2: {  	[smem:$0x84] =	sst s16;
	s21 =	spop (v2sf);
	(v2sf) =	vpush v52, $0x4  }
0xc3: {  	[smem:$0x85] =	sst s21;
	s22 =	spop (v2sf);
	(v2sf) =	vpush v52, $0x5  }
0xc4: {  	[smem:$0x86] =	sst s22;
	s23 =	spop (v2sf);
	(v2sf) =	vpush v52, $0x6  }
0xc5: {  	[smem:$0x87] =	sst s23;
	s24 =	spop (v2sf);
	(v2sf) =	vpush v52, $0x7  }
0xc6: {  	[smem:$0x88] =	sst s24;
	s25 =	spop (v2sf);
	(v2sf) =	vpush v52, $0x8  }
0xc7: {  	[smem:$0x89] =	sst s25;
	s26 =	spop (v2sf);
	(v2sf) =	vpush v52, $0x9  }
0xc8: {  	[smem:$0x8A] =	sst s26;
	s29 =	spop (v2sf);
	(v2sf) =	vpush v52, $0xA  }
0xc9: {  	v53 =	vld [tilespmem:$0xA0];
	[smem:$0x8B] =	sst s29;
	s30 =	spop (v2sf);
	(v2sf) =	vpush v52, $0xB  }
0xca: {  	[smem:$0x8C] =	sst s30;
	s31 =	spop (v2sf);
	(v2sf) =	vpush v52, $0xC  }
0xcb: {  	[smem:$0x8D] =	sst s31;
	s2 =	spop (v2sf);
	(v2sf) =	vpush v52, $0xD  }
0xcc: {  	[smem:$0x8E] =	sst s2;
	s16 =	spop (v2sf);
	(v2sf) =	vpush v52, $0xE  }
0xcd: {  	[smem:$0x8F] =	sst s16;
	s21 =	spop (v2sf);
	(v2sf) =	vpush v52, $0xF  }
0xce: {  	[smem:$0x90] =	sst s21;
	s22 =	spop (v2sf);
	(v2sf) =	vpush v53, $0x0  }
0xcf: {  	[smem:$0x91] =	sst s22;
	s23 =	spop (v2sf);
	(v2sf) =	vpush v53, $0x1  }
0xd0: {  	[smem:$0x92] =	sst s23;
	s24 =	spop (v2sf);
	(v2sf) =	vpush v53, $0x2  }
0xd1: {  	[smem:$0x93] =	sst s24;
	s25 =	spop (v2sf);
	(v2sf) =	vpush v53, $0x3  }
0xd2: {  	[smem:$0x94] =	sst s25;
	s26 =	spop (v2sf);
	(v2sf) =	vpush v53, $0x4  }
0xd3: {  	[smem:$0x95] =	sst s26;
	s29 =	spop (v2sf);
	(v2sf) =	vpush v53, $0x5  }
0xd4: {  	[smem:$0x96] =	sst s29;
	s30 =	spop (v2sf);
	(v2sf) =	vpush v53, $0x6  }
0xd5: {  	[smem:$0x97] =	sst s30;
	s31 =	spop (v2sf);
	(v2sf) =	vpush v53, $0x7  }
0xd6: {  	[smem:$0x98] =	sst s31;
	s2 =	spop (v2sf);
	(v2sf) =	vpush v53, $0x8  }
0xd7: {  	[smem:$0x99] =	sst s2;
	s16 =	spop (v2sf);
	(v2sf) =	vpush v53, $0x9  }
0xd8: {  	[smem:$0x9A] =	sst s16;
	s21 =	spop (v2sf);
	(v2sf) =	vpush v53, $0xA  }
0xd9: {  	[smem:$0x9B] =	sst s21;
	s22 =	spop (v2sf);
	(v2sf) =	vpush v53, $0xB  }
0xda: {  	[smem:$0x9C] =	sst s22;
	s23 =	spop (v2sf);
	(v2sf) =	vpush v53, $0xC  }
0xdb: {  	[smem:$0x9D] =	sst s23;
	s24 =	spop (v2sf);
	(v2sf) =	vpush v53, $0xD  }
0xdc: {  	[smem:$0x9E] =	sst s24;
	s25 =	spop (v2sf);
	(v2sf) =	vpush v53, $0xE  }
0xdd: {  	[smem:$0x9F] =	sst s25;
	s26 =	spop (v2sf)  }
0xde: {  	[smem:$0xA0] =	sst s26;
	s29 =	spop (v2sf);
	(v2sf) =	vpush v53, $0xF  }
0xdf: {  	[smem:$0xA1] =	sst s29;
	s30 =	spop (v2sf)  }
0xe0: {  	[smem:$0xA2] =	sst s30;
	s31 =	spop (v2sf)  }
0xe1: {  	[smem:$0xA3] =	sst s31;
	s2 =	spop (v2sf)  }
0xe2: {  	[smem:$0xA4] =	sst s2;
	s16 =	spop (v2sf)  }
0xe3: {  	[smem:$0xA5] =	sst s16;
	s21 =	spop (v2sf)  }
0xe4: {  	[smem:$0xA6] =	sst s21;
	s22 =	spop (v2sf)  }
0xe5: {  	[smem:$0xA7] =	sst s22;
	s23 =	spop (v2sf)  }
0xe6: {  	[smem:$0xA8] =	sst s23;
	s24 =	spop (v2sf)  }
0xe7: {  	[smem:$0xA9] =	sst s24;
	s25 =	spop (v2sf)  }
0xe8: {  	[smem:$0xAA] =	sst s25;
	s26 =	spop (v2sf)  }
0xe9: {  	[smem:$0xAB] =	sst s26;
	s29 =	spop (v2sf)  }
0xea: {  	[smem:$0xAC] =	sst s29;
	s30 =	spop (v2sf)  }
0xeb: {  	[smem:$0xAD] =	sst s30;
	s31 =	spop (v2sf)  }
0xec: {  	[smem:$0xAE] =	sst s31  }
0xed: {  	s0 =	spop (v2sf)  }
0xee: {  	v54 =	vld [tilespmem:$0xB0];
	_ =	sdelay $0x4  }
0xef: {  	(v2sf) =	vpush v54, $0x0  }
0xf0: {  	(v2sf) =	vpush v54, $0x1  }
0xf1: {  	(v2sf) =	vpush v54, $0x2  }
0xf2: {  	(v2sf) =	vpush v54, $0x3  }
0xf3: {  	(v2sf) =	vpush v54, $0x4  }
0xf4: {  	(v2sf) =	vpush v54, $0x5  }
0xf5: {  	(v2sf) =	vpush v54, $0x6  }
0xf6: {  	(v2sf) =	vpush v54, $0x7  }
0xf7: {  	(v2sf) =	vpush v54, $0x8  }
0xf8: {  	(v2sf) =	vpush v54, $0x9  }
0xf9: {  	(v2sf) =	vpush v54, $0xA  }
0xfa: {  	v55 =	vld [tilespmem:$0xC0];
	(v2sf) =	vpush v54, $0xB  }
0xfb: {  	(v2sf) =	vpush v54, $0xC  }
0xfc: {  	(v2sf) =	vpush v54, $0xD  }
0xfd: {  	(v2sf) =	vpush v54, $0xE  }
0xfe: {  	[smem:$0xAF] =	sst s0;
	s2 =	spop (v2sf);
	(v2sf) =	vpush v54, $0xF  }
0xff: {  	[smem:$0xB0] =	sst s2;
	s16 =	spop (v2sf);
	(v2sf) =	vpush v55, $0x0  }
0x100: {  	[smem:$0xB1] =	sst s16;
	s21 =	spop (v2sf);
	(v2sf) =	vpush v55, $0x1  }
0x101: {  	[smem:$0xB2] =	sst s21;
	s22 =	spop (v2sf);
	(v2sf) =	vpush v55, $0x2  }
0x102: {  	[smem:$0xB3] =	sst s22;
	s23 =	spop (v2sf);
	(v2sf) =	vpush v55, $0x3  }
0x103: {  	[smem:$0xB4] =	sst s23;
	s24 =	spop (v2sf);
	(v2sf) =	vpush v55, $0x4  }
0x104: {  	[smem:$0xB5] =	sst s24;
	s25 =	spop (v2sf);
	(v2sf) =	vpush v55, $0x5  }
0x105: {  	[smem:$0xB6] =	sst s25;
	s26 =	spop (v2sf);
	(v2sf) =	vpush v55, $0x6  }
0x106: {  	[smem:$0xB7] =	sst s26;
	s29 =	spop (v2sf);
	(v2sf) =	vpush v55, $0x7  }
0x107: {  	[smem:$0xB8] =	sst s29;
	s30 =	spop (v2sf);
	(v2sf) =	vpush v55, $0x8  }
0x108: {  	[smem:$0xB9] =	sst s30;
	s31 =	spop (v2sf);
	(v2sf) =	vpush v55, $0x9  }
0x109: {  	[smem:$0xBA] =	sst s31;
	s2 =	spop (v2sf);
	(v2sf) =	vpush v55, $0xA  }
0x10a: {  	v56 =	vld [tilespmem:$0xD0];
	[smem:$0xBB] =	sst s2;
	s16 =	spop (v2sf);
	(v2sf) =	vpush v55, $0xB  }
0x10b: {  	[smem:$0xBC] =	sst s16;
	s21 =	spop (v2sf);
	(v2sf) =	vpush v55, $0xC  }
0x10c: {  	[smem:$0xBD] =	sst s21;
	s22 =	spop (v2sf);
	(v2sf) =	vpush v55, $0xD  }
0x10d: {  	[smem:$0xBE] =	sst s22;
	s23 =	spop (v2sf);
	(v2sf) =	vpush v55, $0xE  }
0x10e: {  	[smem:$0xBF] =	sst s23;
	s24 =	spop (v2sf);
	(v2sf) =	vpush v55, $0xF  }
0x10f: {  	[smem:$0xC0] =	sst s24;
	s25 =	spop (v2sf);
	(v2sf) =	vpush v56, $0x0  }
0x110: {  	[smem:$0xC1] =	sst s25;
	s26 =	spop (v2sf);
	(v2sf) =	vpush v56, $0x1  }
0x111: {  	[smem:$0xC2] =	sst s26;
	s29 =	spop (v2sf);
	(v2sf) =	vpush v56, $0x2  }
0x112: {  	[smem:$0xC3] =	sst s29;
	s30 =	spop (v2sf);
	(v2sf) =	vpush v56, $0x3  }
0x113: {  	[smem:$0xC4] =	sst s30;
	s31 =	spop (v2sf);
	(v2sf) =	vpush v56, $0x4  }
0x114: {  	[smem:$0xC5] =	sst s31;
	s2 =	spop (v2sf);
	(v2sf) =	vpush v56, $0x5  }
0x115: {  	[smem:$0xC6] =	sst s2;
	s16 =	spop (v2sf);
	(v2sf) =	vpush v56, $0x6  }
0x116: {  	[smem:$0xC7] =	sst s16;
	s21 =	spop (v2sf);
	(v2sf) =	vpush v56, $0x7  }
0x117: {  	[smem:$0xC8] =	sst s21;
	s22 =	spop (v2sf);
	(v2sf) =	vpush v56, $0x8  }
0x118: {  	[smem:$0xC9] =	sst s22;
	s23 =	spop (v2sf);
	(v2sf) =	vpush v56, $0x9  }
0x119: {  	[smem:$0xCA] =	sst s23;
	s24 =	spop (v2sf);
	(v2sf) =	vpush v56, $0xA  }
0x11a: {  	v57 =	vld [tilespmem:$0xE0];
	[smem:$0xCB] =	sst s24;
	s25 =	spop (v2sf);
	(v2sf) =	vpush v56, $0xB  }
0x11b: {  	[smem:$0xCC] =	sst s25;
	s26 =	spop (v2sf);
	(v2sf) =	vpush v56, $0xC  }
0x11c: {  	[smem:$0xCD] =	sst s26;
	s29 =	spop (v2sf);
	(v2sf) =	vpush v56, $0xD  }
0x11d: {  	[smem:$0xCE] =	sst s29;
	s30 =	spop (v2sf);
	(v2sf) =	vpush v56, $0xE  }
0x11e: {  	[smem:$0xCF] =	sst s30;
	s31 =	spop (v2sf);
	(v2sf) =	vpush v56, $0xF  }
0x11f: {  	[smem:$0xD0] =	sst s31;
	s2 =	spop (v2sf);
	(v2sf) =	vpush v57, $0x0  }
0x120: {  	[smem:$0xD1] =	sst s2;
	s16 =	spop (v2sf);
	(v2sf) =	vpush v57, $0x1  }
0x121: {  	[smem:$0xD2] =	sst s16;
	s21 =	spop (v2sf);
	(v2sf) =	vpush v57, $0x2  }
0x122: {  	[smem:$0xD3] =	sst s21;
	s22 =	spop (v2sf);
	(v2sf) =	vpush v57, $0x3  }
0x123: {  	[smem:$0xD4] =	sst s22;
	s23 =	spop (v2sf);
	(v2sf) =	vpush v57, $0x4  }
0x124: {  	[smem:$0xD5] =	sst s23;
	s24 =	spop (v2sf);
	(v2sf) =	vpush v57, $0x5  }
0x125: {  	[smem:$0xD6] =	sst s24;
	s25 =	spop (v2sf);
	(v2sf) =	vpush v57, $0x6  }
0x126: {  	[smem:$0xD7] =	sst s25;
	s26 =	spop (v2sf);
	(v2sf) =	vpush v57, $0x7  }
0x127: {  	[smem:$0xD8] =	sst s26;
	s29 =	spop (v2sf);
	(v2sf) =	vpush v57, $0x8  }
0x128: {  	[smem:$0xD9] =	sst s29;
	s30 =	spop (v2sf);
	(v2sf) =	vpush v57, $0x9  }
0x129: {  	[smem:$0xDA] =	sst s30;
	s31 =	spop (v2sf);
	(v2sf) =	vpush v57, $0xA  }
0x12a: {  	v58 =	vld [tilespmem:$0xF0];
	[smem:$0xDB] =	sst s31;
	s2 =	spop (v2sf);
	(v2sf) =	vpush v57, $0xB  }
0x12b: {  	[smem:$0xDC] =	sst s2;
	s16 =	spop (v2sf);
	(v2sf) =	vpush v57, $0xC  }
0x12c: {  	[smem:$0xDD] =	sst s16;
	s21 =	spop (v2sf);
	(v2sf) =	vpush v57, $0xD  }
0x12d: {  	[smem:$0xDE] =	sst s21;
	s22 =	spop (v2sf);
	(v2sf) =	vpush v57, $0xE  }
0x12e: {  	[smem:$0xDF] =	sst s22;
	s23 =	spop (v2sf);
	(v2sf) =	vpush v57, $0xF  }
0x12f: {  	[smem:$0xE0] =	sst s23;
	s24 =	spop (v2sf);
	(v2sf) =	vpush v58, $0x0  }
0x130: {  	[smem:$0xE1] =	sst s24;
	s25 =	spop (v2sf);
	(v2sf) =	vpush v58, $0x1  }
0x131: {  	[smem:$0xE2] =	sst s25;
	s26 =	spop (v2sf);
	(v2sf) =	vpush v58, $0x2  }
0x132: {  	[smem:$0xE3] =	sst s26;
	s29 =	spop (v2sf);
	(v2sf) =	vpush v58, $0x3  }
0x133: {  	[smem:$0xE4] =	sst s29;
	s30 =	spop (v2sf);
	(v2sf) =	vpush v58, $0x4  }
0x134: {  	[smem:$0xE5] =	sst s30;
	s31 =	spop (v2sf);
	(v2sf) =	vpush v58, $0x5  }
0x135: {  	[smem:$0xE6] =	sst s31;
	s2 =	spop (v2sf);
	(v2sf) =	vpush v58, $0x6  }
0x136: {  	[smem:$0xE7] =	sst s2;
	s16 =	spop (v2sf);
	(v2sf) =	vpush v58, $0x7  }
0x137: {  	[smem:$0xE8] =	sst s16;
	s21 =	spop (v2sf);
	(v2sf) =	vpush v58, $0x8  }
0x138: {  	[smem:$0xE9] =	sst s21;
	s22 =	spop (v2sf);
	(v2sf) =	vpush v58, $0x9  }
0x139: {  	[smem:$0xEA] =	sst s22;
	s23 =	spop (v2sf);
	(v2sf) =	vpush v58, $0xA  }
0x13a: {  	v59 =	vld [tilespmem:$0x100];
	[smem:$0xEB] =	sst s23;
	s24 =	spop (v2sf);
	(v2sf) =	vpush v58, $0xB  }
0x13b: {  	[smem:$0xEC] =	sst s24;
	s25 =	spop (v2sf);
	(v2sf) =	vpush v58, $0xC  }
0x13c: {  	[smem:$0xED] =	sst s25;
	s26 =	spop (v2sf);
	(v2sf) =	vpush v58, $0xD  }
0x13d: {  	[smem:$0xEE] =	sst s26;
	s29 =	spop (v2sf);
	(v2sf) =	vpush v58, $0xE  }
0x13e: {  	[smem:$0xEF] =	sst s29;
	s30 =	spop (v2sf);
	(v2sf) =	vpush v58, $0xF  }
0x13f: {  	[smem:$0xF0] =	sst s30;
	s31 =	spop (v2sf);
	(v2sf) =	vpush v59, $0x0  }
0x140: {  	[smem:$0xF1] =	sst s31;
	s2 =	spop (v2sf);
	(v2sf) =	vpush v59, $0x1  }
0x141: {  	[smem:$0xF2] =	sst s2;
	s16 =	spop (v2sf);
	(v2sf) =	vpush v59, $0x2  }
0x142: {  	[smem:$0xF3] =	sst s16;
	s21 =	spop (v2sf);
	(v2sf) =	vpush v59, $0x3  }
0x143: {  	[smem:$0xF4] =	sst s21;
	s22 =	spop (v2sf);
	(v2sf) =	vpush v59, $0x4  }
0x144: {  	[smem:$0xF5] =	sst s22;
	s23 =	spop (v2sf);
	(v2sf) =	vpush v59, $0x5  }
0x145: {  	[smem:$0xF6] =	sst s23;
	s24 =	spop (v2sf);
	(v2sf) =	vpush v59, $0x6  }
0x146: {  	[smem:$0xF7] =	sst s24;
	s25 =	spop (v2sf);
	(v2sf) =	vpush v59, $0x7  }
0x147: {  	[smem:$0xF8] =	sst s25;
	s26 =	spop (v2sf);
	(v2sf) =	vpush v59, $0x8  }
0x148: {  	[smem:$0xF9] =	sst s26;
	s29 =	spop (v2sf);
	(v2sf) =	vpush v59, $0x9  }
0x149: {  	[smem:$0xFA] =	sst s29;
	s30 =	spop (v2sf);
	(v2sf) =	vpush v59, $0xA  }
0x14a: {  	v60 =	vld [tilespmem:$0x110];
	[smem:$0xFB] =	sst s30;
	s31 =	spop (v2sf);
	(v2sf) =	vpush v59, $0xB  }
0x14b: {  	[smem:$0xFC] =	sst s31;
	s2 =	spop (v2sf);
	(v2sf) =	vpush v59, $0xC  }
0x14c: {  	[smem:$0xFD] =	sst s2;
	s16 =	spop (v2sf);
	(v2sf) =	vpush v59, $0xD  }
0x14d: {  	[smem:$0xFE] =	sst s16;
	s21 =	spop (v2sf);
	(v2sf) =	vpush v59, $0xE  }
0x14e: {  	[smem:$0xFF] =	sst s21;
	s22 =	spop (v2sf);
	(v2sf) =	vpush v59, $0xF  }
0x14f: {  	[smem:$0x100] =	sst s22;
	s23 =	spop (v2sf);
	(v2sf) =	vpush v60, $0x0  }
0x150: {  	[smem:$0x101] =	sst s23;
	s24 =	spop (v2sf);
	(v2sf) =	vpush v60, $0x1  }
0x151: {  	[smem:$0x102] =	sst s24;
	s25 =	spop (v2sf);
	(v2sf) =	vpush v60, $0x2  }
0x152: {  	[smem:$0x103] =	sst s25;
	s26 =	spop (v2sf);
	(v2sf) =	vpush v60, $0x3  }
0x153: {  	[smem:$0x104] =	sst s26;
	s29 =	spop (v2sf);
	(v2sf) =	vpush v60, $0x4  }
0x154: {  	[smem:$0x105] =	sst s29;
	s30 =	spop (v2sf);
	(v2sf) =	vpush v60, $0x5  }
0x155: {  	[smem:$0x106] =	sst s30;
	s31 =	spop (v2sf);
	(v2sf) =	vpush v60, $0x6  }
0x156: {  	[smem:$0x107] =	sst s31;
	s2 =	spop (v2sf);
	(v2sf) =	vpush v60, $0x7  }
0x157: {  	[smem:$0x108] =	sst s2;
	s16 =	spop (v2sf);
	(v2sf) =	vpush v60, $0x8  }
0x158: {  	[smem:$0x109] =	sst s16;
	s21 =	spop (v2sf);
	(v2sf) =	vpush v60, $0x9  }
0x159: {  	[smem:$0x10A] =	sst s21;
	s22 =	spop (v2sf);
	(v2sf) =	vpush v60, $0xA  }
0x15a: {  	v61 =	vld [tilespmem:$0x120];
	[smem:$0x10B] =	sst s22;
	s23 =	spop (v2sf);
	(v2sf) =	vpush v60, $0xB  }
0x15b: {  	[smem:$0x10C] =	sst s23;
	s24 =	spop (v2sf);
	(v2sf) =	vpush v60, $0xC  }
0x15c: {  	[smem:$0x10D] =	sst s24;
	s25 =	spop (v2sf);
	(v2sf) =	vpush v60, $0xD  }
0x15d: {  	[smem:$0x10E] =	sst s25;
	s26 =	spop (v2sf);
	(v2sf) =	vpush v60, $0xE  }
0x15e: {  	[smem:$0x10F] =	sst s26;
	s29 =	spop (v2sf);
	(v2sf) =	vpush v60, $0xF  }
0x15f: {  	[smem:$0x110] =	sst s29;
	s30 =	spop (v2sf);
	(v2sf) =	vpush v61, $0x0  }
0x160: {  	[smem:$0x111] =	sst s30;
	s31 =	spop (v2sf);
	(v2sf) =	vpush v61, $0x1  }
0x161: {  	[smem:$0x112] =	sst s31;
	s2 =	spop (v2sf);
	(v2sf) =	vpush v61, $0x2  }
0x162: {  	[smem:$0x113] =	sst s2;
	s16 =	spop (v2sf);
	(v2sf) =	vpush v61, $0x3  }
0x163: {  	[smem:$0x114] =	sst s16;
	s21 =	spop (v2sf);
	(v2sf) =	vpush v61, $0x4  }
0x164: {  	[smem:$0x115] =	sst s21;
	s22 =	spop (v2sf);
	(v2sf) =	vpush v61, $0x5  }
0x165: {  	[smem:$0x116] =	sst s22;
	s23 =	spop (v2sf);
	(v2sf) =	vpush v61, $0x6  }
0x166: {  	[smem:$0x117] =	sst s23;
	s24 =	spop (v2sf);
	(v2sf) =	vpush v61, $0x7  }
0x167: {  	[smem:$0x118] =	sst s24;
	s25 =	spop (v2sf);
	(v2sf) =	vpush v61, $0x8  }
0x168: {  	[smem:$0x119] =	sst s25;
	s26 =	spop (v2sf);
	(v2sf) =	vpush v61, $0x9  }
0x169: {  	[smem:$0x11A] =	sst s26;
	s29 =	spop (v2sf);
	(v2sf) =	vpush v61, $0xA  }
0x16a: {  	v62 =	vld [tilespmem:$0x130];
	[smem:$0x11B] =	sst s29;
	s30 =	spop (v2sf);
	(v2sf) =	vpush v61, $0xB  }
0x16b: {  	[smem:$0x11C] =	sst s30;
	s31 =	spop (v2sf);
	(v2sf) =	vpush v61, $0xC  }
0x16c: {  	[smem:$0x11D] =	sst s31;
	s2 =	spop (v2sf);
	(v2sf) =	vpush v61, $0xD  }
0x16d: {  	[smem:$0x11E] =	sst s2;
	s16 =	spop (v2sf);
	(v2sf) =	vpush v61, $0xE  }
0x16e: {  	[smem:$0x11F] =	sst s16;
	s21 =	spop (v2sf);
	(v2sf) =	vpush v61, $0xF  }
0x16f: {  	[smem:$0x120] =	sst s21;
	s22 =	spop (v2sf);
	(v2sf) =	vpush v62, $0x0  }
0x170: {  	[smem:$0x121] =	sst s22;
	s23 =	spop (v2sf);
	(v2sf) =	vpush v62, $0x1  }
0x171: {  	[smem:$0x122] =	sst s23;
	s24 =	spop (v2sf);
	(v2sf) =	vpush v62, $0x2  }
0x172: {  	[smem:$0x123] =	sst s24;
	s25 =	spop (v2sf);
	(v2sf) =	vpush v62, $0x3  }
0x173: {  	[smem:$0x124] =	sst s25;
	s26 =	spop (v2sf);
	(v2sf) =	vpush v62, $0x4  }
0x174: {  	[smem:$0x125] =	sst s26;
	s29 =	spop (v2sf);
	(v2sf) =	vpush v62, $0x5  }
0x175: {  	[smem:$0x126] =	sst s29;
	s30 =	spop (v2sf);
	(v2sf) =	vpush v62, $0x6  }
0x176: {  	[smem:$0x127] =	sst s30;
	s31 =	spop (v2sf);
	(v2sf) =	vpush v62, $0x7  }
0x177: {  	[smem:$0x128] =	sst s31;
	s2 =	spop (v2sf);
	(v2sf) =	vpush v62, $0x8  }
0x178: {  	[smem:$0x129] =	sst s2;
	s16 =	spop (v2sf);
	(v2sf) =	vpush v62, $0x9  }
0x179: {  	[smem:$0x12A] =	sst s16;
	s21 =	spop (v2sf);
	(v2sf) =	vpush v62, $0xA  }
0x17a: {  	v63 =	vld [tilespmem:$0x140];
	[smem:$0x12B] =	sst s21;
	s22 =	spop (v2sf);
	(v2sf) =	vpush v62, $0xB  }
0x17b: {  	[smem:$0x12C] =	sst s22;
	s23 =	spop (v2sf);
	(v2sf) =	vpush v62, $0xC  }
0x17c: {  	[smem:$0x12D] =	sst s23;
	s24 =	spop (v2sf);
	(v2sf) =	vpush v62, $0xD  }
0x17d: {  	[smem:$0x12E] =	sst s24;
	s25 =	spop (v2sf);
	(v2sf) =	vpush v62, $0xE  }
0x17e: {  	(v2sf) =	vpush v62, $0xF;
	s2 =	spop (v2sf);
	[smem:$0x12F] =	sst s25  }
0x17f: {  	[smem:$0x130] =	sst s2;
	s26 =	spop (v2sf);
	(v2sf) =	vpush v63, $0x0  }
0x180: {  	[smem:$0x131] =	sst s26;
	s29 =	spop (v2sf);
	(v2sf) =	vpush v63, $0x1  }
0x181: {  	[smem:$0x132] =	sst s29;
	s30 =	spop (v2sf);
	(v2sf) =	vpush v63, $0x2  }
0x182: {  	[smem:$0x133] =	sst s30;
	s31 =	spop (v2sf);
	(v2sf) =	vpush v63, $0x3  }
0x183: {  	[smem:$0x134] =	sst s31;
	s2 =	spop (v2sf);
	(v2sf) =	vpush v63, $0x4  }
0x184: {  	[smem:$0x135] =	sst s2;
	s16 =	spop (v2sf);
	(v2sf) =	vpush v63, $0x5  }
0x185: {  	[smem:$0x136] =	sst s16;
	s21 =	spop (v2sf);
	(v2sf) =	vpush v63, $0x6  }
0x186: {  	[smem:$0x137] =	sst s21;
	s22 =	spop (v2sf);
	(v2sf) =	vpush v63, $0x7  }
0x187: {  	[smem:$0x138] =	sst s22;
	s23 =	spop (v2sf);
	(v2sf) =	vpush v63, $0x8  }
0x188: {  	[smem:$0x139] =	sst s23;
	s24 =	spop (v2sf);
	(v2sf) =	vpush v63, $0x9  }
0x189: {  	[smem:$0x13A] =	sst s24;
	s25 =	spop (v2sf);
	(v2sf) =	vpush v63, $0xA  }
0x18a: {  	[smem:$0x13B] =	sst s25;
	s26 =	spop (v2sf);
	(v2sf) =	vpush v63, $0xB  }
0x18b: {  	[smem:$0x13C] =	sst s26;
	s29 =	spop (v2sf);
	(v2sf) =	vpush v63, $0xC  }
0x18c: {  	[smem:$0x13D] =	sst s29;
	s30 =	spop (v2sf);
	(v2sf) =	vpush v63, $0xD  }
0x18d: {  	[smem:$0x13E] =	sst s30;
	s31 =	spop (v2sf);
	(v2sf) =	vpush v63, $0xE  }
0x18e: {  	[smem:$0x13F] =	sst s31;
	s2 =	spop (v2sf);
	(v2sf) =	vpush v63, $0xF  }
0x18f: {  	s16 =	spop (v2sf);
	[smem:$0x140] =	sst s2  }
0x190: {  	s21 =	spop (v2sf);
	[smem:$0x141] =	sst s16  }
0x191: {  	s22 =	spop (v2sf);
	[smem:$0x142] =	sst s21  }
0x192: {  	s23 =	spop (v2sf);
	[smem:$0x143] =	sst s22  }
0x193: {  	s24 =	spop (v2sf);
	[smem:$0x144] =	sst s23  }
0x194: {  	s25 =	spop (v2sf);
	[smem:$0x145] =	sst s24  }
0x195: {  	s26 =	spop (v2sf);
	[smem:$0x146] =	sst s25  }
0x196: {  	s29 =	spop (v2sf);
	[smem:$0x147] =	sst s26  }
0x197: {  	s30 =	spop (v2sf);
	[smem:$0x148] =	sst s29  }
0x198: {  	s31 =	spop (v2sf);
	[smem:$0x149] =	sst s30  }
0x199: {  	s16 =	spop (v2sf);
	[smem:$0x14A] =	sst s31  }
0x19a: {  	s21 =	spop (v2sf);
	[smem:$0x14B] =	sst s16  }
0x19b: {  	s22 =	spop (v2sf);
	[smem:$0x14C] =	sst s21  }
0x19c: {  	s23 =	spop (v2sf);
	[smem:$0x14D] =	sst s22  }
0x19d: {  	[smem:$0x14E] =	sst s23;
	s24 =	spop (v2sf)  }
0x19e: {  	[smem:$0x14F] =	sst s24  }
0x19f: {  	[spmem:s12], [sflag:s11] =	dma.local [hbm:s8], $0x2800  }
0x1a0: {  	_ =	swait.ge [sflag:s10], $0x2800  }
0x1a1: {  	[sflag:s10] =	ssyncset.done $0x0  }
0x1a2: {  	[sflag:s10] =	ssyncadd.s32 $0xFFFFD800  }
0x1a3: {  	[bflag:$0x0] =	sbarrier.arrive $0xFFFF  }
0x1a4: {  	s28 =	sld [smem:$0x0];
	_ =	sdelay $0x2  }
0x1a5: {  	s25 =	sand.u32 $0xF, s28  }
0x1a6: {  	s26 =	sshra.s32 s28, $0x1F;
	p0 =	slt.s32 s28, $0x1;
	p1 =	sne.s32 s25, $0x0  }
0x1a7: {  	s29 =	sshrl.u32 s26, $0x1C;
	p0 =	por !p0, !p1  }
0x1a8: {  	s2 =	simm.s32 $0x1;
	s0 =	sadd.s32 s29, s28;
	p0 =	por !p0, !p0  }
0x1a9: {  	s0 =	sshrl.u32 s0, $0x4;
	s2 =	simm.s32 @!p0 $0x0  }
0x1aa: {  	s0 =	ssub.s32 s0, s2  }
0x1ab: {  	s21 =	sshll.u32 s0, $0x4  }
0x1ac: {  	s0 =	sshrl.u32 s21, $0x3  }
0x1ad: {  	s0 =	sadd.s32 s1, s0  }
0x1ae: {  	[tilespmem:s14], [sflag:$0x2] =	stream.linear.gather [hbm4b:s0+s5], $0x80, $0x38;
	[tilespmem:$0x1CA80] =	vst v63  }
0x1af: {  	s30 =	simm.s32 $0x80;
	s25 =	simm.s32 $0xFFFFFFFF;
	_ =	swait.ge [sflag:s15], $0x80  }
.Ltmp2:
0x1b0: {  	s31 =	sadd.s32 $0x80, s21;
	[sflag:s15] =	ssyncset.done $0x0;
	(pc) =	sbr.rel .LBB2_2-.Ltmp2, $4  }
0x1b1: {  	s26 =	simm.s32 $0x0;
	s0 =	sshrl.u32 s31, $0x3;
	[sflag:s15] =	ssyncadd.s32 $0xFFFFFF80  }
0x1b2: {  	[tilespmem:s17], [sflag:$0x1] =	stream.indirect.gather [spmem:s4], $0x80, s14, s30, $0xb8;
	[tilespmem:$0x1CA80] =	vst v63  }
0x1b3: {  	s22 =	sadd.s32 $0x100, s21;
	s23 =	ssub.s32 $0x0, s21;
	s0 =	sadd.s32 s1, s0  }
0x1b4: {  	[tilespmem:s18], [sflag:$0x2] =	stream.linear.gather [hbm4b:s0+s5], $0x80, $0x38;
	[tilespmem:$0x1CA80] =	vst v63  }
.LBB2_3:
0x1b5: {  	v7 =	vimm.f32 $-Inf  }
0x1b6: {  	v5 =	vimm.f32 $-Inf;
	v4 =	vimm.f32 $-Inf;
	v3 =	vimm.f32 $-Inf  }
0x1b7: {  	v2 =	vimm.f32 $-Inf;
	v1 =	vimm.f32 $-Inf;
	v0 =	vimm.f32 $-Inf  }
.LBB2_10:
0x1b8: {  	vm0 =	vlt.f32 v6, $-Inf;
	vm1 =	vgt.f32 v6, $-Inf  }
0x1b9: {  	s0 =	sshll.u32 s26, $0x7;
	vm13 =	vlt.f32 v7, $-Inf;
	vm2 =	vgt.f32 v7, $-Inf;
	vm14 =	vlt.f32 v5, $-Inf  }
0x1ba: {  	s2 =	sand.u32 $0x7, s26;
	vm3 =	vgt.f32 v5, $-Inf;
	vm4 =	vlt.f32 v4, $-Inf;
	vm5 =	vgt.f32 v4, $-Inf;
	s0 =	sand.u32 $0x400, s0  }
0x1bb: {  	vm6 =	vlt.f32 v3, $-Inf;
	vm7 =	vgt.f32 v3, $-Inf;
	vm0 =	vmor vm1, vm0;
	s16 =	sshll.u32 s2, $0x7;
	s0 =	sor.u32 $0x8280, s0  }
0x1bc: {  	vm8 =	vlt.f32 v2, $-Inf;
	vm1 =	vmor vm2, vm13;
	v56 =	vnsel vm0, $0x0, v6;
	s16 =	sadd.s32 s16, s0  }
0x1bd: {  	vm9 =	vgt.f32 v2, $-Inf;
	vm15 =	vmor vm3, vm14;
	v57 =	vnsel vm1, $0x0, v7;
	[tilespmem:s16+$0x0] =	vst v56  }
0x1be: {  	vm11 =	vlt.f32 v1, $-Inf;
	v58 =	vnsel vm15, $0x0, v5;
	vm0 =	vmor vm5, vm4;
	[tilespmem:s16+$0x10] =	vst v57  }
0x1bf: {  	vm10 =	vmor vm9, vm8;
	vm1 =	vmor vm7, vm6;
	v59 =	vnsel vm0, $0x0, v4;
	[tilespmem:s16+$0x20] =	vst v58  }
0x1c0: {  	vm13 =	vlt.f32 v0, $-Inf;
	vm14 =	vgt.f32 v0, $-Inf;
	v60 =	vnsel vm1, $0x0, v3;
	[tilespmem:s16+$0x30] =	vst v59  }
0x1c1: {  	vm12 =	vgt.f32 v1, $-Inf;
	p0 =	sne.s32 s2, $0x7;
	v61 =	vnsel vm10, $0x0, v2;
	vm15 =	vmor vm14, vm13;
	[tilespmem:s16+$0x40] =	vst v60  }
0x1c2: {  	p1 =	slt.u32 @!p0 s26, $0x10;
	vm0 =	vmor vm12, vm11;
	v63 =	vnsel vm15, $0x0, v0;
	[tilespmem:s16+$0x50] =	vst v61  }
0x1c3: {  	s2 =	sshrl.u32 s26, $0x3;
	p1 =	por p1, p0;
	v62 =	vnsel vm0, $0x0, v1;
	[tilespmem:s16+$0x70] =	vst v63  }
0x1c4: {  	s2 =	sadd.s32 @!p0 s6, s2;
	[tilespmem:s16+$0x60] =	vst v62;
	s16 =	simm.s32 @!p1 $0x3  }
0x1c5: {  	s2 =	sshll.u32 @!p0 s2, $0x7;
	_ =	swait.ge @!p1 [sflag:s16], $0x400  }
0x1c6: {  	s26 =	sadd.s32 $0x1, s26;
	s2 =	sand.u32 @!p0 $0x1FFFFF80, s2;
	[sflag:s16] =	ssyncset.done @!p1 $0x0  }
0x1c7: {  	s2 =	sadd.s32 @!p0 s3, s2;
	[sflag:s16] =	ssyncadd.s32 @!p1 $0xFFFFFC00;
	s16 =	simm.s32 @!p0 $0x0  }
0x1c8: {  	[hbm4b:s2+s16] =	stream.linear.scatter @!p0 [tilespmem:s0], [sflag:$0x3], $0x400, $0x38;
	[tilespmem:$0x1CA80] =	vst v63  }
0x1c9: {  	p0 =	sne.s32 s26, $0x140  }
.Ltmp3:
0x1ca: {  	_ = 	snop;
	(pc) =	sbr.rel @!p0 .LBB2_11-.Ltmp3, $2  }
0x1cb: {  	_ =	sdelay $0x2  }
0x1cc: {  	s28 =	smov.u32 s24  }
.LBB2_2:
0x1cd: {  	s24 =	sld [smem:s26+$0x1];
	s0 =	ssub.s32 s28, s21  }
0x1ce: {  	p0 =	sne.s32 s28, s21;
	s29 =	simm.s32 $0x1;
	s2 =	sshra.s32 s0, $0x1F  }
0x1cf: {  	s29 =	simm.s32 @!p0 $0x0;
	s30 =	sshrl.u32 s2, $0x19  }
0x1d0: {  	s2 =	sor.u32 s29, s2;
	s29 =	simm.s32 $0x1;
	s30 =	sadd.s32 s30, s0  }
0x1d1: {  	s0 =	sand.u32 $0x7F, s0;
	p4 =	sne.s32 s2, $0x1;
	s31 =	ssub.s32 s24, s21  }
0x1d2: {  	p1 =	sne.s32 s0, $0x0;
	s0 =	sshra.s32 s30, $0x7;
	s2 =	sadd.s32 $0x7F, s31  }
0x1d3: {  	p0 =	por !p1, !p4;
	s16 =	sand.u32 $0x7F, s2;
	s31 =	sshra.s32 s2, $0x1F  }
0x1d4: {  	p6 =	slt.s32 s2, $0x1;
	p2 =	por !p0, !p0;
	p5 =	sne.s32 s16, $0x0  }
0x1d5: {  	s30 =	sshrl.u32 s31, $0x19;
	s31 =	simm.s32 $0x1;
	p0 =	por !p6, !p5  }
0x1d6: {  	s29 =	simm.s32 @!p2 $0x0;
	s30 =	sadd.s32 s30, s2;
	p0 =	por !p0, !p0  }
0x1d7: {  	s2 =	ssub.s32 s0, s29;
	s29 =	sshra.s32 s30, $0x7;
	s31 =	simm.s32 @!p0 $0x0  }
0x1d8: {  	p0 =	sgt.s32 s24, s28;
	s30 =	ssub.s32 s29, s31;
	s29 =	smov.u32 s2  }
0x1d9: {  	s29 =	smov.u32 @p0 s30  }
0x1da: {  	p0 =	sge.s32 s2, s29  }
.Ltmp4:
0x1db: {  	_ = 	snop;
	(pc) =	sbr.rel @p0 .LBB2_3-.Ltmp4, $2  }
0x1dc: {  	_ =	sdelay $0x2  }
0x1dd: {  	v6 =	vimm.f32 $-Inf  }
.Ltmp5:
0x1de: {  	(pc) =	sbr.rel .LBB2_5-.Ltmp5, $4  }
0x1df: {  	s0 =	sand.u32 $0x1, s0  }
0x1e0: {  	v0 =	vimm.f32 $-Inf;
	v1 =	vimm.f32 $-Inf;
	p3 =	seq.s32 s0, $0x1  }
0x1e1: {  	s31 =	sadd.s32 s28, s23;
	s30 =	sshll.u32 s2, $0x7;
	v2 =	vimm.f32 $-Inf;
	v3 =	vimm.f32 $-Inf;
	v4 =	vimm.f32 $-Inf;
	p0 =	por !p3, !p3  }
0x1e2: {  	p1 =	seq.s32 s2, s25;
	v5 =	vimm.f32 $-Inf;
	v7 =	vimm.f32 $-Inf;
	v6 =	vimm.f32 $-Inf;
	s30 =	ssub.s32 s31, s30;
	p0 =	por @!p2 p3, p3  }
.LBB2_8:
0x1e3: {  	v4 =	vmax.f32 v4, v9;
	v3 =	vmax.f32 v3, v8  }
0x1e4: {  	v2 =	vmax.f32 v2, v10;
	v1 =	vmax.f32 v1, v11;
	v6 =	vmax.f32 v6, v12  }
.LBB2_9:
0x1e5: {  	s2 =	sadd.s32 $0x1, s25  }
0x1e6: {  	p2 =	slt.s32 s2, s29  }
.Ltmp6:
0x1e7: {  	_ = 	snop;
	(pc) =	sbr.rel @!p2 .LBB2_10-.Ltmp6, $2  }
0x1e8: {  	_ =	sdelay $0x2  }
0x1e9: {  	p0 =	por !p0, !p0;
	s30 =	sadd.s32 $0xFFFFFF80, s30;
	p1 =	por $0x0, $0x0  }
.LBB2_5:
0x1ea: {  	s0 =	simm.s32 @!p1 $0x1  }
0x1eb: {  	_ =	swait.ge @!p1 [sflag:s0], $0x4000  }
0x1ec: {  	s25 =	smov.u32 s2;
	s2 =	sand.u32 $0x1, s2;
	[sflag:s0] =	ssyncset.done @!p1 $0x0  }
0x1ed: {  	s31 =	sxor.u32 @!p1 $0x1, s2;
	[sflag:s0] =	ssyncadd.s32 @!p1 $0xFFFFC000;
	s0 =	simm.s32 @!p1 $0x2  }
0x1ee: {  	s16 =	sshll.u32 @!p1 s31, $0x7;
	_ =	swait.ge @!p1 [sflag:s0], $0x80  }
0x1ef: {  	s31 =	sshll.u32 @!p1 s31, $0xE;
	s16 =	sadd.s32 @!p1 $0x180, s16;
	[sflag:s0] =	ssyncset.done @!p1 $0x0  }
0x1f0: {  	[sflag:s0] =	ssyncadd.s32 @!p1 $0xFFFFFF80;
	s0 =	sor.u32 @!p1 $0x280, s31;
	s31 =	simm.s32 @!p1 $0x80  }
0x1f1: {  	[tilespmem:s0], [sflag:$0x1] =	stream.indirect.gather @!p1 [spmem:s4], $0x80, s16, s31, $0xb8;
	[tilespmem:$0x1CA80] =	vst v63  }
0x1f2: {  	s0 =	sshll.u32 @!p1 s25, $0x7  }
0x1f3: {  	s16 =	sadd.s32 @!p1 s0, s22  }
0x1f4: {  	s2 =	sshll.u32 @!p1 s2, $0x7;
	s16 =	sshrl.u32 @!p1 s16, $0x3  }
0x1f5: {  	s2 =	sadd.s32 @!p1 $0x180, s2;
	s31 =	simm.s32 @!p1 $0x0;
	s16 =	sadd.s32 @!p1 s1, s16  }
0x1f6: {  	[tilespmem:s2], [sflag:$0x2] =	stream.linear.gather @!p1 [hbm4b:s16+s31], $0x80, $0x38;
	[tilespmem:$0x1CA80] =	vst v63  }
0x1f7: {  	s2 =	sshll.u32 @p1 s25, $0x7  }
0x1f8: {  	s0 =	smov.u32 @p1 s2  }
0x1f9: {  	s2 =	sadd.s32 s21, s0  }
0x1fa: {  	s0 =	ssub.s32 s28, s2;
	s31 =	ssub.s32 s24, s2  }
0x1fb: {  	p1 =	sgt.s32 s0, $0x0;
	p2 =	slt.s32 s31, $0x80  }
0x1fc: {  	s0 =	simm.s32 @!p1 $0x0;
	s31 =	simm.s32 @!p2 $0x80  }
0x1fd: {  	p1 =	sge.s32 s0, s31  }
.Ltmp7:
0x1fe: {  	_ = 	snop;
	(pc) =	sbr.rel @p1 .LBB2_9-.Ltmp7, $1  }
0x1ff: {  	_ =	sdelay $0x3  }
0x200: {  	s2 =	simm.s32 $0x1;
	p1 =	sgt.s32 s30, $0x0;
	s16 =	smov.u32 s30  }
0x201: {  	s2 =	simm.s32 @!p0 $0x0;
	s16 =	simm.s32 @!p1 $0x0  }
0x202: {  	s2 =	sshll.u32 s2, $0x10;
	s16 =	sshll.u32 s16, $0x9  }
0x203: {  	s2 =	sadd.s32 s16, s2  }
0x204: {  	s2 =	sshra.s32 s2, $0x2  }
0x205: {  	s16 =	sadd.s32 $0x2C0, s2  }
0x206: {  	v12 =	vld [tilespmem:s16+$0x30]  }
0x207: {  	v13 =	vld [tilespmem:s16+$0xFFFFFFD0]  }
0x208: {  	v14 =	vld [tilespmem:s16+$0xFFFFFFE0]  }
0x209: {  	v9 =	vld [tilespmem:s16+$0xFFFFFFF0]  }
0x20a: {  	s2 =	sadd.s32 $0x1, s0;
	v8 =	vld [tilespmem:s16+$0x0]  }
0x20b: {  	v10 =	vld [tilespmem:s16+$0x10];
	p1 =	slt.s32 s2, s31  }
.Ltmp8:
0x20c: {  	v11 =	vld [tilespmem:s16+$0x20];
	(pc) =	sbr.rel @!p1 .LBB2_8-.Ltmp8, $2  }
0x20d: {  	v0 =	vmax.f32 v0, v12;
	v12 =	vld [tilespmem:s16+$0xFFFFFFC0];
	_ =	sdelay $0x2  }
0x20e: {  	s0 =	sadd.s32 $0x80, s16;
	v7 =	vmax.f32 v7, v13;
	v5 =	vmax.f32 v5, v14  }
.LBB2_7:
0x20f: {  	v13 =	vld [tilespmem:s0+$0x30];
	s2 =	sadd.s32 $0x1, s2;
	v4 =	vmax.f32 v4, v9  }
0x210: {  	v3 =	vmax.f32 v3, v8;
	v14 =	vld [tilespmem:s0+$0xFFFFFFD0];
	p1 =	slt.s32 s2, s31  }
0x211: {  	v2 =	vmax.f32 v2, v10;
	v15 =	vld [tilespmem:s0+$0xFFFFFFE0]  }
.Ltmp9:
0x212: {  	v1 =	vmax.f32 v1, v11;
	v9 =	vld [tilespmem:s0+$0xFFFFFFF0];
	(pc) =	sbr.rel @p1 .LBB2_7-.Ltmp9, $4  }
0x213: {  	v6 =	vmax.f32 v6, v12;
	v8 =	vld [tilespmem:s0+$0x0]  }
0x214: {  	v10 =	vld [tilespmem:s0+$0x10];
	v0 =	vmax.f32 v0, v13  }
0x215: {  	v7 =	vmax.f32 v7, v14;
	v11 =	vld [tilespmem:s0+$0x20]  }
0x216: {  	v12 =	vld [tilespmem:s0+$0xFFFFFFC0];
	v5 =	vmax.f32 v5, v15;
	s0 =	sadd.s32 $0x80, s0  }
.Ltmp10:
0x217: {  	_ = 	snop;
	(pc) =	sbr.rel .LBB2_8-.Ltmp10, $1  }
0x218: {  	_ =	sdelay $0x3  }
.LBB2_12:
0x219: {  	_ =	sfence.sel $0x180000  }
0x21a: {  	[bflag:$0x0] =	sbarrier.arrive $0xFFFF  }
0x21b: {  	_ =	strace $0x90000047  }
0x21c: {  	s0 =	stileid.u32;
	[bflag:$0x2] =	sbarrier.arrive $0xFFFF  }
0x21d: {  	p0 =	sne.s32 s0, $0x0;
	s0 =	rddreg [dreg:$0x5]  }
0x21e: {  	s0 =	sadd.s32 @!p0 $0x100000, s0  }
0x21f: {  	[sflag:s0] =	ssyncadd.tile.s32 @!p0 $0x1;
	_ =	shalt  }
.Lfunc_end2:
_tile_overlayer_lowered:
.L_overlay_start_2:
0x220: {  	(tag) =	ssettag $0x2  }
0x221: {  	s0 =	rddreg [dreg:$0x0];
	s2 =	stileid.u32  }
0x222: {  	s1 =	rddreg [dreg:$0x1];
	p0 =	sne.s32 s2, $0x0  }
0x223: {  	s3 =	rddreg [dreg:$0x2];
	[bflag:$0x3] =	sbarrier.arrive $0xFFFF;
	s2 =	simm.s32 @!p0 $0x1C04  }
0x224: {  	[timem:s3], [sflag:s2] =	dma.local @!p0 [hbm:s0], s1  }
0x225: {  	s0 =	simm.s32 @!p0 $0x4  }
0x226: {  	_ =	swait.ge @!p0 [sflag:s0], s1  }
0x227: {  	s1 =	ssub.s32 @!p0 $0x0, s1;
	[sflag:s0] =	ssyncset.done @!p0 $0x0  }
0x228: {  	[sflag:s0] =	ssyncadd.s32 @!p0 s1  }
0x229: {  	[bflag:$0x3] =	sbarrier.arrive $0xFFFF  }
0x22a: {  	_ =	shalt  }

</sc_bundles>
